<compile_context>
chip_gen: v7x
topology: tpu7x:2x2x1
jax: 0.10.2.dev20260603
libtpu: 0.0.44.dev20260713+nightly
codegen_flags: <defaults>
</compile_context>

<pallas_src>
import functools

import jax
import jax.numpy as jnp
from jax import lax
from jax.experimental import pallas as pl
from jax.experimental.pallas import tpu as pltpu
from jax.experimental.pallas import tpu_sc as plsc

_N = 2048
_D = 768
_DW = _D // 2
_HID = 1536
_E = 8
_SB = 256
_NB = 24
_P = _NB * _SB

_NUM_SC = 2
_NUM_TILES = 16
_NW = _NUM_SC * _NUM_TILES



def _rtne_bf16_bits(v):
    u = lax.bitcast_convert_type(v, jnp.int32)
    return ((u + 0x7FFF + ((u >> 16) & 1)) >> 16) & 0xFFFF


def _route_body(x_ref, wr_ref, slot0_ref, slot1_ref, gd0_ref, gd1_ref,
                be_ref, bv_ref, aux_ref, xpk_ref):
    x = x_ref[...]
    lo = _rtne_bf16_bits(x[:, :_DW])
    hi = _rtne_bf16_bits(x[:, _DW:])
    xpk_ref[...] = lo | (hi << 16)
    logits = jnp.dot(x, wr_ref[...], preferred_element_type=jnp.float32)
    mx = jnp.max(logits, axis=1, keepdims=True)
    p = jnp.exp(logits - mx)
    p = p / jnp.sum(p, axis=1, keepdims=True)

    lane = jax.lax.broadcasted_iota(jnp.int32, p.shape, 1)
    m0 = jnp.max(p, axis=1, keepdims=True)
    i0 = jnp.min(jnp.where(p == m0, lane, _E), axis=1, keepdims=True)
    pm = jnp.where(lane == i0, -1.0, p)
    m1v = jnp.max(pm, axis=1, keepdims=True)
    i1 = jnp.min(jnp.where(pm == m1v, lane, _E), axis=1, keepdims=True)
    denom = m0 + m1v + 1e-6
    gd0_ref[...] = m0 / denom
    gd1_ref[...] = m1v / denom

    oh0 = (lane == i0).astype(jnp.float32)
    oh1 = (lane == i1).astype(jnp.float32)
    ohsum = oh0 + oh1

    chunks = []
    rows = 256
    for cb in range(_N // rows):
        ri = jax.lax.broadcasted_iota(jnp.int32, (rows, _N), 0) + cb * rows
        ci = jax.lax.broadcasted_iota(jnp.int32, (rows, _N), 1)
        tril = (ci < ri).astype(jnp.float32)
        chunks.append(jnp.dot(tril, ohsum, preferred_element_type=jnp.float32))
    cum = jnp.concatenate(chunks, axis=0)

    pos0 = jnp.sum(cum * oh0, axis=1, keepdims=True)
    pos1 = jnp.sum(cum * oh1, axis=1, keepdims=True)

    cnt = jnp.sum(ohsum, axis=0, keepdims=True)
    nblk = jnp.floor((cnt + (_SB - 1)) * (1.0 / _SB))
    e8 = jax.lax.broadcasted_iota(jnp.int32, (_E, _E), 1)
    j8 = jax.lax.broadcasted_iota(jnp.int32, (_E, _E), 0)
    tri8 = (j8 < e8).astype(jnp.float32)
    off_blk = jnp.dot(nblk, tri8, preferred_element_type=jnp.float32)
    off_pad = off_blk * float(_SB)

    slot0 = jnp.sum(oh0 * off_pad, axis=1, keepdims=True) + pos0
    slot1 = jnp.sum(oh1 * off_pad, axis=1, keepdims=True) + pos1
    slot0_ref[...] = slot0.astype(jnp.int32)
    slot1_ref[...] = slot1.astype(jnp.int32)

    brow = jax.lax.broadcasted_iota(jnp.int32, (_NB, _E), 0).astype(jnp.float32)
    off_b = jnp.broadcast_to(off_blk, (_NB, _E))
    cntb = jnp.sum((off_b <= brow).astype(jnp.float32), axis=1, keepdims=True)
    be = jnp.clip(cntb - 1.0, 0.0, float(_E - 1))
    be_ref[...] = be.astype(jnp.int32)
    total_blk = jnp.sum(nblk)
    bcol = jax.lax.broadcasted_iota(jnp.int32, (_NB, 1), 0).astype(jnp.float32)
    bv_ref[...] = (bcol < total_blk).astype(jnp.int32)

    imp = jnp.sum(p, axis=0, keepdims=True)
    aux_ref[0, 0] = (float(_E) / float(_N * _N)) * jnp.sum(imp * cnt)


def _route(x, w_router):
    return pl.pallas_call(
        _route_body,
        in_specs=[
            pl.BlockSpec((_N, _D), lambda: (0, 0)),
            pl.BlockSpec((_D, _E), lambda: (0, 0)),
        ],
        out_specs=[
            pl.BlockSpec((_N, 1), lambda: (0, 0)),
            pl.BlockSpec((_N, 1), lambda: (0, 0)),
            pl.BlockSpec((_N, 1), lambda: (0, 0)),
            pl.BlockSpec((_N, 1), lambda: (0, 0)),
            pl.BlockSpec((_NB, 1), lambda: (0, 0)),
            pl.BlockSpec((_NB, 1), lambda: (0, 0)),
            pl.BlockSpec(memory_space=pltpu.SMEM, block_shape=(1, 1),
                         index_map=lambda: (0, 0)),
            pl.BlockSpec((_N, _DW), lambda: (0, 0)),
        ],
        out_shape=[
            jax.ShapeDtypeStruct((_N, 1), jnp.int32),
            jax.ShapeDtypeStruct((_N, 1), jnp.int32),
            jax.ShapeDtypeStruct((_N, 1), jnp.float32),
            jax.ShapeDtypeStruct((_N, 1), jnp.float32),
            jax.ShapeDtypeStruct((_NB, 1), jnp.int32),
            jax.ShapeDtypeStruct((_NB, 1), jnp.int32),
            jax.ShapeDtypeStruct((1, 1), jnp.float32),
            jax.ShapeDtypeStruct((_N, _DW), jnp.int32),
        ],
    )(x, w_router)



_TPT = _N // _NUM_TILES
_SPT = _P // _NW
_GCH = 48


def _fill_iota(ref, length, base):
    def body(i, _):
        ref[pl.ds(i * 16, 16)] = (
            base + i * 16 + jax.lax.broadcasted_iota(jnp.int32, (16,), 0))
        return 0
    lax.fori_loop(0, length // 16, body, 0)


def _dispatch_body(slot0_hbm, slot1_hbm, x_hbm, xs_out,
                   v_s0, v_s1, v_tok, v_idx, ba, bb, sh_tok,
                   gsa, gsb, wsa, wsb):
    c = lax.axis_index("c")
    s = lax.axis_index("s")
    wid = c * _NUM_TILES + s

    tbase = s * _TPT
    l0 = pltpu.async_copy(slot0_hbm.at[pl.ds(tbase, _TPT)], v_s0, gsa)
    l1 = pltpu.async_copy(slot1_hbm.at[pl.ds(tbase, _TPT)], v_s1, gsb)
    _fill_iota(v_tok, _TPT, tbase)
    l0.wait()
    l1.wait()
    s0 = pltpu.async_copy(v_tok, sh_tok.at[v_s0], wsa)
    s1 = pltpu.async_copy(v_tok, sh_tok.at[v_s1], wsb)
    s0.wait()
    s1.wait()
    plsc.subcore_barrier()

    sbase = wid * _SPT
    pltpu.sync_copy(sh_tok.at[pl.ds(sbase, _SPT)], v_idx)

    def mask_body(i, _):
        v_idx[pl.ds(i * 16, 16)] = v_idx[pl.ds(i * 16, 16)] & (_N - 1)
        return 0
    lax.fori_loop(0, _SPT // 16, mask_body, 0)

    def gather(i, buf, sem):
        return pltpu.async_copy(
            x_hbm.at[v_idx.at[pl.ds(i * _GCH, _GCH)]], buf, sem)

    def put(i, buf, sem):
        return pltpu.async_copy(
            buf, xs_out.at[pl.ds(sbase + i * _GCH, _GCH)], sem)

    g0 = gather(0, ba, gsa)
    g1 = gather(1, bb, gsb)
    g0.wait()
    w0 = put(0, ba, wsa)
    g1.wait()
    w1 = put(1, bb, wsb)
    w0.wait()
    g2 = gather(2, ba, gsa)
    w1.wait()
    g3 = gather(3, bb, gsb)
    g2.wait()
    w2 = put(2, ba, wsa)
    g3.wait()
    w3 = put(3, bb, wsb)
    w2.wait()
    w3.wait()


def _dispatch_gather_sc(slot0, slot1, x):
    mesh = plsc.VectorSubcoreMesh(core_axis_name="c", subcore_axis_name="s")
    f = functools.partial(
        pl.kernel,
        mesh=mesh,
        out_type=jax.ShapeDtypeStruct((_P, _DW), jnp.int32),
        scratch_types=[
            pltpu.VMEM((_TPT,), jnp.int32),
            pltpu.VMEM((_TPT,), jnp.int32),
            pltpu.VMEM((_TPT,), jnp.int32),
            pltpu.VMEM((_SPT,), jnp.int32),
            pltpu.VMEM((_GCH, _DW), jnp.int32),
            pltpu.VMEM((_GCH, _DW), jnp.int32),
            pltpu.VMEM_SHARED((_P,), jnp.int32),
            pltpu.SemaphoreType.DMA,
            pltpu.SemaphoreType.DMA,
            pltpu.SemaphoreType.DMA,
            pltpu.SemaphoreType.DMA,
        ],
    )(_dispatch_body)
    return f(slot0, slot1, x)




def _ffn_body(be_ref, bv_ref, xs_ref, w1_ref, w2_ref, yo_ref):
    b = pl.program_id(0)

    @pl.when(bv_ref[b] == 1)
    def _():
        xi = xs_ref[...]
        xlo = lax.bitcast_convert_type(xi << 16, jnp.float32)
        xhi = lax.bitcast_convert_type(xi & jnp.int32(-65536), jnp.float32)
        w1b = w1_ref[0].astype(jnp.bfloat16)
        h = jnp.dot(xlo.astype(jnp.bfloat16), w1b[:_DW],
                    preferred_element_type=jnp.float32)
        h = h + jnp.dot(xhi.astype(jnp.bfloat16), w1b[_DW:],
                        preferred_element_type=jnp.float32)
        h = jnp.square(jnp.maximum(h, 0.0)).astype(jnp.bfloat16)
        w2b = w2_ref[0].astype(jnp.bfloat16)
        yo_ref[...] = jnp.dot(h, w2b, preferred_element_type=jnp.float32)


def _ffn(be, bv, xs, w1, w2):
    grid_spec = pltpu.PrefetchScalarGridSpec(
        num_scalar_prefetch=2,
        grid=(_NB,),
        in_specs=[
            pl.BlockSpec((_SB, _DW), lambda b, be, bv: (b, 0)),
            pl.BlockSpec((1, _D, _HID), lambda b, be, bv: (be[b], 0, 0)),
            pl.BlockSpec((1, _HID, _D), lambda b, be, bv: (be[b], 0, 0)),
        ],
        out_specs=pl.BlockSpec((_SB, _D), lambda b, be, bv: (b, 0)),
    )
    return pl.pallas_call(
        _ffn_body,
        grid_spec=grid_spec,
        out_shape=jax.ShapeDtypeStruct((_P, _D), jnp.float32),
        compiler_params=pltpu.CompilerParams(
            dimension_semantics=("arbitrary",)),
    )(be, bv, xs, w1, w2)



_CPT = _N // _NW
_CCH = 32


def _combine_body(yo_hbm, slot0_hbm, slot1_hbm, g0_hbm, g1_hbm, y_out,
                  v_i0, v_i1, v_g0, v_g1, b0, b1, sem0, sem1):
    c = lax.axis_index("c")
    s = lax.axis_index("s")
    wid = c * _NUM_TILES + s
    tbase = wid * _CPT
    pltpu.sync_copy(slot0_hbm.at[pl.ds(tbase, _CPT)], v_i0)
    pltpu.sync_copy(slot1_hbm.at[pl.ds(tbase, _CPT)], v_i1)
    pltpu.sync_copy(g0_hbm.at[pl.ds(tbase, _CPT)], v_g0)
    pltpu.sync_copy(g1_hbm.at[pl.ds(tbase, _CPT)], v_g1)

    def cbody(i, _):
        pltpu.async_copy(yo_hbm.at[v_i0.at[pl.ds(i * _CCH, _CCH)]], b0, sem0)
        pltpu.async_copy(yo_hbm.at[v_i1.at[pl.ds(i * _CCH, _CCH)]], b1, sem1)
        pltpu.make_async_copy(yo_hbm.at[v_i0.at[pl.ds(i * _CCH, _CCH)]], b0,
                              sem0).wait()
        pltpu.make_async_copy(yo_hbm.at[v_i1.at[pl.ds(i * _CCH, _CCH)]], b1,
                              sem1).wait()

        def abody(r, _):
            g0 = v_g0[pl.ds(i * _CCH + r, 1)][0]
            g1 = v_g1[pl.ds(i * _CCH + r, 1)][0]
            for l in range(_D // 16):
                b0[r, pl.ds(l * 16, 16)] = (b0[r, pl.ds(l * 16, 16)] * g0
                                            + b1[r, pl.ds(l * 16, 16)] * g1)
            return 0
        lax.fori_loop(0, _CCH, abody, 0)
        pltpu.sync_copy(b0, y_out.at[pl.ds(tbase + i * _CCH, _CCH)])
        return 0
    lax.fori_loop(0, _CPT // _CCH, cbody, 0)


def _combine_sc(yo, slot0, slot1, g0, g1):
    mesh = plsc.VectorSubcoreMesh(core_axis_name="c", subcore_axis_name="s")
    f = functools.partial(
        pl.kernel,
        mesh=mesh,
        out_type=jax.ShapeDtypeStruct((_N, _D), jnp.float32),
        scratch_types=[
            pltpu.VMEM((_CPT,), jnp.int32),
            pltpu.VMEM((_CPT,), jnp.int32),
            pltpu.VMEM((_CPT,), jnp.float32),
            pltpu.VMEM((_CPT,), jnp.float32),
            pltpu.VMEM((_CCH, _D), jnp.float32),
            pltpu.VMEM((_CCH, _D), jnp.float32),
            pltpu.SemaphoreType.DMA,
            pltpu.SemaphoreType.DMA,
        ],
    )(_combine_body)
    return f(yo, slot0, slot1, g0, g1)




def kernel(x, w_router, w1_fast, w1_slow, m1, H1, b1, w2_fast, w2_slow, m2,
           H2, b2):
    slot0, slot1, gd0, gd1, be, bv, aux, xpk = _route(x, w_router)
    slot0 = slot0.reshape(_N)
    slot1 = slot1.reshape(_N)
    xs = _dispatch_gather_sc(slot0, slot1, xpk)
    yo = _ffn(be.reshape(_NB), bv.reshape(_NB), xs, w1_fast, w2_fast)
    y = _combine_sc(yo, slot0, slot1, gd0.reshape(_N), gd1.reshape(_N))
    return y, aux.reshape(())

# --- scband reference (transcript-rebuilt; emitter-appended) ---
"""Pipeline reference for scband-synaptic-mo-e-34497177322132 (READ-ONLY COPY).

The authoritative reference and input builder live on the scoring server;
editing this copy changes nothing except your own understanding.
"""

import jax, jax.numpy as jnp
import numpy as np

E = 8
TOP_K = 2
D = 768
HID = 1536
N = 2048

def setup_inputs(seed: int = 0) -> dict:
    key = jax.random.key(seed)
    ks = jax.random.split(key, 8)
    x = jax.random.normal(ks[0], (N, D), dtype=jnp.float32)
    w_router = jax.random.normal(ks[1], (D, E), dtype=jnp.float32) * 0.02
    w1_fast = jax.random.normal(ks[2], (E, D, HID), dtype=jnp.float32) * 0.02
    w1_slow = jax.random.normal(ks[3], (E, D, HID), dtype=jnp.float32) * 0.02
    b1 = jnp.zeros((E, HID), dtype=jnp.float32)
    m1 = jnp.zeros((E,), dtype=jnp.float32)
    H1 = jnp.zeros((E, D, HID), dtype=jnp.float32)
    w2_fast = jax.random.normal(ks[4], (E, HID, D), dtype=jnp.float32) * 0.02
    w2_slow = jax.random.normal(ks[5], (E, HID, D), dtype=jnp.float32) * 0.02
    b2 = jnp.zeros((E, D), dtype=jnp.float32)
    m2 = jnp.zeros((E,), dtype=jnp.float32)
    H2 = jnp.zeros((E, HID, D), dtype=jnp.float32)
    return {"x": x, "w_router": w_router, "w1_fast": w1_fast, "w1_slow": w1_slow,
            "m1": m1, "H1": H1, "b1": b1, "w2_fast": w2_fast, "w2_slow": w2_slow,
            "m2": m2, "H2": H2, "b2": b2}

def reference(x, w_router, w1_fast, w1_slow, m1, H1, b1, w2_fast, w2_slow, m2, H2, b2):
    # Router: logits -> softmax -> top-k gates (renormalized over selected experts)
    logits = x @ w_router
    probs = jax.nn.softmax(logits, axis=-1)
    topv, topi = jax.lax.top_k(probs, TOP_K)
    topv = topv / (jnp.sum(topv, axis=-1, keepdims=True) + 1e-6)
    oh = jax.nn.one_hot(topi, E, dtype=x.dtype)          # [N, TOP_K, E]
    gates = jnp.sum(oh * topv[..., None], axis=1)         # [N, E]
    # SynapticLinear effective weight: W = w_fast + m_gate * w_slow + H_fast
    W1 = w1_fast + m1[:, None, None] * w1_slow + H1       # [E, D, HID]
    h = jnp.einsum('nd,edh->enh', x, W1) + b1[:, None, :]
    h = jnp.square(jax.nn.relu(h))                        # relu(y)^2 activation
    W2 = w2_fast + m2[:, None, None] * w2_slow + H2       # [E, HID, D]
    yo = jnp.einsum('enh,ehd->end', h, W2) + b2[:, None, :]
    y = jnp.einsum('end,ne->nd', yo, gates)               # weighted combine
    # Load-balancing auxiliary loss (importance * load)
    importance = jnp.mean(probs, axis=0)
    load = jnp.mean(jnp.sum(oh, axis=1), axis=0)
    aux = E * jnp.sum(importance * load)
    return y, aux

if __name__ == "__main__":
    import jax
    _d = setup_inputs()
    print(jax.jit(kernel)(*tuple(_d.values())))

</pallas_src>

<mosaic_0001>
#map = affine_map<(d0, d1) -> (0)>
#map1 = affine_map<(d0, d1) -> (0, 0)>
module attributes {stable_mosaic.version = 14 : i64} {
  func.func @_dispatch_body(%arg0: i32, %arg1: i32, %arg2: memref<2048xi32, #tpu.memory_space<hbm>>, %arg3: memref<2048xi32, #tpu.memory_space<hbm>>, %arg4: memref<2048x384xi32, #tpu.memory_space<hbm>>, %arg5: memref<6144x384xi32, #tpu.memory_space<hbm>>, %arg6: memref<128xi32, #tpu.memory_space<vmem>>, %arg7: memref<128xi32, #tpu.memory_space<vmem>>, %arg8: memref<128xi32, #tpu.memory_space<vmem>>, %arg9: memref<192xi32, #tpu.memory_space<vmem>>, %arg10: memref<48x384xi32, #tpu.memory_space<vmem>>, %arg11: memref<48x384xi32, #tpu.memory_space<vmem>>, %arg12: memref<6144xi32, #tpu.memory_space<vmem_shared>>, %arg13: memref<!tpu.dma_semaphore, #tpu.memory_space<semaphore_mem>>, %arg14: memref<!tpu.dma_semaphore, #tpu.memory_space<semaphore_mem>>, %arg15: memref<!tpu.dma_semaphore, #tpu.memory_space<semaphore_mem>>, %arg16: memref<!tpu.dma_semaphore, #tpu.memory_space<semaphore_mem>>) attributes {dimension_semantics = [#tpu.dimension_semantics<core_parallel>, #tpu.dimension_semantics<subcore_parallel>], iteration_bounds = array<i64: 2, 16>, scalar_prefetch = 0 : i64, scratch_operands = 11 : i64, tpu.core_type = #tpu.core_type<sc_vector_subcore>, window_params = [{transform_indices = #map}, {transform_indices = #map}, {transform_indices = #map1}, {transform_indices = #map1}]} {
    %mul3A = arith.constant 16 : i32
    %mul3A_0 = arith.muli %arg0, %mul3A : i32
    %add3A = arith.addi %mul3A_0, %arg1 : i32
    %mul3A_1 = arith.constant 128 : i32
    %mul3A_2 = arith.muli %arg1, %mul3A_1 : i32
    %dma_start3A = tpu.memref_slice %arg2[%mul3A_2] : memref<2048xi32, #tpu.memory_space<hbm>> -> memref<128xi32, #tpu.memory_space<hbm>>
    %dma_start3A_3 = tpu.memref_slice %arg2[%mul3A_2] : memref<2048xi32, #tpu.memory_space<hbm>> -> memref<128xi32, #tpu.memory_space<hbm>>
    tpu.enqueue_dma source(%dma_start3A_3 : memref<128xi32, #tpu.memory_space<hbm>>) target(%arg6 : memref<128xi32, #tpu.memory_space<vmem>>) target_semaphore(%arg13 : memref<!tpu.dma_semaphore, #tpu.memory_space<semaphore_mem>>)
    %dma_start3A_4 = tpu.memref_slice %arg3[%mul3A_2] : memref<2048xi32, #tpu.memory_space<hbm>> -> memref<128xi32, #tpu.memory_space<hbm>>
    %dma_start3A_5 = tpu.memref_slice %arg3[%mul3A_2] : memref<2048xi32, #tpu.memory_space<hbm>> -> memref<128xi32, #tpu.memory_space<hbm>>
    tpu.enqueue_dma source(%dma_start3A_5 : memref<128xi32, #tpu.memory_space<hbm>>) target(%arg7 : memref<128xi32, #tpu.memory_space<vmem>>) target_semaphore(%arg14 : memref<!tpu.dma_semaphore, #tpu.memory_space<semaphore_mem>>)
    %scan3A = arith.constant 0 : i32
    %scan3A_6 = arith.constant 0 : i32
    %scan3A_7 = arith.constant 8 : i32
    %scan3A_8 = arith.addi %scan3A_6, %scan3A_7 : i32
    %scan3A_9 = arith.constant 1 : i32
    %scan3A_10 = scf.for %scan3A_112 = %scan3A_6 to %scan3A_8 step %scan3A_9 iter_args(%scan3A_113 = %scan3A) -> (i32)  : i32 {
      %mul3A_114 = arith.constant 16 : i32
      %mul3A_115 = arith.muli %scan3A_112, %mul3A_114 : i32
      %add3A_116 = arith.addi %mul3A_2, %mul3A_115 : i32
      %iota3A = tpu.iota {dimensions = array<i32: 0>} : vector<16xi32>
      %add3A_117 = vector.broadcast %add3A_116 : i32 to vector<16xi32>
      %add3A_118 = arith.addi %add3A_117, %iota3A : vector<16xi32>
      %mul3A_119 = arith.constant 16 : i32
      %mul3A_120 = arith.muli %scan3A_112, %mul3A_119 : i32
      %swap3A = arith.index_cast %mul3A_120 : i32 to index
      %swap3A_121 = tpu.vector_load %arg8[%swap3A] {strides = array<i32>} : memref<128xi32, #tpu.memory_space<vmem>>, vector<16xi32>,
      %swap3A_122 = vector.shape_cast %swap3A_121 : vector<16xi32> to vector<16xi32>
      %swap3A_123 = vector.shape_cast %add3A_118 : vector<16xi32> to vector<16xi32>
      tpu.vector_store %arg8[%swap3A], %swap3A_123 {strides = array<i32>} : memref<128xi32, #tpu.memory_space<vmem>>, vector<16xi32>,
      %scan3A_124 = arith.constant 0 : i32
      scf.yield %scan3A_124 : i32
    }
    %scan3A_11 = arith.constant 8 : i32
    %dma_wait3A = tpu.memref_slice %arg2[%mul3A_2] : memref<2048xi32, #tpu.memory_space<hbm>> -> memref<128xi32, #tpu.memory_space<hbm>>
    %dma_wait3A_12 = tpu.memref_slice %arg2[%mul3A_2] : memref<2048xi32, #tpu.memory_space<hbm>> -> memref<128xi32, #tpu.memory_space<hbm>>
    tpu.wait_dma2 semaphore(%arg13 : memref<!tpu.dma_semaphore, #tpu.memory_space<semaphore_mem>>) src(%dma_wait3A_12 : memref<128xi32, #tpu.memory_space<hbm>>) dst(%arg6 : memref<128xi32, #tpu.memory_space<vmem>>)
    %dma_wait3A_13 = tpu.memref_slice %arg3[%mul3A_2] : memref<2048xi32, #tpu.memory_space<hbm>> -> memref<128xi32, #tpu.memory_space<hbm>>
    %dma_wait3A_14 = tpu.memref_slice %arg3[%mul3A_2] : memref<2048xi32, #tpu.memory_space<hbm>> -> memref<128xi32, #tpu.memory_space<hbm>>
    tpu.wait_dma2 semaphore(%arg14 : memref<!tpu.dma_semaphore, #tpu.memory_space<semaphore_mem>>) src(%dma_wait3A_14 : memref<128xi32, #tpu.memory_space<hbm>>) dst(%arg7 : memref<128xi32, #tpu.memory_space<vmem>>)
    %dma_start3A_15 = arith.constant 0 : i32
    %dma_start3A_16 = tpu.memref_slice %arg12[%dma_start3A_15] : memref<6144xi32, #tpu.memory_space<vmem_shared>> -> memref<6144xi32, #tpu.memory_space<vmem_shared>>
    tpu.enqueue_indirect_dma source(%arg8 : memref<128xi32, #tpu.memory_space<vmem>>) target(%dma_start3A_16 : memref<6144xi32, #tpu.memory_space<vmem_shared>>) offsets(%arg6 : memref<128xi32, #tpu.memory_space<vmem>>) semaphore(%arg15 : memref<!tpu.dma_semaphore, #tpu.memory_space<semaphore_mem>>)
    %dma_start3A_17 = arith.constant 0 : i32
    %dma_start3A_18 = tpu.memref_slice %arg12[%dma_start3A_17] : memref<6144xi32, #tpu.memory_space<vmem_shared>> -> memref<6144xi32, #tpu.memory_space<vmem_shared>>
    tpu.enqueue_indirect_dma source(%arg8 : memref<128xi32, #tpu.memory_space<vmem>>) target(%dma_start3A_18 : memref<6144xi32, #tpu.memory_space<vmem_shared>>) offsets(%arg7 : memref<128xi32, #tpu.memory_space<vmem>>) semaphore(%arg16 : memref<!tpu.dma_semaphore, #tpu.memory_space<semaphore_mem>>)
    %dma_wait3A_19 = arith.constant 0 : i32
    %dma_wait3A_20 = tpu.memref_slice %arg12[%dma_wait3A_19] : memref<6144xi32, #tpu.memory_space<vmem_shared>> -> memref<6144xi32, #tpu.memory_space<vmem_shared>>
    tpu.wait_indirect_dma semaphore(%arg15 : memref<!tpu.dma_semaphore, #tpu.memory_space<semaphore_mem>>) src(%arg8 : memref<128xi32, #tpu.memory_space<vmem>>) dst(%dma_wait3A_20 : memref<6144xi32, #tpu.memory_space<vmem_shared>>)
    %dma_wait3A_21 = arith.constant 0 : i32
    %dma_wait3A_22 = tpu.memref_slice %arg12[%dma_wait3A_21] : memref<6144xi32, #tpu.memory_space<vmem_shared>> -> memref<6144xi32, #tpu.memory_space<vmem_shared>>
    tpu.wait_indirect_dma semaphore(%arg16 : memref<!tpu.dma_semaphore, #tpu.memory_space<semaphore_mem>>) src(%arg8 : memref<128xi32, #tpu.memory_space<vmem>>) dst(%dma_wait3A_22 : memref<6144xi32, #tpu.memory_space<vmem_shared>>)
    %barrier3A = arith.constant 0 : index
    tpu.barrier barrier_id(%barrier3A)
    %mul3A_23 = arith.constant 192 : i32
    %mul3A_24 = arith.muli %add3A, %mul3A_23 : i32
    "tpu.region"() ({
      %run_scoped3A = tpu.sem_alloc : memref<!tpu.dma_semaphore, #tpu.memory_space<semaphore_mem>>
      %dma_start3A_112 = tpu.memref_slice %arg12[%mul3A_24] : memref<6144xi32, #tpu.memory_space<vmem_shared>> -> memref<192xi32, #tpu.memory_space<vmem_shared>>
      %dma_start3A_113 = tpu.memref_slice %arg12[%mul3A_24] : memref<6144xi32, #tpu.memory_space<vmem_shared>> -> memref<192xi32, #tpu.memory_space<vmem_shared>>
      tpu.enqueue_dma source(%dma_start3A_113 : memref<192xi32, #tpu.memory_space<vmem_shared>>) target(%arg9 : memref<192xi32, #tpu.memory_space<vmem>>) target_semaphore(%run_scoped3A : memref<!tpu.dma_semaphore, #tpu.memory_space<semaphore_mem>>)
      %dma_wait3A_114 = tpu.memref_slice %arg12[%mul3A_24] : memref<6144xi32, #tpu.memory_space<vmem_shared>> -> memref<192xi32, #tpu.memory_space<vmem_shared>>
      %dma_wait3A_115 = tpu.memref_slice %arg12[%mul3A_24] : memref<6144xi32, #tpu.memory_space<vmem_shared>> -> memref<192xi32, #tpu.memory_space<vmem_shared>>
      tpu.wait_dma2 semaphore(%run_scoped3A : memref<!tpu.dma_semaphore, #tpu.memory_space<semaphore_mem>>) src(%dma_wait3A_115 : memref<192xi32, #tpu.memory_space<vmem_shared>>) dst(%arg9 : memref<192xi32, #tpu.memory_space<vmem>>)
      tpu.yield
    }) : () -> ()
    %scan3A_25 = arith.constant 0 : i32
    %scan3A_26 = arith.constant 0 : i32
    %scan3A_27 = arith.constant 12 : i32
    %scan3A_28 = arith.addi %scan3A_26, %scan3A_27 : i32
    %scan3A_29 = arith.constant 1 : i32
    %scan3A_30 = scf.for %scan3A_112 = %scan3A_26 to %scan3A_28 step %scan3A_29 iter_args(%scan3A_113 = %scan3A_25) -> (i32)  : i32 {
      %mul3A_114 = arith.constant 16 : i32
      %mul3A_115 = arith.muli %scan3A_112, %mul3A_114 : i32
      %get3A = arith.index_cast %mul3A_115 : i32 to index
      %get3A_116 = tpu.vector_load %arg9[%get3A] {strides = array<i32>} : memref<192xi32, #tpu.memory_space<vmem>>, vector<16xi32>,
      %get3A_117 = vector.shape_cast %get3A_116 : vector<16xi32> to vector<16xi32>
      %and3A = arith.constant 2047 : i32
      %and3A_118 = vector.broadcast %and3A : i32 to vector<16xi32>
      %and3A_119 = arith.andi %get3A_117, %and3A_118 : vector<16xi32>
      %mul3A_120 = arith.constant 16 : i32
      %mul3A_121 = arith.muli %scan3A_112, %mul3A_120 : i32
      %swap3A = arith.index_cast %mul3A_121 : i32 to index
      %swap3A_122 = tpu.vector_load %arg9[%swap3A] {strides = array<i32>} : memref<192xi32, #tpu.memory_space<vmem>>, vector<16xi32>,
      %swap3A_123 = vector.shape_cast %swap3A_122 : vector<16xi32> to vector<16xi32>
      %swap3A_124 = vector.shape_cast %and3A_119 : vector<16xi32> to vector<16xi32>
      tpu.vector_store %arg9[%swap3A], %swap3A_124 {strides = array<i32>} : memref<192xi32, #tpu.memory_space<vmem>>, vector<16xi32>,
      %scan3A_125 = arith.constant 0 : i32
      scf.yield %scan3A_125 : i32
    }
    %scan3A_31 = arith.constant 12 : i32
    %dma_start3A_32 = arith.constant 0 : i32
    %dma_start3A_33 = tpu.memref_slice %arg9[%dma_start3A_32] : memref<192xi32, #tpu.memory_space<vmem>> -> memref<48xi32, #tpu.memory_space<vmem>>
    %dma_start3A_34 = arith.constant 0 : i32
    %dma_start3A_35 = arith.constant 0 : i32
    %dma_start3A_36 = tpu.memref_slice %arg4[%dma_start3A_34, %dma_start3A_35] : memref<2048x384xi32, #tpu.memory_space<hbm>> -> memref<2048x384xi32, #tpu.memory_space<hbm>>
    tpu.enqueue_indirect_dma source(%dma_start3A_36 : memref<2048x384xi32, #tpu.memory_space<hbm>>) target(%arg10 : memref<48x384xi32, #tpu.memory_space<vmem>>) offsets(%dma_start3A_33 : memref<48xi32, #tpu.memory_space<vmem>>) semaphore(%arg13 : memref<!tpu.dma_semaphore, #tpu.memory_space<semaphore_mem>>)
    %dma_start3A_37 = arith.constant 48 : i32
    %dma_start3A_38 = tpu.memref_slice %arg9[%dma_start3A_37] : memref<192xi32, #tpu.memory_space<vmem>> -> memref<48xi32, #tpu.memory_space<vmem>>
    %dma_start3A_39 = arith.constant 0 : i32
    %dma_start3A_40 = arith.constant 0 : i32
    %dma_start3A_41 = tpu.memref_slice %arg4[%dma_start3A_39, %dma_start3A_40] : memref<2048x384xi32, #tpu.memory_space<hbm>> -> memref<2048x384xi32, #tpu.memory_space<hbm>>
    tpu.enqueue_indirect_dma source(%dma_start3A_41 : memref<2048x384xi32, #tpu.memory_space<hbm>>) target(%arg11 : memref<48x384xi32, #tpu.memory_space<vmem>>) offsets(%dma_start3A_38 : memref<48xi32, #tpu.memory_space<vmem>>) semaphore(%arg14 : memref<!tpu.dma_semaphore, #tpu.memory_space<semaphore_mem>>)
    %dma_wait3A_42 = arith.constant 0 : i32
    %dma_wait3A_43 = tpu.memref_slice %arg9[%dma_wait3A_42] : memref<192xi32, #tpu.memory_space<vmem>> -> memref<48xi32, #tpu.memory_space<vmem>>
    %dma_wait3A_44 = arith.constant 0 : i32
    %dma_wait3A_45 = arith.constant 0 : i32
    %dma_wait3A_46 = tpu.memref_slice %arg4[%dma_wait3A_44, %dma_wait3A_45] : memref<2048x384xi32, #tpu.memory_space<hbm>> -> memref<2048x384xi32, #tpu.memory_space<hbm>>
    tpu.wait_indirect_dma semaphore(%arg13 : memref<!tpu.dma_semaphore, #tpu.memory_space<semaphore_mem>>) src(%dma_wait3A_46 : memref<2048x384xi32, #tpu.memory_space<hbm>>) dst(%arg10 : memref<48x384xi32, #tpu.memory_space<vmem>>)
    %add3A_47 = arith.constant 0 : i32
    %add3A_48 = arith.addi %mul3A_24, %add3A_47 : i32
    %dma_start3A_49 = arith.constant 0 : i32
    %dma_start3A_50 = tpu.memref_slice %arg5[%add3A_48, %dma_start3A_49] : memref<6144x384xi32, #tpu.memory_space<hbm>> -> memref<48x384xi32, #tpu.memory_space<hbm>>
    %dma_start3A_51 = arith.constant 0 : i32
    %dma_start3A_52 = tpu.memref_slice %arg5[%add3A_48, %dma_start3A_51] : memref<6144x384xi32, #tpu.memory_space<hbm>> -> memref<48x384xi32, #tpu.memory_space<hbm>>
    tpu.enqueue_dma source(%arg10 : memref<48x384xi32, #tpu.memory_space<vmem>>) target(%dma_start3A_52 : memref<48x384xi32, #tpu.memory_space<hbm>>) target_semaphore(%arg15 : memref<!tpu.dma_semaphore, #tpu.memory_space<semaphore_mem>>)
    %dma_wait3A_53 = arith.constant 48 : i32
    %dma_wait3A_54 = tpu.memref_slice %arg9[%dma_wait3A_53] : memref<192xi32, #tpu.memory_space<vmem>> -> memref<48xi32, #tpu.memory_space<vmem>>
    %dma_wait3A_55 = arith.constant 0 : i32
    %dma_wait3A_56 = arith.constant 0 : i32
    %dma_wait3A_57 = tpu.memref_slice %arg4[%dma_wait3A_55, %dma_wait3A_56] : memref<2048x384xi32, #tpu.memory_space<hbm>> -> memref<2048x384xi32, #tpu.memory_space<hbm>>
    tpu.wait_indirect_dma semaphore(%arg14 : memref<!tpu.dma_semaphore, #tpu.memory_space<semaphore_mem>>) src(%dma_wait3A_57 : memref<2048x384xi32, #tpu.memory_space<hbm>>) dst(%arg11 : memref<48x384xi32, #tpu.memory_space<vmem>>)
    %add3A_58 = arith.constant 48 : i32
    %add3A_59 = arith.addi %mul3A_24, %add3A_58 : i32
    %dma_start3A_60 = arith.constant 0 : i32
    %dma_start3A_61 = tpu.memref_slice %arg5[%add3A_59, %dma_start3A_60] : memref<6144x384xi32, #tpu.memory_space<hbm>> -> memref<48x384xi32, #tpu.memory_space<hbm>>
    %dma_start3A_62 = arith.constant 0 : i32
    %dma_start3A_63 = tpu.memref_slice %arg5[%add3A_59, %dma_start3A_62] : memref<6144x384xi32, #tpu.memory_space<hbm>> -> memref<48x384xi32, #tpu.memory_space<hbm>>
    tpu.enqueue_dma source(%arg11 : memref<48x384xi32, #tpu.memory_space<vmem>>) target(%dma_start3A_63 : memref<48x384xi32, #tpu.memory_space<hbm>>) target_semaphore(%arg16 : memref<!tpu.dma_semaphore, #tpu.memory_space<semaphore_mem>>)
    %dma_wait3A_64 = arith.constant 0 : i32
    %dma_wait3A_65 = tpu.memref_slice %arg5[%add3A_48, %dma_wait3A_64] : memref<6144x384xi32, #tpu.memory_space<hbm>> -> memref<48x384xi32, #tpu.memory_space<hbm>>
    %dma_wait3A_66 = arith.constant 0 : i32
    %dma_wait3A_67 = tpu.memref_slice %arg5[%add3A_48, %dma_wait3A_66] : memref<6144x384xi32, #tpu.memory_space<hbm>> -> memref<48x384xi32, #tpu.memory_space<hbm>>
    tpu.wait_dma2 semaphore(%arg15 : memref<!tpu.dma_semaphore, #tpu.memory_space<semaphore_mem>>) src(%arg10 : memref<48x384xi32, #tpu.memory_space<vmem>>) dst(%dma_wait3A_67 : memref<48x384xi32, #tpu.memory_space<hbm>>)
    %dma_start3A_68 = arith.constant 96 : i32
    %dma_start3A_69 = tpu.memref_slice %arg9[%dma_start3A_68] : memref<192xi32, #tpu.memory_space<vmem>> -> memref<48xi32, #tpu.memory_space<vmem>>
    %dma_start3A_70 = arith.constant 0 : i32
    %dma_start3A_71 = arith.constant 0 : i32
    %dma_start3A_72 = tpu.memref_slice %arg4[%dma_start3A_70, %dma_start3A_71] : memref<2048x384xi32, #tpu.memory_space<hbm>> -> memref<2048x384xi32, #tpu.memory_space<hbm>>
    tpu.enqueue_indirect_dma source(%dma_start3A_72 : memref<2048x384xi32, #tpu.memory_space<hbm>>) target(%arg10 : memref<48x384xi32, #tpu.memory_space<vmem>>) offsets(%dma_start3A_69 : memref<48xi32, #tpu.memory_space<vmem>>) semaphore(%arg13 : memref<!tpu.dma_semaphore, #tpu.memory_space<semaphore_mem>>)
    %dma_wait3A_73 = arith.constant 0 : i32
    %dma_wait3A_74 = tpu.memref_slice %arg5[%add3A_59, %dma_wait3A_73] : memref<6144x384xi32, #tpu.memory_space<hbm>> -> memref<48x384xi32, #tpu.memory_space<hbm>>
    %dma_wait3A_75 = arith.constant 0 : i32
    %dma_wait3A_76 = tpu.memref_slice %arg5[%add3A_59, %dma_wait3A_75] : memref<6144x384xi32, #tpu.memory_space<hbm>> -> memref<48x384xi32, #tpu.memory_space<hbm>>
    tpu.wait_dma2 semaphore(%arg16 : memref<!tpu.dma_semaphore, #tpu.memory_space<semaphore_mem>>) src(%arg11 : memref<48x384xi32, #tpu.memory_space<vmem>>) dst(%dma_wait3A_76 : memref<48x384xi32, #tpu.memory_space<hbm>>)
    %dma_start3A_77 = arith.constant 144 : i32
    %dma_start3A_78 = tpu.memref_slice %arg9[%dma_start3A_77] : memref<192xi32, #tpu.memory_space<vmem>> -> memref<48xi32, #tpu.memory_space<vmem>>
    %dma_start3A_79 = arith.constant 0 : i32
    %dma_start3A_80 = arith.constant 0 : i32
    %dma_start3A_81 = tpu.memref_slice %arg4[%dma_start3A_79, %dma_start3A_80] : memref<2048x384xi32, #tpu.memory_space<hbm>> -> memref<2048x384xi32, #tpu.memory_space<hbm>>
    tpu.enqueue_indirect_dma source(%dma_start3A_81 : memref<2048x384xi32, #tpu.memory_space<hbm>>) target(%arg11 : memref<48x384xi32, #tpu.memory_space<vmem>>) offsets(%dma_start3A_78 : memref<48xi32, #tpu.memory_space<vmem>>) semaphore(%arg14 : memref<!tpu.dma_semaphore, #tpu.memory_space<semaphore_mem>>)
    %dma_wait3A_82 = arith.constant 96 : i32
    %dma_wait3A_83 = tpu.memref_slice %arg9[%dma_wait3A_82] : memref<192xi32, #tpu.memory_space<vmem>> -> memref<48xi32, #tpu.memory_space<vmem>>
    %dma_wait3A_84 = arith.constant 0 : i32
    %dma_wait3A_85 = arith.constant 0 : i32
    %dma_wait3A_86 = tpu.memref_slice %arg4[%dma_wait3A_84, %dma_wait3A_85] : memref<2048x384xi32, #tpu.memory_space<hbm>> -> memref<2048x384xi32, #tpu.memory_space<hbm>>
    tpu.wait_indirect_dma semaphore(%arg13 : memref<!tpu.dma_semaphore, #tpu.memory_space<semaphore_mem>>) src(%dma_wait3A_86 : memref<2048x384xi32, #tpu.memory_space<hbm>>) dst(%arg10 : memref<48x384xi32, #tpu.memory_space<vmem>>)
    %add3A_87 = arith.constant 96 : i32
    %add3A_88 = arith.addi %mul3A_24, %add3A_87 : i32
    %dma_start3A_89 = arith.constant 0 : i32
    %dma_start3A_90 = tpu.memref_slice %arg5[%add3A_88, %dma_start3A_89] : memref<6144x384xi32, #tpu.memory_space<hbm>> -> memref<48x384xi32, #tpu.memory_space<hbm>>
    %dma_start3A_91 = arith.constant 0 : i32
    %dma_start3A_92 = tpu.memref_slice %arg5[%add3A_88, %dma_start3A_91] : memref<6144x384xi32, #tpu.memory_space<hbm>> -> memref<48x384xi32, #tpu.memory_space<hbm>>
    tpu.enqueue_dma source(%arg10 : memref<48x384xi32, #tpu.memory_space<vmem>>) target(%dma_start3A_92 : memref<48x384xi32, #tpu.memory_space<hbm>>) target_semaphore(%arg15 : memref<!tpu.dma_semaphore, #tpu.memory_space<semaphore_mem>>)
    %dma_wait3A_93 = arith.constant 144 : i32
    %dma_wait3A_94 = tpu.memref_slice %arg9[%dma_wait3A_93] : memref<192xi32, #tpu.memory_space<vmem>> -> memref<48xi32, #tpu.memory_space<vmem>>
    %dma_wait3A_95 = arith.constant 0 : i32
    %dma_wait3A_96 = arith.constant 0 : i32
    %dma_wait3A_97 = tpu.memref_slice %arg4[%dma_wait3A_95, %dma_wait3A_96] : memref<2048x384xi32, #tpu.memory_space<hbm>> -> memref<2048x384xi32, #tpu.memory_space<hbm>>
    tpu.wait_indirect_dma semaphore(%arg14 : memref<!tpu.dma_semaphore, #tpu.memory_space<semaphore_mem>>) src(%dma_wait3A_97 : memref<2048x384xi32, #tpu.memory_space<hbm>>) dst(%arg11 : memref<48x384xi32, #tpu.memory_space<vmem>>)
    %add3A_98 = arith.constant 144 : i32
    %add3A_99 = arith.addi %mul3A_24, %add3A_98 : i32
    %dma_start3A_100 = arith.constant 0 : i32
    %dma_start3A_101 = tpu.memref_slice %arg5[%add3A_99, %dma_start3A_100] : memref<6144x384xi32, #tpu.memory_space<hbm>> -> memref<48x384xi32, #tpu.memory_space<hbm>>
    %dma_start3A_102 = arith.constant 0 : i32
    %dma_start3A_103 = tpu.memref_slice %arg5[%add3A_99, %dma_start3A_102] : memref<6144x384xi32, #tpu.memory_space<hbm>> -> memref<48x384xi32, #tpu.memory_space<hbm>>
    tpu.enqueue_dma source(%arg11 : memref<48x384xi32, #tpu.memory_space<vmem>>) target(%dma_start3A_103 : memref<48x384xi32, #tpu.memory_space<hbm>>) target_semaphore(%arg16 : memref<!tpu.dma_semaphore, #tpu.memory_space<semaphore_mem>>)
    %dma_wait3A_104 = arith.constant 0 : i32
    %dma_wait3A_105 = tpu.memref_slice %arg5[%add3A_88, %dma_wait3A_104] : memref<6144x384xi32, #tpu.memory_space<hbm>> -> memref<48x384xi32, #tpu.memory_space<hbm>>
    %dma_wait3A_106 = arith.constant 0 : i32
    %dma_wait3A_107 = tpu.memref_slice %arg5[%add3A_88, %dma_wait3A_106] : memref<6144x384xi32, #tpu.memory_space<hbm>> -> memref<48x384xi32, #tpu.memory_space<hbm>>
    tpu.wait_dma2 semaphore(%arg15 : memref<!tpu.dma_semaphore, #tpu.memory_space<semaphore_mem>>) src(%arg10 : memref<48x384xi32, #tpu.memory_space<vmem>>) dst(%dma_wait3A_107 : memref<48x384xi32, #tpu.memory_space<hbm>>)
    %dma_wait3A_108 = arith.constant 0 : i32
    %dma_wait3A_109 = tpu.memref_slice %arg5[%add3A_99, %dma_wait3A_108] : memref<6144x384xi32, #tpu.memory_space<hbm>> -> memref<48x384xi32, #tpu.memory_space<hbm>>
    %dma_wait3A_110 = arith.constant 0 : i32
    %dma_wait3A_111 = tpu.memref_slice %arg5[%add3A_99, %dma_wait3A_110] : memref<6144x384xi32, #tpu.memory_space<hbm>> -> memref<48x384xi32, #tpu.memory_space<hbm>>
    tpu.wait_dma2 semaphore(%arg16 : memref<!tpu.dma_semaphore, #tpu.memory_space<semaphore_mem>>) src(%arg11 : memref<48x384xi32, #tpu.memory_space<vmem>>) dst(%dma_wait3A_111 : memref<48x384xi32, #tpu.memory_space<hbm>>)
    return
  }
}

#map = affine_map<(d0, d1) -> (0, 0)>
#map1 = affine_map<(d0, d1) -> (0)>
module attributes {stable_mosaic.version = 14 : i64} {
  func.func @_combine_body(%arg0: i32, %arg1: i32, %arg2: memref<6144x768xf32, #tpu.memory_space<hbm>>, %arg3: memref<2048xi32, #tpu.memory_space<hbm>>, %arg4: memref<2048xi32, #tpu.memory_space<hbm>>, %arg5: memref<2048xf32, #tpu.memory_space<hbm>>, %arg6: memref<2048xf32, #tpu.memory_space<hbm>>, %arg7: memref<2048x768xf32, #tpu.memory_space<hbm>>, %arg8: memref<64xi32, #tpu.memory_space<vmem>>, %arg9: memref<64xi32, #tpu.memory_space<vmem>>, %arg10: memref<64xf32, #tpu.memory_space<vmem>>, %arg11: memref<64xf32, #tpu.memory_space<vmem>>, %arg12: memref<32x768xf32, #tpu.memory_space<vmem>>, %arg13: memref<32x768xf32, #tpu.memory_space<vmem>>, %arg14: memref<!tpu.dma_semaphore, #tpu.memory_space<semaphore_mem>>, %arg15: memref<!tpu.dma_semaphore, #tpu.memory_space<semaphore_mem>>) attributes {dimension_semantics = [#tpu.dimension_semantics<core_parallel>, #tpu.dimension_semantics<subcore_parallel>], iteration_bounds = array<i64: 2, 16>, scalar_prefetch = 0 : i64, scratch_operands = 8 : i64, tpu.core_type = #tpu.core_type<sc_vector_subcore>, window_params = [{transform_indices = #map}, {transform_indices = #map1}, {transform_indices = #map1}, {transform_indices = #map1}, {transform_indices = #map1}, {transform_indices = #map}]} {
    %mul3A = arith.constant 16 : i32
    %mul3A_0 = arith.muli %arg0, %mul3A : i32
    %add3A = arith.addi %mul3A_0, %arg1 : i32
    %mul3A_1 = arith.constant 64 : i32
    %mul3A_2 = arith.muli %add3A, %mul3A_1 : i32
    "tpu.region"() ({
      %run_scoped3A = tpu.sem_alloc : memref<!tpu.dma_semaphore, #tpu.memory_space<semaphore_mem>>
      %dma_start3A = tpu.memref_slice %arg3[%mul3A_2] : memref<2048xi32, #tpu.memory_space<hbm>> -> memref<64xi32, #tpu.memory_space<hbm>>
      %dma_start3A_9 = tpu.memref_slice %arg3[%mul3A_2] : memref<2048xi32, #tpu.memory_space<hbm>> -> memref<64xi32, #tpu.memory_space<hbm>>
      tpu.enqueue_dma source(%dma_start3A_9 : memref<64xi32, #tpu.memory_space<hbm>>) target(%arg8 : memref<64xi32, #tpu.memory_space<vmem>>) target_semaphore(%run_scoped3A : memref<!tpu.dma_semaphore, #tpu.memory_space<semaphore_mem>>)
      %dma_wait3A = tpu.memref_slice %arg3[%mul3A_2] : memref<2048xi32, #tpu.memory_space<hbm>> -> memref<64xi32, #tpu.memory_space<hbm>>
      %dma_wait3A_10 = tpu.memref_slice %arg3[%mul3A_2] : memref<2048xi32, #tpu.memory_space<hbm>> -> memref<64xi32, #tpu.memory_space<hbm>>
      tpu.wait_dma2 semaphore(%run_scoped3A : memref<!tpu.dma_semaphore, #tpu.memory_space<semaphore_mem>>) src(%dma_wait3A_10 : memref<64xi32, #tpu.memory_space<hbm>>) dst(%arg8 : memref<64xi32, #tpu.memory_space<vmem>>)
      tpu.yield
    }) : () -> ()
    "tpu.region"() ({
      %run_scoped3A = tpu.sem_alloc : memref<!tpu.dma_semaphore, #tpu.memory_space<semaphore_mem>>
      %dma_start3A = tpu.memref_slice %arg4[%mul3A_2] : memref<2048xi32, #tpu.memory_space<hbm>> -> memref<64xi32, #tpu.memory_space<hbm>>
      %dma_start3A_9 = tpu.memref_slice %arg4[%mul3A_2] : memref<2048xi32, #tpu.memory_space<hbm>> -> memref<64xi32, #tpu.memory_space<hbm>>
      tpu.enqueue_dma source(%dma_start3A_9 : memref<64xi32, #tpu.memory_space<hbm>>) target(%arg9 : memref<64xi32, #tpu.memory_space<vmem>>) target_semaphore(%run_scoped3A : memref<!tpu.dma_semaphore, #tpu.memory_space<semaphore_mem>>)
      %dma_wait3A = tpu.memref_slice %arg4[%mul3A_2] : memref<2048xi32, #tpu.memory_space<hbm>> -> memref<64xi32, #tpu.memory_space<hbm>>
      %dma_wait3A_10 = tpu.memref_slice %arg4[%mul3A_2] : memref<2048xi32, #tpu.memory_space<hbm>> -> memref<64xi32, #tpu.memory_space<hbm>>
      tpu.wait_dma2 semaphore(%run_scoped3A : memref<!tpu.dma_semaphore, #tpu.memory_space<semaphore_mem>>) src(%dma_wait3A_10 : memref<64xi32, #tpu.memory_space<hbm>>) dst(%arg9 : memref<64xi32, #tpu.memory_space<vmem>>)
      tpu.yield
    }) : () -> ()
    "tpu.region"() ({
      %run_scoped3A = tpu.sem_alloc : memref<!tpu.dma_semaphore, #tpu.memory_space<semaphore_mem>>
      %dma_start3A = tpu.memref_slice %arg5[%mul3A_2] : memref<2048xf32, #tpu.memory_space<hbm>> -> memref<64xf32, #tpu.memory_space<hbm>>
      %dma_start3A_9 = tpu.memref_slice %arg5[%mul3A_2] : memref<2048xf32, #tpu.memory_space<hbm>> -> memref<64xf32, #tpu.memory_space<hbm>>
      tpu.enqueue_dma source(%dma_start3A_9 : memref<64xf32, #tpu.memory_space<hbm>>) target(%arg10 : memref<64xf32, #tpu.memory_space<vmem>>) target_semaphore(%run_scoped3A : memref<!tpu.dma_semaphore, #tpu.memory_space<semaphore_mem>>)
      %dma_wait3A = tpu.memref_slice %arg5[%mul3A_2] : memref<2048xf32, #tpu.memory_space<hbm>> -> memref<64xf32, #tpu.memory_space<hbm>>
      %dma_wait3A_10 = tpu.memref_slice %arg5[%mul3A_2] : memref<2048xf32, #tpu.memory_space<hbm>> -> memref<64xf32, #tpu.memory_space<hbm>>
      tpu.wait_dma2 semaphore(%run_scoped3A : memref<!tpu.dma_semaphore, #tpu.memory_space<semaphore_mem>>) src(%dma_wait3A_10 : memref<64xf32, #tpu.memory_space<hbm>>) dst(%arg10 : memref<64xf32, #tpu.memory_space<vmem>>)
      tpu.yield
    }) : () -> ()
    "tpu.region"() ({
      %run_scoped3A = tpu.sem_alloc : memref<!tpu.dma_semaphore, #tpu.memory_space<semaphore_mem>>
      %dma_start3A = tpu.memref_slice %arg6[%mul3A_2] : memref<2048xf32, #tpu.memory_space<hbm>> -> memref<64xf32, #tpu.memory_space<hbm>>
      %dma_start3A_9 = tpu.memref_slice %arg6[%mul3A_2] : memref<2048xf32, #tpu.memory_space<hbm>> -> memref<64xf32, #tpu.memory_space<hbm>>
      tpu.enqueue_dma source(%dma_start3A_9 : memref<64xf32, #tpu.memory_space<hbm>>) target(%arg11 : memref<64xf32, #tpu.memory_space<vmem>>) target_semaphore(%run_scoped3A : memref<!tpu.dma_semaphore, #tpu.memory_space<semaphore_mem>>)
      %dma_wait3A = tpu.memref_slice %arg6[%mul3A_2] : memref<2048xf32, #tpu.memory_space<hbm>> -> memref<64xf32, #tpu.memory_space<hbm>>
      %dma_wait3A_10 = tpu.memref_slice %arg6[%mul3A_2] : memref<2048xf32, #tpu.memory_space<hbm>> -> memref<64xf32, #tpu.memory_space<hbm>>
      tpu.wait_dma2 semaphore(%run_scoped3A : memref<!tpu.dma_semaphore, #tpu.memory_space<semaphore_mem>>) src(%dma_wait3A_10 : memref<64xf32, #tpu.memory_space<hbm>>) dst(%arg11 : memref<64xf32, #tpu.memory_space<vmem>>)
      tpu.yield
    }) : () -> ()
    %scan3A = arith.constant 0 : i32
    %scan3A_3 = arith.constant 0 : i32
    %scan3A_4 = arith.constant 2 : i32
    %scan3A_5 = arith.addi %scan3A_3, %scan3A_4 : i32
    %scan3A_6 = arith.constant 1 : i32
    %scan3A_7 = scf.for %scan3A_9 = %scan3A_3 to %scan3A_5 step %scan3A_6 iter_args(%scan3A_10 = %scan3A) -> (i32)  : i32 {
      %mul3A_11 = arith.constant 32 : i32
      %mul3A_12 = arith.muli %scan3A_9, %mul3A_11 : i32
      %dma_start3A = tpu.memref_slice %arg8[%mul3A_12] : memref<64xi32, #tpu.memory_space<vmem>> -> memref<32xi32, #tpu.memory_space<vmem>>
      %dma_start3A_13 = arith.constant 0 : i32
      %dma_start3A_14 = arith.constant 0 : i32
      %dma_start3A_15 = tpu.memref_slice %arg2[%dma_start3A_13, %dma_start3A_14] : memref<6144x768xf32, #tpu.memory_space<hbm>> -> memref<6144x768xf32, #tpu.memory_space<hbm>>
      tpu.enqueue_indirect_dma source(%dma_start3A_15 : memref<6144x768xf32, #tpu.memory_space<hbm>>) target(%arg12 : memref<32x768xf32, #tpu.memory_space<vmem>>) offsets(%dma_start3A : memref<32xi32, #tpu.memory_space<vmem>>) semaphore(%arg14 : memref<!tpu.dma_semaphore, #tpu.memory_space<semaphore_mem>>)
      %mul3A_16 = arith.constant 32 : i32
      %mul3A_17 = arith.muli %scan3A_9, %mul3A_16 : i32
      %dma_start3A_18 = tpu.memref_slice %arg9[%mul3A_17] : memref<64xi32, #tpu.memory_space<vmem>> -> memref<32xi32, #tpu.memory_space<vmem>>
      %dma_start3A_19 = arith.constant 0 : i32
      %dma_start3A_20 = arith.constant 0 : i32
      %dma_start3A_21 = tpu.memref_slice %arg2[%dma_start3A_19, %dma_start3A_20] : memref<6144x768xf32, #tpu.memory_space<hbm>> -> memref<6144x768xf32, #tpu.memory_space<hbm>>
      tpu.enqueue_indirect_dma source(%dma_start3A_21 : memref<6144x768xf32, #tpu.memory_space<hbm>>) target(%arg13 : memref<32x768xf32, #tpu.memory_space<vmem>>) offsets(%dma_start3A_18 : memref<32xi32, #tpu.memory_space<vmem>>) semaphore(%arg15 : memref<!tpu.dma_semaphore, #tpu.memory_space<semaphore_mem>>)
      %mul3A_22 = arith.constant 32 : i32
      %mul3A_23 = arith.muli %scan3A_9, %mul3A_22 : i32
      %dma_wait3A = tpu.memref_slice %arg8[%mul3A_23] : memref<64xi32, #tpu.memory_space<vmem>> -> memref<32xi32, #tpu.memory_space<vmem>>
      %dma_wait3A_24 = arith.constant 0 : i32
      %dma_wait3A_25 = arith.constant 0 : i32
      %dma_wait3A_26 = tpu.memref_slice %arg2[%dma_wait3A_24, %dma_wait3A_25] : memref<6144x768xf32, #tpu.memory_space<hbm>> -> memref<6144x768xf32, #tpu.memory_space<hbm>>
      tpu.wait_indirect_dma semaphore(%arg14 : memref<!tpu.dma_semaphore, #tpu.memory_space<semaphore_mem>>) src(%dma_wait3A_26 : memref<6144x768xf32, #tpu.memory_space<hbm>>) dst(%arg12 : memref<32x768xf32, #tpu.memory_space<vmem>>)
      %mul3A_27 = arith.constant 32 : i32
      %mul3A_28 = arith.muli %scan3A_9, %mul3A_27 : i32
      %dma_wait3A_29 = tpu.memref_slice %arg9[%mul3A_28] : memref<64xi32, #tpu.memory_space<vmem>> -> memref<32xi32, #tpu.memory_space<vmem>>
      %dma_wait3A_30 = arith.constant 0 : i32
      %dma_wait3A_31 = arith.constant 0 : i32
      %dma_wait3A_32 = tpu.memref_slice %arg2[%dma_wait3A_30, %dma_wait3A_31] : memref<6144x768xf32, #tpu.memory_space<hbm>> -> memref<6144x768xf32, #tpu.memory_space<hbm>>
      tpu.wait_indirect_dma semaphore(%arg15 : memref<!tpu.dma_semaphore, #tpu.memory_space<semaphore_mem>>) src(%dma_wait3A_32 : memref<6144x768xf32, #tpu.memory_space<hbm>>) dst(%arg13 : memref<32x768xf32, #tpu.memory_space<vmem>>)
      %scan3A_33 = arith.constant 0 : i32
      %scan3A_34 = arith.constant 0 : i32
      %scan3A_35 = arith.constant 32 : i32
      %scan3A_36 = arith.addi %scan3A_34, %scan3A_35 : i32
      %scan3A_37 = arith.constant 1 : i32
      %scan3A_38 = scf.for %scan3A_44 = %scan3A_34 to %scan3A_36 step %scan3A_37 iter_args(%scan3A_45 = %scan3A_33) -> (i32)  : i32 {
        %mul3A_46 = arith.constant 32 : i32
        %mul3A_47 = arith.muli %scan3A_9, %mul3A_46 : i32
        %add3A_48 = arith.addi %mul3A_47, %scan3A_44 : i32
        %get3A = arith.index_cast %add3A_48 : i32 to index
        %get3A_49 = tpu.vector_load %arg10[%get3A] {strides = array<i32>} : memref<64xf32, #tpu.memory_space<vmem>>, vector<1xf32>,
        %get3A_50 = vector.shape_cast %get3A_49 : vector<1xf32> to vector<1xf32>
        %squeeze3A = vector.extract %get3A_50[0] : f32 from vector<1xf32>
        %mul3A_51 = arith.constant 32 : i32
        %mul3A_52 = arith.muli %scan3A_9, %mul3A_51 : i32
        %add3A_53 = arith.addi %mul3A_52, %scan3A_44 : i32
        %get3A_54 = arith.index_cast %add3A_53 : i32 to index
        %get3A_55 = tpu.vector_load %arg11[%get3A_54] {strides = array<i32>} : memref<64xf32, #tpu.memory_space<vmem>>, vector<1xf32>,
        %get3A_56 = vector.shape_cast %get3A_55 : vector<1xf32> to vector<1xf32>
        %squeeze3A_57 = vector.extract %get3A_56[0] : f32 from vector<1xf32>
        %get3A_58 = arith.index_cast %scan3A_44 : i32 to index
        %get3A_59 = arith.constant 0 : index
        %get3A_60 = tpu.vector_load %arg12[%get3A_58, %get3A_59] {strides = array<i32>} : memref<32x768xf32, #tpu.memory_space<vmem>>, vector<1x16xf32>,
        %get3A_61 = vector.shape_cast %get3A_60 : vector<1x16xf32> to vector<16xf32>
        %mul3A_62 = vector.broadcast %squeeze3A : f32 to vector<16xf32>
        %mul3A_63 = arith.mulf %get3A_61, %mul3A_62 : vector<16xf32>
        %get3A_64 = arith.index_cast %scan3A_44 : i32 to index
        %get3A_65 = arith.constant 0 : index
        %get3A_66 = tpu.vector_load %arg13[%get3A_64, %get3A_65] {strides = array<i32>} : memref<32x768xf32, #tpu.memory_space<vmem>>, vector<1x16xf32>,
        %get3A_67 = vector.shape_cast %get3A_66 : vector<1x16xf32> to vector<16xf32>
        %mul3A_68 = vector.broadcast %squeeze3A_57 : f32 to vector<16xf32>
        %mul3A_69 = arith.mulf %get3A_67, %mul3A_68 : vector<16xf32>
        %add3A_70 = arith.addf %mul3A_63, %mul3A_69 : vector<16xf32>
        %swap3A = arith.index_cast %scan3A_44 : i32 to index
        %swap3A_71 = arith.constant 0 : index
        %swap3A_72 = tpu.vector_load %arg12[%swap3A, %swap3A_71] {strides = array<i32>} : memref<32x768xf32, #tpu.memory_space<vmem>>, vector<1x16xf32>,
        %swap3A_73 = vector.shape_cast %swap3A_72 : vector<1x16xf32> to vector<16xf32>
        %swap3A_74 = vector.shape_cast %add3A_70 : vector<16xf32> to vector<1x16xf32>
        tpu.vector_store %arg12[%swap3A, %swap3A_71], %swap3A_74 {strides = array<i32>} : memref<32x768xf32, #tpu.memory_space<vmem>>, vector<1x16xf32>,
        %get3A_75 = arith.index_cast %scan3A_44 : i32 to index
        %get3A_76 = arith.constant 16 : index
        %get3A_77 = tpu.vector_load %arg12[%get3A_75, %get3A_76] {strides = array<i32>} : memref<32x768xf32, #tpu.memory_space<vmem>>, vector<1x16xf32>,
        %get3A_78 = vector.shape_cast %get3A_77 : vector<1x16xf32> to vector<16xf32>
        %mul3A_79 = vector.broadcast %squeeze3A : f32 to vector<16xf32>
        %mul3A_80 = arith.mulf %get3A_78, %mul3A_79 : vector<16xf32>
        %get3A_81 = arith.index_cast %scan3A_44 : i32 to index
        %get3A_82 = arith.constant 16 : index
        %get3A_83 = tpu.vector_load %arg13[%get3A_81, %get3A_82] {strides = array<i32>} : memref<32x768xf32, #tpu.memory_space<vmem>>, vector<1x16xf32>,
        %get3A_84 = vector.shape_cast %get3A_83 : vector<1x16xf32> to vector<16xf32>
        %mul3A_85 = vector.broadcast %squeeze3A_57 : f32 to vector<16xf32>
        %mul3A_86 = arith.mulf %get3A_84, %mul3A_85 : vector<16xf32>
        %add3A_87 = arith.addf %mul3A_80, %mul3A_86 : vector<16xf32>
        %swap3A_88 = arith.index_cast %scan3A_44 : i32 to index
        %swap3A_89 = arith.constant 16 : index
        %swap3A_90 = tpu.vector_load %arg12[%swap3A_88, %swap3A_89] {strides = array<i32>} : memref<32x768xf32, #tpu.memory_space<vmem>>, vector<1x16xf32>,
        %swap3A_91 = vector.shape_cast %swap3A_90 : vector<1x16xf32> to vector<16xf32>
        %swap3A_92 = vector.shape_cast %add3A_87 : vector<16xf32> to vector<1x16xf32>
        tpu.vector_store %arg12[%swap3A_88, %swap3A_89], %swap3A_92 {strides = array<i32>} : memref<32x768xf32, #tpu.memory_space<vmem>>, vector<1x16xf32>,
        %get3A_93 = arith.index_cast %scan3A_44 : i32 to index
        %get3A_94 = arith.constant 32 : index
        %get3A_95 = tpu.vector_load %arg12[%get3A_93, %get3A_94] {strides = array<i32>} : memref<32x768xf32, #tpu.memory_space<vmem>>, vector<1x16xf32>,
        %get3A_96 = vector.shape_cast %get3A_95 : vector<1x16xf32> to vector<16xf32>
        %mul3A_97 = vector.broadcast %squeeze3A : f32 to vector<16xf32>
        %mul3A_98 = arith.mulf %get3A_96, %mul3A_97 : vector<16xf32>
        %get3A_99 = arith.index_cast %scan3A_44 : i32 to index
        %get3A_100 = arith.constant 32 : index
        %get3A_101 = tpu.vector_load %arg13[%get3A_99, %get3A_100] {strides = array<i32>} : memref<32x768xf32, #tpu.memory_space<vmem>>, vector<1x16xf32>,
        %get3A_102 = vector.shape_cast %get3A_101 : vector<1x16xf32> to vector<16xf32>
        %mul3A_103 = vector.broadcast %squeeze3A_57 : f32 to vector<16xf32>
        %mul3A_104 = arith.mulf %get3A_102, %mul3A_103 : vector<16xf32>
        %add3A_105 = arith.addf %mul3A_98, %mul3A_104 : vector<16xf32>
        %swap3A_106 = arith.index_cast %scan3A_44 : i32 to index
        %swap3A_107 = arith.constant 32 : index
        %swap3A_108 = tpu.vector_load %arg12[%swap3A_106, %swap3A_107] {strides = array<i32>} : memref<32x768xf32, #tpu.memory_space<vmem>>, vector<1x16xf32>,
        %swap3A_109 = vector.shape_cast %swap3A_108 : vector<1x16xf32> to vector<16xf32>
        %swap3A_110 = vector.shape_cast %add3A_105 : vector<16xf32> to vector<1x16xf32>
        tpu.vector_store %arg12[%swap3A_106, %swap3A_107], %swap3A_110 {strides = array<i32>} : memref<32x768xf32, #tpu.memory_space<vmem>>, vector<1x16xf32>,
        %get3A_111 = arith.index_cast %scan3A_44 : i32 to index
        %get3A_112 = arith.constant 48 : index
        %get3A_113 = tpu.vector_load %arg12[%get3A_111, %get3A_112] {strides = array<i32>} : memref<32x768xf32, #tpu.memory_space<vmem>>, vector<1x16xf32>,
        %get3A_114 = vector.shape_cast %get3A_113 : vector<1x16xf32> to vector<16xf32>
        %mul3A_115 = vector.broadcast %squeeze3A : f32 to vector<16xf32>
        %mul3A_116 = arith.mulf %get3A_114, %mul3A_115 : vector<16xf32>
        %get3A_117 = arith.index_cast %scan3A_44 : i32 to index
        %get3A_118 = arith.constant 48 : index
        %get3A_119 = tpu.vector_load %arg13[%get3A_117, %get3A_118] {strides = array<i32>} : memref<32x768xf32, #tpu.memory_space<vmem>>, vector<1x16xf32>,
        %get3A_120 = vector.shape_cast %get3A_119 : vector<1x16xf32> to vector<16xf32>
        %mul3A_121 = vector.broadcast %squeeze3A_57 : f32 to vector<16xf32>
        %mul3A_122 = arith.mulf %get3A_120, %mul3A_121 : vector<16xf32>
        %add3A_123 = arith.addf %mul3A_116, %mul3A_122 : vector<16xf32>
        %swap3A_124 = arith.index_cast %scan3A_44 : i32 to index
        %swap3A_125 = arith.constant 48 : index
        %swap3A_126 = tpu.vector_load %arg12[%swap3A_124, %swap3A_125] {strides = array<i32>} : memref<32x768xf32, #tpu.memory_space<vmem>>, vector<1x16xf32>,
        %swap3A_127 = vector.shape_cast %swap3A_126 : vector<1x16xf32> to vector<16xf32>
        %swap3A_128 = vector.shape_cast %add3A_123 : vector<16xf32> to vector<1x16xf32>
        tpu.vector_store %arg12[%swap3A_124, %swap3A_125], %swap3A_128 {strides = array<i32>} : memref<32x768xf32, #tpu.memory_space<vmem>>, vector<1x16xf32>,
        %get3A_129 = arith.index_cast %scan3A_44 : i32 to index
        %get3A_130 = arith.constant 64 : index
        %get3A_131 = tpu.vector_load %arg12[%get3A_129, %get3A_130] {strides = array<i32>} : memref<32x768xf32, #tpu.memory_space<vmem>>, vector<1x16xf32>,
        %get3A_132 = vector.shape_cast %get3A_131 : vector<1x16xf32> to vector<16xf32>
        %mul3A_133 = vector.broadcast %squeeze3A : f32 to vector<16xf32>
        %mul3A_134 = arith.mulf %get3A_132, %mul3A_133 : vector<16xf32>
        %get3A_135 = arith.index_cast %scan3A_44 : i32 to index
        %get3A_136 = arith.constant 64 : index
        %get3A_137 = tpu.vector_load %arg13[%get3A_135, %get3A_136] {strides = array<i32>} : memref<32x768xf32, #tpu.memory_space<vmem>>, vector<1x16xf32>,
        %get3A_138 = vector.shape_cast %get3A_137 : vector<1x16xf32> to vector<16xf32>
        %mul3A_139 = vector.broadcast %squeeze3A_57 : f32 to vector<16xf32>
        %mul3A_140 = arith.mulf %get3A_138, %mul3A_139 : vector<16xf32>
        %add3A_141 = arith.addf %mul3A_134, %mul3A_140 : vector<16xf32>
        %swap3A_142 = arith.index_cast %scan3A_44 : i32 to index
        %swap3A_143 = arith.constant 64 : index
        %swap3A_144 = tpu.vector_load %arg12[%swap3A_142, %swap3A_143] {strides = array<i32>} : memref<32x768xf32, #tpu.memory_space<vmem>>, vector<1x16xf32>,
        %swap3A_145 = vector.shape_cast %swap3A_144 : vector<1x16xf32> to vector<16xf32>
        %swap3A_146 = vector.shape_cast %add3A_141 : vector<16xf32> to vector<1x16xf32>
        tpu.vector_store %arg12[%swap3A_142, %swap3A_143], %swap3A_146 {strides = array<i32>} : memref<32x768xf32, #tpu.memory_space<vmem>>, vector<1x16xf32>,
        %get3A_147 = arith.index_cast %scan3A_44 : i32 to index
        %get3A_148 = arith.constant 80 : index
        %get3A_149 = tpu.vector_load %arg12[%get3A_147, %get3A_148] {strides = array<i32>} : memref<32x768xf32, #tpu.memory_space<vmem>>, vector<1x16xf32>,
        %get3A_150 = vector.shape_cast %get3A_149 : vector<1x16xf32> to vector<16xf32>
        %mul3A_151 = vector.broadcast %squeeze3A : f32 to vector<16xf32>
        %mul3A_152 = arith.mulf %get3A_150, %mul3A_151 : vector<16xf32>
        %get3A_153 = arith.index_cast %scan3A_44 : i32 to index
        %get3A_154 = arith.constant 80 : index
        %get3A_155 = tpu.vector_load %arg13[%get3A_153, %get3A_154] {strides = array<i32>} : memref<32x768xf32, #tpu.memory_space<vmem>>, vector<1x16xf32>,
        %get3A_156 = vector.shape_cast %get3A_155 : vector<1x16xf32> to vector<16xf32>
        %mul3A_157 = vector.broadcast %squeeze3A_57 : f32 to vector<16xf32>
        %mul3A_158 = arith.mulf %get3A_156, %mul3A_157 : vector<16xf32>
        %add3A_159 = arith.addf %mul3A_152, %mul3A_158 : vector<16xf32>
        %swap3A_160 = arith.index_cast %scan3A_44 : i32 to index
        %swap3A_161 = arith.constant 80 : index
        %swap3A_162 = tpu.vector_load %arg12[%swap3A_160, %swap3A_161] {strides = array<i32>} : memref<32x768xf32, #tpu.memory_space<vmem>>, vector<1x16xf32>,
        %swap3A_163 = vector.shape_cast %swap3A_162 : vector<1x16xf32> to vector<16xf32>
        %swap3A_164 = vector.shape_cast %add3A_159 : vector<16xf32> to vector<1x16xf32>
        tpu.vector_store %arg12[%swap3A_160, %swap3A_161], %swap3A_164 {strides = array<i32>} : memref<32x768xf32, #tpu.memory_space<vmem>>, vector<1x16xf32>,
        %get3A_165 = arith.index_cast %scan3A_44 : i32 to index
        %get3A_166 = arith.constant 96 : index
        %get3A_167 = tpu.vector_load %arg12[%get3A_165, %get3A_166] {strides = array<i32>} : memref<32x768xf32, #tpu.memory_space<vmem>>, vector<1x16xf32>,
        %get3A_168 = vector.shape_cast %get3A_167 : vector<1x16xf32> to vector<16xf32>
        %mul3A_169 = vector.broadcast %squeeze3A : f32 to vector<16xf32>
        %mul3A_170 = arith.mulf %get3A_168, %mul3A_169 : vector<16xf32>
        %get3A_171 = arith.index_cast %scan3A_44 : i32 to index
        %get3A_172 = arith.constant 96 : index
        %get3A_173 = tpu.vector_load %arg13[%get3A_171, %get3A_172] {strides = array<i32>} : memref<32x768xf32, #tpu.memory_space<vmem>>, vector<1x16xf32>,
        %get3A_174 = vector.shape_cast %get3A_173 : vector<1x16xf32> to vector<16xf32>
        %mul3A_175 = vector.broadcast %squeeze3A_57 : f32 to vector<16xf32>
        %mul3A_176 = arith.mulf %get3A_174, %mul3A_175 : vector<16xf32>
        %add3A_177 = arith.addf %mul3A_170, %mul3A_176 : vector<16xf32>
        %swap3A_178 = arith.index_cast %scan3A_44 : i32 to index
        %swap3A_179 = arith.constant 96 : index
        %swap3A_180 = tpu.vector_load %arg12[%swap3A_178, %swap3A_179] {strides = array<i32>} : memref<32x768xf32, #tpu.memory_space<vmem>>, vector<1x16xf32>,
        %swap3A_181 = vector.shape_cast %swap3A_180 : vector<1x16xf32> to vector<16xf32>
        %swap3A_182 = vector.shape_cast %add3A_177 : vector<16xf32> to vector<1x16xf32>
        tpu.vector_store %arg12[%swap3A_178, %swap3A_179], %swap3A_182 {strides = array<i32>} : memref<32x768xf32, #tpu.memory_space<vmem>>, vector<1x16xf32>,
        %get3A_183 = arith.index_cast %scan3A_44 : i32 to index
        %get3A_184 = arith.constant 112 : index
        %get3A_185 = tpu.vector_load %arg12[%get3A_183, %get3A_184] {strides = array<i32>} : memref<32x768xf32, #tpu.memory_space<vmem>>, vector<1x16xf32>,
        %get3A_186 = vector.shape_cast %get3A_185 : vector<1x16xf32> to vector<16xf32>
        %mul3A_187 = vector.broadcast %squeeze3A : f32 to vector<16xf32>
        %mul3A_188 = arith.mulf %get3A_186, %mul3A_187 : vector<16xf32>
        %get3A_189 = arith.index_cast %scan3A_44 : i32 to index
        %get3A_190 = arith.constant 112 : index
        %get3A_191 = tpu.vector_load %arg13[%get3A_189, %get3A_190] {strides = array<i32>} : memref<32x768xf32, #tpu.memory_space<vmem>>, vector<1x16xf32>,
        %get3A_192 = vector.shape_cast %get3A_191 : vector<1x16xf32> to vector<16xf32>
        %mul3A_193 = vector.broadcast %squeeze3A_57 : f32 to vector<16xf32>
        %mul3A_194 = arith.mulf %get3A_192, %mul3A_193 : vector<16xf32>
        %add3A_195 = arith.addf %mul3A_188, %mul3A_194 : vector<16xf32>
        %swap3A_196 = arith.index_cast %scan3A_44 : i32 to index
        %swap3A_197 = arith.constant 112 : index
        %swap3A_198 = tpu.vector_load %arg12[%swap3A_196, %swap3A_197] {strides = array<i32>} : memref<32x768xf32, #tpu.memory_space<vmem>>, vector<1x16xf32>,
        %swap3A_199 = vector.shape_cast %swap3A_198 : vector<1x16xf32> to vector<16xf32>
        %swap3A_200 = vector.shape_cast %add3A_195 : vector<16xf32> to vector<1x16xf32>
        tpu.vector_store %arg12[%swap3A_196, %swap3A_197], %swap3A_200 {strides = array<i32>} : memref<32x768xf32, #tpu.memory_space<vmem>>, vector<1x16xf32>,
        %get3A_201 = arith.index_cast %scan3A_44 : i32 to index
        %get3A_202 = arith.constant 128 : index
        %get3A_203 = tpu.vector_load %arg12[%get3A_201, %get3A_202] {strides = array<i32>} : memref<32x768xf32, #tpu.memory_space<vmem>>, vector<1x16xf32>,
        %get3A_204 = vector.shape_cast %get3A_203 : vector<1x16xf32> to vector<16xf32>
        %mul3A_205 = vector.broadcast %squeeze3A : f32 to vector<16xf32>
        %mul3A_206 = arith.mulf %get3A_204, %mul3A_205 : vector<16xf32>
        %get3A_207 = arith.index_cast %scan3A_44 : i32 to index
        %get3A_208 = arith.constant 128 : index
        %get3A_209 = tpu.vector_load %arg13[%get3A_207, %get3A_208] {strides = array<i32>} : memref<32x768xf32, #tpu.memory_space<vmem>>, vector<1x16xf32>,
        %get3A_210 = vector.shape_cast %get3A_209 : vector<1x16xf32> to vector<16xf32>
        %mul3A_211 = vector.broadcast %squeeze3A_57 : f32 to vector<16xf32>
        %mul3A_212 = arith.mulf %get3A_210, %mul3A_211 : vector<16xf32>
        %add3A_213 = arith.addf %mul3A_206, %mul3A_212 : vector<16xf32>
        %swap3A_214 = arith.index_cast %scan3A_44 : i32 to index
        %swap3A_215 = arith.constant 128 : index
        %swap3A_216 = tpu.vector_load %arg12[%swap3A_214, %swap3A_215] {strides = array<i32>} : memref<32x768xf32, #tpu.memory_space<vmem>>, vector<1x16xf32>,
        %swap3A_217 = vector.shape_cast %swap3A_216 : vector<1x16xf32> to vector<16xf32>
        %swap3A_218 = vector.shape_cast %add3A_213 : vector<16xf32> to vector<1x16xf32>
        tpu.vector_store %arg12[%swap3A_214, %swap3A_215], %swap3A_218 {strides = array<i32>} : memref<32x768xf32, #tpu.memory_space<vmem>>, vector<1x16xf32>,
        %get3A_219 = arith.index_cast %scan3A_44 : i32 to index
        %get3A_220 = arith.constant 144 : index
        %get3A_221 = tpu.vector_load %arg12[%get3A_219, %get3A_220] {strides = array<i32>} : memref<32x768xf32, #tpu.memory_space<vmem>>, vector<1x16xf32>,
        %get3A_222 = vector.shape_cast %get3A_221 : vector<1x16xf32> to vector<16xf32>
        %mul3A_223 = vector.broadcast %squeeze3A : f32 to vector<16xf32>
        %mul3A_224 = arith.mulf %get3A_222, %mul3A_223 : vector<16xf32>
        %get3A_225 = arith.index_cast %scan3A_44 : i32 to index
        %get3A_226 = arith.constant 144 : index
        %get3A_227 = tpu.vector_load %arg13[%get3A_225, %get3A_226] {strides = array<i32>} : memref<32x768xf32, #tpu.memory_space<vmem>>, vector<1x16xf32>,
        %get3A_228 = vector.shape_cast %get3A_227 : vector<1x16xf32> to vector<16xf32>
        %mul3A_229 = vector.broadcast %squeeze3A_57 : f32 to vector<16xf32>
        %mul3A_230 = arith.mulf %get3A_228, %mul3A_229 : vector<16xf32>
        %add3A_231 = arith.addf %mul3A_224, %mul3A_230 : vector<16xf32>
        %swap3A_232 = arith.index_cast %scan3A_44 : i32 to index
        %swap3A_233 = arith.constant 144 : index
        %swap3A_234 = tpu.vector_load %arg12[%swap3A_232, %swap3A_233] {strides = array<i32>} : memref<32x768xf32, #tpu.memory_space<vmem>>, vector<1x16xf32>,
        %swap3A_235 = vector.shape_cast %swap3A_234 : vector<1x16xf32> to vector<16xf32>
        %swap3A_236 = vector.shape_cast %add3A_231 : vector<16xf32> to vector<1x16xf32>
        tpu.vector_store %arg12[%swap3A_232, %swap3A_233], %swap3A_236 {strides = array<i32>} : memref<32x768xf32, #tpu.memory_space<vmem>>, vector<1x16xf32>,
        %get3A_237 = arith.index_cast %scan3A_44 : i32 to index
        %get3A_238 = arith.constant 160 : index
        %get3A_239 = tpu.vector_load %arg12[%get3A_237, %get3A_238] {strides = array<i32>} : memref<32x768xf32, #tpu.memory_space<vmem>>, vector<1x16xf32>,
        %get3A_240 = vector.shape_cast %get3A_239 : vector<1x16xf32> to vector<16xf32>
        %mul3A_241 = vector.broadcast %squeeze3A : f32 to vector<16xf32>
        %mul3A_242 = arith.mulf %get3A_240, %mul3A_241 : vector<16xf32>
        %get3A_243 = arith.index_cast %scan3A_44 : i32 to index
        %get3A_244 = arith.constant 160 : index
        %get3A_245 = tpu.vector_load %arg13[%get3A_243, %get3A_244] {strides = array<i32>} : memref<32x768xf32, #tpu.memory_space<vmem>>, vector<1x16xf32>,
        %get3A_246 = vector.shape_cast %get3A_245 : vector<1x16xf32> to vector<16xf32>
        %mul3A_247 = vector.broadcast %squeeze3A_57 : f32 to vector<16xf32>
        %mul3A_248 = arith.mulf %get3A_246, %mul3A_247 : vector<16xf32>
        %add3A_249 = arith.addf %mul3A_242, %mul3A_248 : vector<16xf32>
        %swap3A_250 = arith.index_cast %scan3A_44 : i32 to index
        %swap3A_251 = arith.constant 160 : index
        %swap3A_252 = tpu.vector_load %arg12[%swap3A_250, %swap3A_251] {strides = array<i32>} : memref<32x768xf32, #tpu.memory_space<vmem>>, vector<1x16xf32>,
        %swap3A_253 = vector.shape_cast %swap3A_252 : vector<1x16xf32> to vector<16xf32>
        %swap3A_254 = vector.shape_cast %add3A_249 : vector<16xf32> to vector<1x16xf32>
        tpu.vector_store %arg12[%swap3A_250, %swap3A_251], %swap3A_254 {strides = array<i32>} : memref<32x768xf32, #tpu.memory_space<vmem>>, vector<1x16xf32>,
        %get3A_255 = arith.index_cast %scan3A_44 : i32 to index
        %get3A_256 = arith.constant 176 : index
        %get3A_257 = tpu.vector_load %arg12[%get3A_255, %get3A_256] {strides = array<i32>} : memref<32x768xf32, #tpu.memory_space<vmem>>, vector<1x16xf32>,
        %get3A_258 = vector.shape_cast %get3A_257 : vector<1x16xf32> to vector<16xf32>
        %mul3A_259 = vector.broadcast %squeeze3A : f32 to vector<16xf32>
        %mul3A_260 = arith.mulf %get3A_258, %mul3A_259 : vector<16xf32>
        %get3A_261 = arith.index_cast %scan3A_44 : i32 to index
        %get3A_262 = arith.constant 176 : index
        %get3A_263 = tpu.vector_load %arg13[%get3A_261, %get3A_262] {strides = array<i32>} : memref<32x768xf32, #tpu.memory_space<vmem>>, vector<1x16xf32>,
        %get3A_264 = vector.shape_cast %get3A_263 : vector<1x16xf32> to vector<16xf32>
        %mul3A_265 = vector.broadcast %squeeze3A_57 : f32 to vector<16xf32>
        %mul3A_266 = arith.mulf %get3A_264, %mul3A_265 : vector<16xf32>
        %add3A_267 = arith.addf %mul3A_260, %mul3A_266 : vector<16xf32>
        %swap3A_268 = arith.index_cast %scan3A_44 : i32 to index
        %swap3A_269 = arith.constant 176 : index
        %swap3A_270 = tpu.vector_load %arg12[%swap3A_268, %swap3A_269] {strides = array<i32>} : memref<32x768xf32, #tpu.memory_space<vmem>>, vector<1x16xf32>,
        %swap3A_271 = vector.shape_cast %swap3A_270 : vector<1x16xf32> to vector<16xf32>
        %swap3A_272 = vector.shape_cast %add3A_267 : vector<16xf32> to vector<1x16xf32>
        tpu.vector_store %arg12[%swap3A_268, %swap3A_269], %swap3A_272 {strides = array<i32>} : memref<32x768xf32, #tpu.memory_space<vmem>>, vector<1x16xf32>,
        %get3A_273 = arith.index_cast %scan3A_44 : i32 to index
        %get3A_274 = arith.constant 192 : index
        %get3A_275 = tpu.vector_load %arg12[%get3A_273, %get3A_274] {strides = array<i32>} : memref<32x768xf32, #tpu.memory_space<vmem>>, vector<1x16xf32>,
        %get3A_276 = vector.shape_cast %get3A_275 : vector<1x16xf32> to vector<16xf32>
        %mul3A_277 = vector.broadcast %squeeze3A : f32 to vector<16xf32>
        %mul3A_278 = arith.mulf %get3A_276, %mul3A_277 : vector<16xf32>
        %get3A_279 = arith.index_cast %scan3A_44 : i32 to index
        %get3A_280 = arith.constant 192 : index
        %get3A_281 = tpu.vector_load %arg13[%get3A_279, %get3A_280] {strides = array<i32>} : memref<32x768xf32, #tpu.memory_space<vmem>>, vector<1x16xf32>,
        %get3A_282 = vector.shape_cast %get3A_281 : vector<1x16xf32> to vector<16xf32>
        %mul3A_283 = vector.broadcast %squeeze3A_57 : f32 to vector<16xf32>
        %mul3A_284 = arith.mulf %get3A_282, %mul3A_283 : vector<16xf32>
        %add3A_285 = arith.addf %mul3A_278, %mul3A_284 : vector<16xf32>
        %swap3A_286 = arith.index_cast %scan3A_44 : i32 to index
        %swap3A_287 = arith.constant 192 : index
        %swap3A_288 = tpu.vector_load %arg12[%swap3A_286, %swap3A_287] {strides = array<i32>} : memref<32x768xf32, #tpu.memory_space<vmem>>, vector<1x16xf32>,
        %swap3A_289 = vector.shape_cast %swap3A_288 : vector<1x16xf32> to vector<16xf32>
        %swap3A_290 = vector.shape_cast %add3A_285 : vector<16xf32> to vector<1x16xf32>
        tpu.vector_store %arg12[%swap3A_286, %swap3A_287], %swap3A_290 {strides = array<i32>} : memref<32x768xf32, #tpu.memory_space<vmem>>, vector<1x16xf32>,
        %get3A_291 = arith.index_cast %scan3A_44 : i32 to index
        %get3A_292 = arith.constant 208 : index
        %get3A_293 = tpu.vector_load %arg12[%get3A_291, %get3A_292] {strides = array<i32>} : memref<32x768xf32, #tpu.memory_space<vmem>>, vector<1x16xf32>,
        %get3A_294 = vector.shape_cast %get3A_293 : vector<1x16xf32> to vector<16xf32>
        %mul3A_295 = vector.broadcast %squeeze3A : f32 to vector<16xf32>
        %mul3A_296 = arith.mulf %get3A_294, %mul3A_295 : vector<16xf32>
        %get3A_297 = arith.index_cast %scan3A_44 : i32 to index
        %get3A_298 = arith.constant 208 : index
        %get3A_299 = tpu.vector_load %arg13[%get3A_297, %get3A_298] {strides = array<i32>} : memref<32x768xf32, #tpu.memory_space<vmem>>, vector<1x16xf32>,
        %get3A_300 = vector.shape_cast %get3A_299 : vector<1x16xf32> to vector<16xf32>
        %mul3A_301 = vector.broadcast %squeeze3A_57 : f32 to vector<16xf32>
        %mul3A_302 = arith.mulf %get3A_300, %mul3A_301 : vector<16xf32>
        %add3A_303 = arith.addf %mul3A_296, %mul3A_302 : vector<16xf32>
        %swap3A_304 = arith.index_cast %scan3A_44 : i32 to index
        %swap3A_305 = arith.constant 208 : index
        %swap3A_306 = tpu.vector_load %arg12[%swap3A_304, %swap3A_305] {strides = array<i32>} : memref<32x768xf32, #tpu.memory_space<vmem>>, vector<1x16xf32>,
        %swap3A_307 = vector.shape_cast %swap3A_306 : vector<1x16xf32> to vector<16xf32>
        %swap3A_308 = vector.shape_cast %add3A_303 : vector<16xf32> to vector<1x16xf32>
        tpu.vector_store %arg12[%swap3A_304, %swap3A_305], %swap3A_308 {strides = array<i32>} : memref<32x768xf32, #tpu.memory_space<vmem>>, vector<1x16xf32>,
        %get3A_309 = arith.index_cast %scan3A_44 : i32 to index
        %get3A_310 = arith.constant 224 : index
        %get3A_311 = tpu.vector_load %arg12[%get3A_309, %get3A_310] {strides = array<i32>} : memref<32x768xf32, #tpu.memory_space<vmem>>, vector<1x16xf32>,
        %get3A_312 = vector.shape_cast %get3A_311 : vector<1x16xf32> to vector<16xf32>
        %mul3A_313 = vector.broadcast %squeeze3A : f32 to vector<16xf32>
        %mul3A_314 = arith.mulf %get3A_312, %mul3A_313 : vector<16xf32>
        %get3A_315 = arith.index_cast %scan3A_44 : i32 to index
        %get3A_316 = arith.constant 224 : index
        %get3A_317 = tpu.vector_load %arg13[%get3A_315, %get3A_316] {strides = array<i32>} : memref<32x768xf32, #tpu.memory_space<vmem>>, vector<1x16xf32>,
        %get3A_318 = vector.shape_cast %get3A_317 : vector<1x16xf32> to vector<16xf32>
        %mul3A_319 = vector.broadcast %squeeze3A_57 : f32 to vector<16xf32>
        %mul3A_320 = arith.mulf %get3A_318, %mul3A_319 : vector<16xf32>
        %add3A_321 = arith.addf %mul3A_314, %mul3A_320 : vector<16xf32>
        %swap3A_322 = arith.index_cast %scan3A_44 : i32 to index
        %swap3A_323 = arith.constant 224 : index
        %swap3A_324 = tpu.vector_load %arg12[%swap3A_322, %swap3A_323] {strides = array<i32>} : memref<32x768xf32, #tpu.memory_space<vmem>>, vector<1x16xf32>,
        %swap3A_325 = vector.shape_cast %swap3A_324 : vector<1x16xf32> to vector<16xf32>
        %swap3A_326 = vector.shape_cast %add3A_321 : vector<16xf32> to vector<1x16xf32>
        tpu.vector_store %arg12[%swap3A_322, %swap3A_323], %swap3A_326 {strides = array<i32>} : memref<32x768xf32, #tpu.memory_space<vmem>>, vector<1x16xf32>,
        %get3A_327 = arith.index_cast %scan3A_44 : i32 to index
        %get3A_328 = arith.constant 240 : index
        %get3A_329 = tpu.vector_load %arg12[%get3A_327, %get3A_328] {strides = array<i32>} : memref<32x768xf32, #tpu.memory_space<vmem>>, vector<1x16xf32>,
        %get3A_330 = vector.shape_cast %get3A_329 : vector<1x16xf32> to vector<16xf32>
        %mul3A_331 = vector.broadcast %squeeze3A : f32 to vector<16xf32>
        %mul3A_332 = arith.mulf %get3A_330, %mul3A_331 : vector<16xf32>
        %get3A_333 = arith.index_cast %scan3A_44 : i32 to index
        %get3A_334 = arith.constant 240 : index
        %get3A_335 = tpu.vector_load %arg13[%get3A_333, %get3A_334] {strides = array<i32>} : memref<32x768xf32, #tpu.memory_space<vmem>>, vector<1x16xf32>,
        %get3A_336 = vector.shape_cast %get3A_335 : vector<1x16xf32> to vector<16xf32>
        %mul3A_337 = vector.broadcast %squeeze3A_57 : f32 to vector<16xf32>
        %mul3A_338 = arith.mulf %get3A_336, %mul3A_337 : vector<16xf32>
        %add3A_339 = arith.addf %mul3A_332, %mul3A_338 : vector<16xf32>
        %swap3A_340 = arith.index_cast %scan3A_44 : i32 to index
        %swap3A_341 = arith.constant 240 : index
        %swap3A_342 = tpu.vector_load %arg12[%swap3A_340, %swap3A_341] {strides = array<i32>} : memref<32x768xf32, #tpu.memory_space<vmem>>, vector<1x16xf32>,
        %swap3A_343 = vector.shape_cast %swap3A_342 : vector<1x16xf32> to vector<16xf32>
        %swap3A_344 = vector.shape_cast %add3A_339 : vector<16xf32> to vector<1x16xf32>
        tpu.vector_store %arg12[%swap3A_340, %swap3A_341], %swap3A_344 {strides = array<i32>} : memref<32x768xf32, #tpu.memory_space<vmem>>, vector<1x16xf32>,
        %get3A_345 = arith.index_cast %scan3A_44 : i32 to index
        %get3A_346 = arith.constant 256 : index
        %get3A_347 = tpu.vector_load %arg12[%get3A_345, %get3A_346] {strides = array<i32>} : memref<32x768xf32, #tpu.memory_space<vmem>>, vector<1x16xf32>,
        %get3A_348 = vector.shape_cast %get3A_347 : vector<1x16xf32> to vector<16xf32>
        %mul3A_349 = vector.broadcast %squeeze3A : f32 to vector<16xf32>
        %mul3A_350 = arith.mulf %get3A_348, %mul3A_349 : vector<16xf32>
        %get3A_351 = arith.index_cast %scan3A_44 : i32 to index
        %get3A_352 = arith.constant 256 : index
        %get3A_353 = tpu.vector_load %arg13[%get3A_351, %get3A_352] {strides = array<i32>} : memref<32x768xf32, #tpu.memory_space<vmem>>, vector<1x16xf32>,
        %get3A_354 = vector.shape_cast %get3A_353 : vector<1x16xf32> to vector<16xf32>
        %mul3A_355 = vector.broadcast %squeeze3A_57 : f32 to vector<16xf32>
        %mul3A_356 = arith.mulf %get3A_354, %mul3A_355 : vector<16xf32>
        %add3A_357 = arith.addf %mul3A_350, %mul3A_356 : vector<16xf32>
        %swap3A_358 = arith.index_cast %scan3A_44 : i32 to index
        %swap3A_359 = arith.constant 256 : index
        %swap3A_360 = tpu.vector_load %arg12[%swap3A_358, %swap3A_359] {strides = array<i32>} : memref<32x768xf32, #tpu.memory_space<vmem>>, vector<1x16xf32>,
        %swap3A_361 = vector.shape_cast %swap3A_360 : vector<1x16xf32> to vector<16xf32>
        %swap3A_362 = vector.shape_cast %add3A_357 : vector<16xf32> to vector<1x16xf32>
        tpu.vector_store %arg12[%swap3A_358, %swap3A_359], %swap3A_362 {strides = array<i32>} : memref<32x768xf32, #tpu.memory_space<vmem>>, vector<1x16xf32>,
        %get3A_363 = arith.index_cast %scan3A_44 : i32 to index
        %get3A_364 = arith.constant 272 : index
        %get3A_365 = tpu.vector_load %arg12[%get3A_363, %get3A_364] {strides = array<i32>} : memref<32x768xf32, #tpu.memory_space<vmem>>, vector<1x16xf32>,
        %get3A_366 = vector.shape_cast %get3A_365 : vector<1x16xf32> to vector<16xf32>
        %mul3A_367 = vector.broadcast %squeeze3A : f32 to vector<16xf32>
        %mul3A_368 = arith.mulf %get3A_366, %mul3A_367 : vector<16xf32>
        %get3A_369 = arith.index_cast %scan3A_44 : i32 to index
        %get3A_370 = arith.constant 272 : index
        %get3A_371 = tpu.vector_load %arg13[%get3A_369, %get3A_370] {strides = array<i32>} : memref<32x768xf32, #tpu.memory_space<vmem>>, vector<1x16xf32>,
        %get3A_372 = vector.shape_cast %get3A_371 : vector<1x16xf32> to vector<16xf32>
        %mul3A_373 = vector.broadcast %squeeze3A_57 : f32 to vector<16xf32>
        %mul3A_374 = arith.mulf %get3A_372, %mul3A_373 : vector<16xf32>
        %add3A_375 = arith.addf %mul3A_368, %mul3A_374 : vector<16xf32>
        %swap3A_376 = arith.index_cast %scan3A_44 : i32 to index
        %swap3A_377 = arith.constant 272 : index
        %swap3A_378 = tpu.vector_load %arg12[%swap3A_376, %swap3A_377] {strides = array<i32>} : memref<32x768xf32, #tpu.memory_space<vmem>>, vector<1x16xf32>,
        %swap3A_379 = vector.shape_cast %swap3A_378 : vector<1x16xf32> to vector<16xf32>
        %swap3A_380 = vector.shape_cast %add3A_375 : vector<16xf32> to vector<1x16xf32>
        tpu.vector_store %arg12[%swap3A_376, %swap3A_377], %swap3A_380 {strides = array<i32>} : memref<32x768xf32, #tpu.memory_space<vmem>>, vector<1x16xf32>,
        %get3A_381 = arith.index_cast %scan3A_44 : i32 to index
        %get3A_382 = arith.constant 288 : index
        %get3A_383 = tpu.vector_load %arg12[%get3A_381, %get3A_382] {strides = array<i32>} : memref<32x768xf32, #tpu.memory_space<vmem>>, vector<1x16xf32>,
        %get3A_384 = vector.shape_cast %get3A_383 : vector<1x16xf32> to vector<16xf32>
        %mul3A_385 = vector.broadcast %squeeze3A : f32 to vector<16xf32>
        %mul3A_386 = arith.mulf %get3A_384, %mul3A_385 : vector<16xf32>
        %get3A_387 = arith.index_cast %scan3A_44 : i32 to index
        %get3A_388 = arith.constant 288 : index
        %get3A_389 = tpu.vector_load %arg13[%get3A_387, %get3A_388] {strides = array<i32>} : memref<32x768xf32, #tpu.memory_space<vmem>>, vector<1x16xf32>,
        %get3A_390 = vector.shape_cast %get3A_389 : vector<1x16xf32> to vector<16xf32>
        %mul3A_391 = vector.broadcast %squeeze3A_57 : f32 to vector<16xf32>
        %mul3A_392 = arith.mulf %get3A_390, %mul3A_391 : vector<16xf32>
        %add3A_393 = arith.addf %mul3A_386, %mul3A_392 : vector<16xf32>
        %swap3A_394 = arith.index_cast %scan3A_44 : i32 to index
        %swap3A_395 = arith.constant 288 : index
        %swap3A_396 = tpu.vector_load %arg12[%swap3A_394, %swap3A_395] {strides = array<i32>} : memref<32x768xf32, #tpu.memory_space<vmem>>, vector<1x16xf32>,
        %swap3A_397 = vector.shape_cast %swap3A_396 : vector<1x16xf32> to vector<16xf32>
        %swap3A_398 = vector.shape_cast %add3A_393 : vector<16xf32> to vector<1x16xf32>
        tpu.vector_store %arg12[%swap3A_394, %swap3A_395], %swap3A_398 {strides = array<i32>} : memref<32x768xf32, #tpu.memory_space<vmem>>, vector<1x16xf32>,
        %get3A_399 = arith.index_cast %scan3A_44 : i32 to index
        %get3A_400 = arith.constant 304 : index
        %get3A_401 = tpu.vector_load %arg12[%get3A_399, %get3A_400] {strides = array<i32>} : memref<32x768xf32, #tpu.memory_space<vmem>>, vector<1x16xf32>,
        %get3A_402 = vector.shape_cast %get3A_401 : vector<1x16xf32> to vector<16xf32>
        %mul3A_403 = vector.broadcast %squeeze3A : f32 to vector<16xf32>
        %mul3A_404 = arith.mulf %get3A_402, %mul3A_403 : vector<16xf32>
        %get3A_405 = arith.index_cast %scan3A_44 : i32 to index
        %get3A_406 = arith.constant 304 : index
        %get3A_407 = tpu.vector_load %arg13[%get3A_405, %get3A_406] {strides = array<i32>} : memref<32x768xf32, #tpu.memory_space<vmem>>, vector<1x16xf32>,
        %get3A_408 = vector.shape_cast %get3A_407 : vector<1x16xf32> to vector<16xf32>
        %mul3A_409 = vector.broadcast %squeeze3A_57 : f32 to vector<16xf32>
        %mul3A_410 = arith.mulf %get3A_408, %mul3A_409 : vector<16xf32>
        %add3A_411 = arith.addf %mul3A_404, %mul3A_410 : vector<16xf32>
        %swap3A_412 = arith.index_cast %scan3A_44 : i32 to index
        %swap3A_413 = arith.constant 304 : index
        %swap3A_414 = tpu.vector_load %arg12[%swap3A_412, %swap3A_413] {strides = array<i32>} : memref<32x768xf32, #tpu.memory_space<vmem>>, vector<1x16xf32>,
        %swap3A_415 = vector.shape_cast %swap3A_414 : vector<1x16xf32> to vector<16xf32>
        %swap3A_416 = vector.shape_cast %add3A_411 : vector<16xf32> to vector<1x16xf32>
        tpu.vector_store %arg12[%swap3A_412, %swap3A_413], %swap3A_416 {strides = array<i32>} : memref<32x768xf32, #tpu.memory_space<vmem>>, vector<1x16xf32>,
        %get3A_417 = arith.index_cast %scan3A_44 : i32 to index
        %get3A_418 = arith.constant 320 : index
        %get3A_419 = tpu.vector_load %arg12[%get3A_417, %get3A_418] {strides = array<i32>} : memref<32x768xf32, #tpu.memory_space<vmem>>, vector<1x16xf32>,
        %get3A_420 = vector.shape_cast %get3A_419 : vector<1x16xf32> to vector<16xf32>
        %mul3A_421 = vector.broadcast %squeeze3A : f32 to vector<16xf32>
        %mul3A_422 = arith.mulf %get3A_420, %mul3A_421 : vector<16xf32>
        %get3A_423 = arith.index_cast %scan3A_44 : i32 to index
        %get3A_424 = arith.constant 320 : index
        %get3A_425 = tpu.vector_load %arg13[%get3A_423, %get3A_424] {strides = array<i32>} : memref<32x768xf32, #tpu.memory_space<vmem>>, vector<1x16xf32>,
        %get3A_426 = vector.shape_cast %get3A_425 : vector<1x16xf32> to vector<16xf32>
        %mul3A_427 = vector.broadcast %squeeze3A_57 : f32 to vector<16xf32>
        %mul3A_428 = arith.mulf %get3A_426, %mul3A_427 : vector<16xf32>
        %add3A_429 = arith.addf %mul3A_422, %mul3A_428 : vector<16xf32>
        %swap3A_430 = arith.index_cast %scan3A_44 : i32 to index
        %swap3A_431 = arith.constant 320 : index
        %swap3A_432 = tpu.vector_load %arg12[%swap3A_430, %swap3A_431] {strides = array<i32>} : memref<32x768xf32, #tpu.memory_space<vmem>>, vector<1x16xf32>,
        %swap3A_433 = vector.shape_cast %swap3A_432 : vector<1x16xf32> to vector<16xf32>
        %swap3A_434 = vector.shape_cast %add3A_429 : vector<16xf32> to vector<1x16xf32>
        tpu.vector_store %arg12[%swap3A_430, %swap3A_431], %swap3A_434 {strides = array<i32>} : memref<32x768xf32, #tpu.memory_space<vmem>>, vector<1x16xf32>,
        %get3A_435 = arith.index_cast %scan3A_44 : i32 to index
        %get3A_436 = arith.constant 336 : index
        %get3A_437 = tpu.vector_load %arg12[%get3A_435, %get3A_436] {strides = array<i32>} : memref<32x768xf32, #tpu.memory_space<vmem>>, vector<1x16xf32>,
        %get3A_438 = vector.shape_cast %get3A_437 : vector<1x16xf32> to vector<16xf32>
        %mul3A_439 = vector.broadcast %squeeze3A : f32 to vector<16xf32>
        %mul3A_440 = arith.mulf %get3A_438, %mul3A_439 : vector<16xf32>
        %get3A_441 = arith.index_cast %scan3A_44 : i32 to index
        %get3A_442 = arith.constant 336 : index
        %get3A_443 = tpu.vector_load %arg13[%get3A_441, %get3A_442] {strides = array<i32>} : memref<32x768xf32, #tpu.memory_space<vmem>>, vector<1x16xf32>,
        %get3A_444 = vector.shape_cast %get3A_443 : vector<1x16xf32> to vector<16xf32>
        %mul3A_445 = vector.broadcast %squeeze3A_57 : f32 to vector<16xf32>
        %mul3A_446 = arith.mulf %get3A_444, %mul3A_445 : vector<16xf32>
        %add3A_447 = arith.addf %mul3A_440, %mul3A_446 : vector<16xf32>
        %swap3A_448 = arith.index_cast %scan3A_44 : i32 to index
        %swap3A_449 = arith.constant 336 : index
        %swap3A_450 = tpu.vector_load %arg12[%swap3A_448, %swap3A_449] {strides = array<i32>} : memref<32x768xf32, #tpu.memory_space<vmem>>, vector<1x16xf32>,
        %swap3A_451 = vector.shape_cast %swap3A_450 : vector<1x16xf32> to vector<16xf32>
        %swap3A_452 = vector.shape_cast %add3A_447 : vector<16xf32> to vector<1x16xf32>
        tpu.vector_store %arg12[%swap3A_448, %swap3A_449], %swap3A_452 {strides = array<i32>} : memref<32x768xf32, #tpu.memory_space<vmem>>, vector<1x16xf32>,
        %get3A_453 = arith.index_cast %scan3A_44 : i32 to index
        %get3A_454 = arith.constant 352 : index
        %get3A_455 = tpu.vector_load %arg12[%get3A_453, %get3A_454] {strides = array<i32>} : memref<32x768xf32, #tpu.memory_space<vmem>>, vector<1x16xf32>,
        %get3A_456 = vector.shape_cast %get3A_455 : vector<1x16xf32> to vector<16xf32>
        %mul3A_457 = vector.broadcast %squeeze3A : f32 to vector<16xf32>
        %mul3A_458 = arith.mulf %get3A_456, %mul3A_457 : vector<16xf32>
        %get3A_459 = arith.index_cast %scan3A_44 : i32 to index
        %get3A_460 = arith.constant 352 : index
        %get3A_461 = tpu.vector_load %arg13[%get3A_459, %get3A_460] {strides = array<i32>} : memref<32x768xf32, #tpu.memory_space<vmem>>, vector<1x16xf32>,
        %get3A_462 = vector.shape_cast %get3A_461 : vector<1x16xf32> to vector<16xf32>
        %mul3A_463 = vector.broadcast %squeeze3A_57 : f32 to vector<16xf32>
        %mul3A_464 = arith.mulf %get3A_462, %mul3A_463 : vector<16xf32>
        %add3A_465 = arith.addf %mul3A_458, %mul3A_464 : vector<16xf32>
        %swap3A_466 = arith.index_cast %scan3A_44 : i32 to index
        %swap3A_467 = arith.constant 352 : index
        %swap3A_468 = tpu.vector_load %arg12[%swap3A_466, %swap3A_467] {strides = array<i32>} : memref<32x768xf32, #tpu.memory_space<vmem>>, vector<1x16xf32>,
        %swap3A_469 = vector.shape_cast %swap3A_468 : vector<1x16xf32> to vector<16xf32>
        %swap3A_470 = vector.shape_cast %add3A_465 : vector<16xf32> to vector<1x16xf32>
        tpu.vector_store %arg12[%swap3A_466, %swap3A_467], %swap3A_470 {strides = array<i32>} : memref<32x768xf32, #tpu.memory_space<vmem>>, vector<1x16xf32>,
        %get3A_471 = arith.index_cast %scan3A_44 : i32 to index
        %get3A_472 = arith.constant 368 : index
        %get3A_473 = tpu.vector_load %arg12[%get3A_471, %get3A_472] {strides = array<i32>} : memref<32x768xf32, #tpu.memory_space<vmem>>, vector<1x16xf32>,
        %get3A_474 = vector.shape_cast %get3A_473 : vector<1x16xf32> to vector<16xf32>
        %mul3A_475 = vector.broadcast %squeeze3A : f32 to vector<16xf32>
        %mul3A_476 = arith.mulf %get3A_474, %mul3A_475 : vector<16xf32>
        %get3A_477 = arith.index_cast %scan3A_44 : i32 to index
        %get3A_478 = arith.constant 368 : index
        %get3A_479 = tpu.vector_load %arg13[%get3A_477, %get3A_478] {strides = array<i32>} : memref<32x768xf32, #tpu.memory_space<vmem>>, vector<1x16xf32>,
        %get3A_480 = vector.shape_cast %get3A_479 : vector<1x16xf32> to vector<16xf32>
        %mul3A_481 = vector.broadcast %squeeze3A_57 : f32 to vector<16xf32>
        %mul3A_482 = arith.mulf %get3A_480, %mul3A_481 : vector<16xf32>
        %add3A_483 = arith.addf %mul3A_476, %mul3A_482 : vector<16xf32>
        %swap3A_484 = arith.index_cast %scan3A_44 : i32 to index
        %swap3A_485 = arith.constant 368 : index
        %swap3A_486 = tpu.vector_load %arg12[%swap3A_484, %swap3A_485] {strides = array<i32>} : memref<32x768xf32, #tpu.memory_space<vmem>>, vector<1x16xf32>,
        %swap3A_487 = vector.shape_cast %swap3A_486 : vector<1x16xf32> to vector<16xf32>
        %swap3A_488 = vector.shape_cast %add3A_483 : vector<16xf32> to vector<1x16xf32>
        tpu.vector_store %arg12[%swap3A_484, %swap3A_485], %swap3A_488 {strides = array<i32>} : memref<32x768xf32, #tpu.memory_space<vmem>>, vector<1x16xf32>,
        %get3A_489 = arith.index_cast %scan3A_44 : i32 to index
        %get3A_490 = arith.constant 384 : index
        %get3A_491 = tpu.vector_load %arg12[%get3A_489, %get3A_490] {strides = array<i32>} : memref<32x768xf32, #tpu.memory_space<vmem>>, vector<1x16xf32>,
        %get3A_492 = vector.shape_cast %get3A_491 : vector<1x16xf32> to vector<16xf32>
        %mul3A_493 = vector.broadcast %squeeze3A : f32 to vector<16xf32>
        %mul3A_494 = arith.mulf %get3A_492, %mul3A_493 : vector<16xf32>
        %get3A_495 = arith.index_cast %scan3A_44 : i32 to index
        %get3A_496 = arith.constant 384 : index
        %get3A_497 = tpu.vector_load %arg13[%get3A_495, %get3A_496] {strides = array<i32>} : memref<32x768xf32, #tpu.memory_space<vmem>>, vector<1x16xf32>,
        %get3A_498 = vector.shape_cast %get3A_497 : vector<1x16xf32> to vector<16xf32>
        %mul3A_499 = vector.broadcast %squeeze3A_57 : f32 to vector<16xf32>
        %mul3A_500 = arith.mulf %get3A_498, %mul3A_499 : vector<16xf32>
        %add3A_501 = arith.addf %mul3A_494, %mul3A_500 : vector<16xf32>
        %swap3A_502 = arith.index_cast %scan3A_44 : i32 to index
        %swap3A_503 = arith.constant 384 : index
        %swap3A_504 = tpu.vector_load %arg12[%swap3A_502, %swap3A_503] {strides = array<i32>} : memref<32x768xf32, #tpu.memory_space<vmem>>, vector<1x16xf32>,
        %swap3A_505 = vector.shape_cast %swap3A_504 : vector<1x16xf32> to vector<16xf32>
        %swap3A_506 = vector.shape_cast %add3A_501 : vector<16xf32> to vector<1x16xf32>
        tpu.vector_store %arg12[%swap3A_502, %swap3A_503], %swap3A_506 {strides = array<i32>} : memref<32x768xf32, #tpu.memory_space<vmem>>, vector<1x16xf32>,
        %get3A_507 = arith.index_cast %scan3A_44 : i32 to index
        %get3A_508 = arith.constant 400 : index
        %get3A_509 = tpu.vector_load %arg12[%get3A_507, %get3A_508] {strides = array<i32>} : memref<32x768xf32, #tpu.memory_space<vmem>>, vector<1x16xf32>,
        %get3A_510 = vector.shape_cast %get3A_509 : vector<1x16xf32> to vector<16xf32>
        %mul3A_511 = vector.broadcast %squeeze3A : f32 to vector<16xf32>
        %mul3A_512 = arith.mulf %get3A_510, %mul3A_511 : vector<16xf32>
        %get3A_513 = arith.index_cast %scan3A_44 : i32 to index
        %get3A_514 = arith.constant 400 : index
        %get3A_515 = tpu.vector_load %arg13[%get3A_513, %get3A_514] {strides = array<i32>} : memref<32x768xf32, #tpu.memory_space<vmem>>, vector<1x16xf32>,
        %get3A_516 = vector.shape_cast %get3A_515 : vector<1x16xf32> to vector<16xf32>
        %mul3A_517 = vector.broadcast %squeeze3A_57 : f32 to vector<16xf32>
        %mul3A_518 = arith.mulf %get3A_516, %mul3A_517 : vector<16xf32>
        %add3A_519 = arith.addf %mul3A_512, %mul3A_518 : vector<16xf32>
        %swap3A_520 = arith.index_cast %scan3A_44 : i32 to index
        %swap3A_521 = arith.constant 400 : index
        %swap3A_522 = tpu.vector_load %arg12[%swap3A_520, %swap3A_521] {strides = array<i32>} : memref<32x768xf32, #tpu.memory_space<vmem>>, vector<1x16xf32>,
        %swap3A_523 = vector.shape_cast %swap3A_522 : vector<1x16xf32> to vector<16xf32>
        %swap3A_524 = vector.shape_cast %add3A_519 : vector<16xf32> to vector<1x16xf32>
        tpu.vector_store %arg12[%swap3A_520, %swap3A_521], %swap3A_524 {strides = array<i32>} : memref<32x768xf32, #tpu.memory_space<vmem>>, vector<1x16xf32>,
        %get3A_525 = arith.index_cast %scan3A_44 : i32 to index
        %get3A_526 = arith.constant 416 : index
        %get3A_527 = tpu.vector_load %arg12[%get3A_525, %get3A_526] {strides = array<i32>} : memref<32x768xf32, #tpu.memory_space<vmem>>, vector<1x16xf32>,
        %get3A_528 = vector.shape_cast %get3A_527 : vector<1x16xf32> to vector<16xf32>
        %mul3A_529 = vector.broadcast %squeeze3A : f32 to vector<16xf32>
        %mul3A_530 = arith.mulf %get3A_528, %mul3A_529 : vector<16xf32>
        %get3A_531 = arith.index_cast %scan3A_44 : i32 to index
        %get3A_532 = arith.constant 416 : index
        %get3A_533 = tpu.vector_load %arg13[%get3A_531, %get3A_532] {strides = array<i32>} : memref<32x768xf32, #tpu.memory_space<vmem>>, vector<1x16xf32>,
        %get3A_534 = vector.shape_cast %get3A_533 : vector<1x16xf32> to vector<16xf32>
        %mul3A_535 = vector.broadcast %squeeze3A_57 : f32 to vector<16xf32>
        %mul3A_536 = arith.mulf %get3A_534, %mul3A_535 : vector<16xf32>
        %add3A_537 = arith.addf %mul3A_530, %mul3A_536 : vector<16xf32>
        %swap3A_538 = arith.index_cast %scan3A_44 : i32 to index
        %swap3A_539 = arith.constant 416 : index
        %swap3A_540 = tpu.vector_load %arg12[%swap3A_538, %swap3A_539] {strides = array<i32>} : memref<32x768xf32, #tpu.memory_space<vmem>>, vector<1x16xf32>,
        %swap3A_541 = vector.shape_cast %swap3A_540 : vector<1x16xf32> to vector<16xf32>
        %swap3A_542 = vector.shape_cast %add3A_537 : vector<16xf32> to vector<1x16xf32>
        tpu.vector_store %arg12[%swap3A_538, %swap3A_539], %swap3A_542 {strides = array<i32>} : memref<32x768xf32, #tpu.memory_space<vmem>>, vector<1x16xf32>,
        %get3A_543 = arith.index_cast %scan3A_44 : i32 to index
        %get3A_544 = arith.constant 432 : index
        %get3A_545 = tpu.vector_load %arg12[%get3A_543, %get3A_544] {strides = array<i32>} : memref<32x768xf32, #tpu.memory_space<vmem>>, vector<1x16xf32>,
        %get3A_546 = vector.shape_cast %get3A_545 : vector<1x16xf32> to vector<16xf32>
        %mul3A_547 = vector.broadcast %squeeze3A : f32 to vector<16xf32>
        %mul3A_548 = arith.mulf %get3A_546, %mul3A_547 : vector<16xf32>
        %get3A_549 = arith.index_cast %scan3A_44 : i32 to index
        %get3A_550 = arith.constant 432 : index
        %get3A_551 = tpu.vector_load %arg13[%get3A_549, %get3A_550] {strides = array<i32>} : memref<32x768xf32, #tpu.memory_space<vmem>>, vector<1x16xf32>,
        %get3A_552 = vector.shape_cast %get3A_551 : vector<1x16xf32> to vector<16xf32>
        %mul3A_553 = vector.broadcast %squeeze3A_57 : f32 to vector<16xf32>
        %mul3A_554 = arith.mulf %get3A_552, %mul3A_553 : vector<16xf32>
        %add3A_555 = arith.addf %mul3A_548, %mul3A_554 : vector<16xf32>
        %swap3A_556 = arith.index_cast %scan3A_44 : i32 to index
        %swap3A_557 = arith.constant 432 : index
        %swap3A_558 = tpu.vector_load %arg12[%swap3A_556, %swap3A_557] {strides = array<i32>} : memref<32x768xf32, #tpu.memory_space<vmem>>, vector<1x16xf32>,
        %swap3A_559 = vector.shape_cast %swap3A_558 : vector<1x16xf32> to vector<16xf32>
        %swap3A_560 = vector.shape_cast %add3A_555 : vector<16xf32> to vector<1x16xf32>
        tpu.vector_store %arg12[%swap3A_556, %swap3A_557], %swap3A_560 {strides = array<i32>} : memref<32x768xf32, #tpu.memory_space<vmem>>, vector<1x16xf32>,
        %get3A_561 = arith.index_cast %scan3A_44 : i32 to index
        %get3A_562 = arith.constant 448 : index
        %get3A_563 = tpu.vector_load %arg12[%get3A_561, %get3A_562] {strides = array<i32>} : memref<32x768xf32, #tpu.memory_space<vmem>>, vector<1x16xf32>,
        %get3A_564 = vector.shape_cast %get3A_563 : vector<1x16xf32> to vector<16xf32>
        %mul3A_565 = vector.broadcast %squeeze3A : f32 to vector<16xf32>
        %mul3A_566 = arith.mulf %get3A_564, %mul3A_565 : vector<16xf32>
        %get3A_567 = arith.index_cast %scan3A_44 : i32 to index
        %get3A_568 = arith.constant 448 : index
        %get3A_569 = tpu.vector_load %arg13[%get3A_567, %get3A_568] {strides = array<i32>} : memref<32x768xf32, #tpu.memory_space<vmem>>, vector<1x16xf32>,
        %get3A_570 = vector.shape_cast %get3A_569 : vector<1x16xf32> to vector<16xf32>
        %mul3A_571 = vector.broadcast %squeeze3A_57 : f32 to vector<16xf32>
        %mul3A_572 = arith.mulf %get3A_570, %mul3A_571 : vector<16xf32>
        %add3A_573 = arith.addf %mul3A_566, %mul3A_572 : vector<16xf32>
        %swap3A_574 = arith.index_cast %scan3A_44 : i32 to index
        %swap3A_575 = arith.constant 448 : index
        %swap3A_576 = tpu.vector_load %arg12[%swap3A_574, %swap3A_575] {strides = array<i32>} : memref<32x768xf32, #tpu.memory_space<vmem>>, vector<1x16xf32>,
        %swap3A_577 = vector.shape_cast %swap3A_576 : vector<1x16xf32> to vector<16xf32>
        %swap3A_578 = vector.shape_cast %add3A_573 : vector<16xf32> to vector<1x16xf32>
        tpu.vector_store %arg12[%swap3A_574, %swap3A_575], %swap3A_578 {strides = array<i32>} : memref<32x768xf32, #tpu.memory_space<vmem>>, vector<1x16xf32>,
        %get3A_579 = arith.index_cast %scan3A_44 : i32 to index
        %get3A_580 = arith.constant 464 : index
        %get3A_581 = tpu.vector_load %arg12[%get3A_579, %get3A_580] {strides = array<i32>} : memref<32x768xf32, #tpu.memory_space<vmem>>, vector<1x16xf32>,
        %get3A_582 = vector.shape_cast %get3A_581 : vector<1x16xf32> to vector<16xf32>
        %mul3A_583 = vector.broadcast %squeeze3A : f32 to vector<16xf32>
        %mul3A_584 = arith.mulf %get3A_582, %mul3A_583 : vector<16xf32>
        %get3A_585 = arith.index_cast %scan3A_44 : i32 to index
        %get3A_586 = arith.constant 464 : index
        %get3A_587 = tpu.vector_load %arg13[%get3A_585, %get3A_586] {strides = array<i32>} : memref<32x768xf32, #tpu.memory_space<vmem>>, vector<1x16xf32>,
        %get3A_588 = vector.shape_cast %get3A_587 : vector<1x16xf32> to vector<16xf32>
        %mul3A_589 = vector.broadcast %squeeze3A_57 : f32 to vector<16xf32>
        %mul3A_590 = arith.mulf %get3A_588, %mul3A_589 : vector<16xf32>
        %add3A_591 = arith.addf %mul3A_584, %mul3A_590 : vector<16xf32>
        %swap3A_592 = arith.index_cast %scan3A_44 : i32 to index
        %swap3A_593 = arith.constant 464 : index
        %swap3A_594 = tpu.vector_load %arg12[%swap3A_592, %swap3A_593] {strides = array<i32>} : memref<32x768xf32, #tpu.memory_space<vmem>>, vector<1x16xf32>,
        %swap3A_595 = vector.shape_cast %swap3A_594 : vector<1x16xf32> to vector<16xf32>
        %swap3A_596 = vector.shape_cast %add3A_591 : vector<16xf32> to vector<1x16xf32>
        tpu.vector_store %arg12[%swap3A_592, %swap3A_593], %swap3A_596 {strides = array<i32>} : memref<32x768xf32, #tpu.memory_space<vmem>>, vector<1x16xf32>,
        %get3A_597 = arith.index_cast %scan3A_44 : i32 to index
        %get3A_598 = arith.constant 480 : index
        %get3A_599 = tpu.vector_load %arg12[%get3A_597, %get3A_598] {strides = array<i32>} : memref<32x768xf32, #tpu.memory_space<vmem>>, vector<1x16xf32>,
        %get3A_600 = vector.shape_cast %get3A_599 : vector<1x16xf32> to vector<16xf32>
        %mul3A_601 = vector.broadcast %squeeze3A : f32 to vector<16xf32>
        %mul3A_602 = arith.mulf %get3A_600, %mul3A_601 : vector<16xf32>
        %get3A_603 = arith.index_cast %scan3A_44 : i32 to index
        %get3A_604 = arith.constant 480 : index
        %get3A_605 = tpu.vector_load %arg13[%get3A_603, %get3A_604] {strides = array<i32>} : memref<32x768xf32, #tpu.memory_space<vmem>>, vector<1x16xf32>,
        %get3A_606 = vector.shape_cast %get3A_605 : vector<1x16xf32> to vector<16xf32>
        %mul3A_607 = vector.broadcast %squeeze3A_57 : f32 to vector<16xf32>
        %mul3A_608 = arith.mulf %get3A_606, %mul3A_607 : vector<16xf32>
        %add3A_609 = arith.addf %mul3A_602, %mul3A_608 : vector<16xf32>
        %swap3A_610 = arith.index_cast %scan3A_44 : i32 to index
        %swap3A_611 = arith.constant 480 : index
        %swap3A_612 = tpu.vector_load %arg12[%swap3A_610, %swap3A_611] {strides = array<i32>} : memref<32x768xf32, #tpu.memory_space<vmem>>, vector<1x16xf32>,
        %swap3A_613 = vector.shape_cast %swap3A_612 : vector<1x16xf32> to vector<16xf32>
        %swap3A_614 = vector.shape_cast %add3A_609 : vector<16xf32> to vector<1x16xf32>
        tpu.vector_store %arg12[%swap3A_610, %swap3A_611], %swap3A_614 {strides = array<i32>} : memref<32x768xf32, #tpu.memory_space<vmem>>, vector<1x16xf32>,
        %get3A_615 = arith.index_cast %scan3A_44 : i32 to index
        %get3A_616 = arith.constant 496 : index
        %get3A_617 = tpu.vector_load %arg12[%get3A_615, %get3A_616] {strides = array<i32>} : memref<32x768xf32, #tpu.memory_space<vmem>>, vector<1x16xf32>,
        %get3A_618 = vector.shape_cast %get3A_617 : vector<1x16xf32> to vector<16xf32>
        %mul3A_619 = vector.broadcast %squeeze3A : f32 to vector<16xf32>
        %mul3A_620 = arith.mulf %get3A_618, %mul3A_619 : vector<16xf32>
        %get3A_621 = arith.index_cast %scan3A_44 : i32 to index
        %get3A_622 = arith.constant 496 : index
        %get3A_623 = tpu.vector_load %arg13[%get3A_621, %get3A_622] {strides = array<i32>} : memref<32x768xf32, #tpu.memory_space<vmem>>, vector<1x16xf32>,
        %get3A_624 = vector.shape_cast %get3A_623 : vector<1x16xf32> to vector<16xf32>
        %mul3A_625 = vector.broadcast %squeeze3A_57 : f32 to vector<16xf32>
        %mul3A_626 = arith.mulf %get3A_624, %mul3A_625 : vector<16xf32>
        %add3A_627 = arith.addf %mul3A_620, %mul3A_626 : vector<16xf32>
        %swap3A_628 = arith.index_cast %scan3A_44 : i32 to index
        %swap3A_629 = arith.constant 496 : index
        %swap3A_630 = tpu.vector_load %arg12[%swap3A_628, %swap3A_629] {strides = array<i32>} : memref<32x768xf32, #tpu.memory_space<vmem>>, vector<1x16xf32>,
        %swap3A_631 = vector.shape_cast %swap3A_630 : vector<1x16xf32> to vector<16xf32>
        %swap3A_632 = vector.shape_cast %add3A_627 : vector<16xf32> to vector<1x16xf32>
        tpu.vector_store %arg12[%swap3A_628, %swap3A_629], %swap3A_632 {strides = array<i32>} : memref<32x768xf32, #tpu.memory_space<vmem>>, vector<1x16xf32>,
        %get3A_633 = arith.index_cast %scan3A_44 : i32 to index
        %get3A_634 = arith.constant 512 : index
        %get3A_635 = tpu.vector_load %arg12[%get3A_633, %get3A_634] {strides = array<i32>} : memref<32x768xf32, #tpu.memory_space<vmem>>, vector<1x16xf32>,
        %get3A_636 = vector.shape_cast %get3A_635 : vector<1x16xf32> to vector<16xf32>
        %mul3A_637 = vector.broadcast %squeeze3A : f32 to vector<16xf32>
        %mul3A_638 = arith.mulf %get3A_636, %mul3A_637 : vector<16xf32>
        %get3A_639 = arith.index_cast %scan3A_44 : i32 to index
        %get3A_640 = arith.constant 512 : index
        %get3A_641 = tpu.vector_load %arg13[%get3A_639, %get3A_640] {strides = array<i32>} : memref<32x768xf32, #tpu.memory_space<vmem>>, vector<1x16xf32>,
        %get3A_642 = vector.shape_cast %get3A_641 : vector<1x16xf32> to vector<16xf32>
        %mul3A_643 = vector.broadcast %squeeze3A_57 : f32 to vector<16xf32>
        %mul3A_644 = arith.mulf %get3A_642, %mul3A_643 : vector<16xf32>
        %add3A_645 = arith.addf %mul3A_638, %mul3A_644 : vector<16xf32>
        %swap3A_646 = arith.index_cast %scan3A_44 : i32 to index
        %swap3A_647 = arith.constant 512 : index
        %swap3A_648 = tpu.vector_load %arg12[%swap3A_646, %swap3A_647] {strides = array<i32>} : memref<32x768xf32, #tpu.memory_space<vmem>>, vector<1x16xf32>,
        %swap3A_649 = vector.shape_cast %swap3A_648 : vector<1x16xf32> to vector<16xf32>
        %swap3A_650 = vector.shape_cast %add3A_645 : vector<16xf32> to vector<1x16xf32>
        tpu.vector_store %arg12[%swap3A_646, %swap3A_647], %swap3A_650 {strides = array<i32>} : memref<32x768xf32, #tpu.memory_space<vmem>>, vector<1x16xf32>,
        %get3A_651 = arith.index_cast %scan3A_44 : i32 to index
        %get3A_652 = arith.constant 528 : index
        %get3A_653 = tpu.vector_load %arg12[%get3A_651, %get3A_652] {strides = array<i32>} : memref<32x768xf32, #tpu.memory_space<vmem>>, vector<1x16xf32>,
        %get3A_654 = vector.shape_cast %get3A_653 : vector<1x16xf32> to vector<16xf32>
        %mul3A_655 = vector.broadcast %squeeze3A : f32 to vector<16xf32>
        %mul3A_656 = arith.mulf %get3A_654, %mul3A_655 : vector<16xf32>
        %get3A_657 = arith.index_cast %scan3A_44 : i32 to index
        %get3A_658 = arith.constant 528 : index
        %get3A_659 = tpu.vector_load %arg13[%get3A_657, %get3A_658] {strides = array<i32>} : memref<32x768xf32, #tpu.memory_space<vmem>>, vector<1x16xf32>,
        %get3A_660 = vector.shape_cast %get3A_659 : vector<1x16xf32> to vector<16xf32>
        %mul3A_661 = vector.broadcast %squeeze3A_57 : f32 to vector<16xf32>
        %mul3A_662 = arith.mulf %get3A_660, %mul3A_661 : vector<16xf32>
        %add3A_663 = arith.addf %mul3A_656, %mul3A_662 : vector<16xf32>
        %swap3A_664 = arith.index_cast %scan3A_44 : i32 to index
        %swap3A_665 = arith.constant 528 : index
        %swap3A_666 = tpu.vector_load %arg12[%swap3A_664, %swap3A_665] {strides = array<i32>} : memref<32x768xf32, #tpu.memory_space<vmem>>, vector<1x16xf32>,
        %swap3A_667 = vector.shape_cast %swap3A_666 : vector<1x16xf32> to vector<16xf32>
        %swap3A_668 = vector.shape_cast %add3A_663 : vector<16xf32> to vector<1x16xf32>
        tpu.vector_store %arg12[%swap3A_664, %swap3A_665], %swap3A_668 {strides = array<i32>} : memref<32x768xf32, #tpu.memory_space<vmem>>, vector<1x16xf32>,
        %get3A_669 = arith.index_cast %scan3A_44 : i32 to index
        %get3A_670 = arith.constant 544 : index
        %get3A_671 = tpu.vector_load %arg12[%get3A_669, %get3A_670] {strides = array<i32>} : memref<32x768xf32, #tpu.memory_space<vmem>>, vector<1x16xf32>,
        %get3A_672 = vector.shape_cast %get3A_671 : vector<1x16xf32> to vector<16xf32>
        %mul3A_673 = vector.broadcast %squeeze3A : f32 to vector<16xf32>
        %mul3A_674 = arith.mulf %get3A_672, %mul3A_673 : vector<16xf32>
        %get3A_675 = arith.index_cast %scan3A_44 : i32 to index
        %get3A_676 = arith.constant 544 : index
        %get3A_677 = tpu.vector_load %arg13[%get3A_675, %get3A_676] {strides = array<i32>} : memref<32x768xf32, #tpu.memory_space<vmem>>, vector<1x16xf32>,
        %get3A_678 = vector.shape_cast %get3A_677 : vector<1x16xf32> to vector<16xf32>
        %mul3A_679 = vector.broadcast %squeeze3A_57 : f32 to vector<16xf32>
        %mul3A_680 = arith.mulf %get3A_678, %mul3A_679 : vector<16xf32>
        %add3A_681 = arith.addf %mul3A_674, %mul3A_680 : vector<16xf32>
        %swap3A_682 = arith.index_cast %scan3A_44 : i32 to index
        %swap3A_683 = arith.constant 544 : index
        %swap3A_684 = tpu.vector_load %arg12[%swap3A_682, %swap3A_683] {strides = array<i32>} : memref<32x768xf32, #tpu.memory_space<vmem>>, vector<1x16xf32>,
        %swap3A_685 = vector.shape_cast %swap3A_684 : vector<1x16xf32> to vector<16xf32>
        %swap3A_686 = vector.shape_cast %add3A_681 : vector<16xf32> to vector<1x16xf32>
        tpu.vector_store %arg12[%swap3A_682, %swap3A_683], %swap3A_686 {strides = array<i32>} : memref<32x768xf32, #tpu.memory_space<vmem>>, vector<1x16xf32>,
        %get3A_687 = arith.index_cast %scan3A_44 : i32 to index
        %get3A_688 = arith.constant 560 : index
        %get3A_689 = tpu.vector_load %arg12[%get3A_687, %get3A_688] {strides = array<i32>} : memref<32x768xf32, #tpu.memory_space<vmem>>, vector<1x16xf32>,
        %get3A_690 = vector.shape_cast %get3A_689 : vector<1x16xf32> to vector<16xf32>
        %mul3A_691 = vector.broadcast %squeeze3A : f32 to vector<16xf32>
        %mul3A_692 = arith.mulf %get3A_690, %mul3A_691 : vector<16xf32>
        %get3A_693 = arith.index_cast %scan3A_44 : i32 to index
        %get3A_694 = arith.constant 560 : index
        %get3A_695 = tpu.vector_load %arg13[%get3A_693, %get3A_694] {strides = array<i32>} : memref<32x768xf32, #tpu.memory_space<vmem>>, vector<1x16xf32>,
        %get3A_696 = vector.shape_cast %get3A_695 : vector<1x16xf32> to vector<16xf32>
        %mul3A_697 = vector.broadcast %squeeze3A_57 : f32 to vector<16xf32>
        %mul3A_698 = arith.mulf %get3A_696, %mul3A_697 : vector<16xf32>
        %add3A_699 = arith.addf %mul3A_692, %mul3A_698 : vector<16xf32>
        %swap3A_700 = arith.index_cast %scan3A_44 : i32 to index
        %swap3A_701 = arith.constant 560 : index
        %swap3A_702 = tpu.vector_load %arg12[%swap3A_700, %swap3A_701] {strides = array<i32>} : memref<32x768xf32, #tpu.memory_space<vmem>>, vector<1x16xf32>,
        %swap3A_703 = vector.shape_cast %swap3A_702 : vector<1x16xf32> to vector<16xf32>
        %swap3A_704 = vector.shape_cast %add3A_699 : vector<16xf32> to vector<1x16xf32>
        tpu.vector_store %arg12[%swap3A_700, %swap3A_701], %swap3A_704 {strides = array<i32>} : memref<32x768xf32, #tpu.memory_space<vmem>>, vector<1x16xf32>,
        %get3A_705 = arith.index_cast %scan3A_44 : i32 to index
        %get3A_706 = arith.constant 576 : index
        %get3A_707 = tpu.vector_load %arg12[%get3A_705, %get3A_706] {strides = array<i32>} : memref<32x768xf32, #tpu.memory_space<vmem>>, vector<1x16xf32>,
        %get3A_708 = vector.shape_cast %get3A_707 : vector<1x16xf32> to vector<16xf32>
        %mul3A_709 = vector.broadcast %squeeze3A : f32 to vector<16xf32>
        %mul3A_710 = arith.mulf %get3A_708, %mul3A_709 : vector<16xf32>
        %get3A_711 = arith.index_cast %scan3A_44 : i32 to index
        %get3A_712 = arith.constant 576 : index
        %get3A_713 = tpu.vector_load %arg13[%get3A_711, %get3A_712] {strides = array<i32>} : memref<32x768xf32, #tpu.memory_space<vmem>>, vector<1x16xf32>,
        %get3A_714 = vector.shape_cast %get3A_713 : vector<1x16xf32> to vector<16xf32>
        %mul3A_715 = vector.broadcast %squeeze3A_57 : f32 to vector<16xf32>
        %mul3A_716 = arith.mulf %get3A_714, %mul3A_715 : vector<16xf32>
        %add3A_717 = arith.addf %mul3A_710, %mul3A_716 : vector<16xf32>
        %swap3A_718 = arith.index_cast %scan3A_44 : i32 to index
        %swap3A_719 = arith.constant 576 : index
        %swap3A_720 = tpu.vector_load %arg12[%swap3A_718, %swap3A_719] {strides = array<i32>} : memref<32x768xf32, #tpu.memory_space<vmem>>, vector<1x16xf32>,
        %swap3A_721 = vector.shape_cast %swap3A_720 : vector<1x16xf32> to vector<16xf32>
        %swap3A_722 = vector.shape_cast %add3A_717 : vector<16xf32> to vector<1x16xf32>
        tpu.vector_store %arg12[%swap3A_718, %swap3A_719], %swap3A_722 {strides = array<i32>} : memref<32x768xf32, #tpu.memory_space<vmem>>, vector<1x16xf32>,
        %get3A_723 = arith.index_cast %scan3A_44 : i32 to index
        %get3A_724 = arith.constant 592 : index
        %get3A_725 = tpu.vector_load %arg12[%get3A_723, %get3A_724] {strides = array<i32>} : memref<32x768xf32, #tpu.memory_space<vmem>>, vector<1x16xf32>,
        %get3A_726 = vector.shape_cast %get3A_725 : vector<1x16xf32> to vector<16xf32>
        %mul3A_727 = vector.broadcast %squeeze3A : f32 to vector<16xf32>
        %mul3A_728 = arith.mulf %get3A_726, %mul3A_727 : vector<16xf32>
        %get3A_729 = arith.index_cast %scan3A_44 : i32 to index
        %get3A_730 = arith.constant 592 : index
        %get3A_731 = tpu.vector_load %arg13[%get3A_729, %get3A_730] {strides = array<i32>} : memref<32x768xf32, #tpu.memory_space<vmem>>, vector<1x16xf32>,
        %get3A_732 = vector.shape_cast %get3A_731 : vector<1x16xf32> to vector<16xf32>
        %mul3A_733 = vector.broadcast %squeeze3A_57 : f32 to vector<16xf32>
        %mul3A_734 = arith.mulf %get3A_732, %mul3A_733 : vector<16xf32>
        %add3A_735 = arith.addf %mul3A_728, %mul3A_734 : vector<16xf32>
        %swap3A_736 = arith.index_cast %scan3A_44 : i32 to index
        %swap3A_737 = arith.constant 592 : index
        %swap3A_738 = tpu.vector_load %arg12[%swap3A_736, %swap3A_737] {strides = array<i32>} : memref<32x768xf32, #tpu.memory_space<vmem>>, vector<1x16xf32>,
        %swap3A_739 = vector.shape_cast %swap3A_738 : vector<1x16xf32> to vector<16xf32>
        %swap3A_740 = vector.shape_cast %add3A_735 : vector<16xf32> to vector<1x16xf32>
        tpu.vector_store %arg12[%swap3A_736, %swap3A_737], %swap3A_740 {strides = array<i32>} : memref<32x768xf32, #tpu.memory_space<vmem>>, vector<1x16xf32>,
        %get3A_741 = arith.index_cast %scan3A_44 : i32 to index
        %get3A_742 = arith.constant 608 : index
        %get3A_743 = tpu.vector_load %arg12[%get3A_741, %get3A_742] {strides = array<i32>} : memref<32x768xf32, #tpu.memory_space<vmem>>, vector<1x16xf32>,
        %get3A_744 = vector.shape_cast %get3A_743 : vector<1x16xf32> to vector<16xf32>
        %mul3A_745 = vector.broadcast %squeeze3A : f32 to vector<16xf32>
        %mul3A_746 = arith.mulf %get3A_744, %mul3A_745 : vector<16xf32>
        %get3A_747 = arith.index_cast %scan3A_44 : i32 to index
        %get3A_748 = arith.constant 608 : index
        %get3A_749 = tpu.vector_load %arg13[%get3A_747, %get3A_748] {strides = array<i32>} : memref<32x768xf32, #tpu.memory_space<vmem>>, vector<1x16xf32>,
        %get3A_750 = vector.shape_cast %get3A_749 : vector<1x16xf32> to vector<16xf32>
        %mul3A_751 = vector.broadcast %squeeze3A_57 : f32 to vector<16xf32>
        %mul3A_752 = arith.mulf %get3A_750, %mul3A_751 : vector<16xf32>
        %add3A_753 = arith.addf %mul3A_746, %mul3A_752 : vector<16xf32>
        %swap3A_754 = arith.index_cast %scan3A_44 : i32 to index
        %swap3A_755 = arith.constant 608 : index
        %swap3A_756 = tpu.vector_load %arg12[%swap3A_754, %swap3A_755] {strides = array<i32>} : memref<32x768xf32, #tpu.memory_space<vmem>>, vector<1x16xf32>,
        %swap3A_757 = vector.shape_cast %swap3A_756 : vector<1x16xf32> to vector<16xf32>
        %swap3A_758 = vector.shape_cast %add3A_753 : vector<16xf32> to vector<1x16xf32>
        tpu.vector_store %arg12[%swap3A_754, %swap3A_755], %swap3A_758 {strides = array<i32>} : memref<32x768xf32, #tpu.memory_space<vmem>>, vector<1x16xf32>,
        %get3A_759 = arith.index_cast %scan3A_44 : i32 to index
        %get3A_760 = arith.constant 624 : index
        %get3A_761 = tpu.vector_load %arg12[%get3A_759, %get3A_760] {strides = array<i32>} : memref<32x768xf32, #tpu.memory_space<vmem>>, vector<1x16xf32>,
        %get3A_762 = vector.shape_cast %get3A_761 : vector<1x16xf32> to vector<16xf32>
        %mul3A_763 = vector.broadcast %squeeze3A : f32 to vector<16xf32>
        %mul3A_764 = arith.mulf %get3A_762, %mul3A_763 : vector<16xf32>
        %get3A_765 = arith.index_cast %scan3A_44 : i32 to index
        %get3A_766 = arith.constant 624 : index
        %get3A_767 = tpu.vector_load %arg13[%get3A_765, %get3A_766] {strides = array<i32>} : memref<32x768xf32, #tpu.memory_space<vmem>>, vector<1x16xf32>,
        %get3A_768 = vector.shape_cast %get3A_767 : vector<1x16xf32> to vector<16xf32>
        %mul3A_769 = vector.broadcast %squeeze3A_57 : f32 to vector<16xf32>
        %mul3A_770 = arith.mulf %get3A_768, %mul3A_769 : vector<16xf32>
        %add3A_771 = arith.addf %mul3A_764, %mul3A_770 : vector<16xf32>
        %swap3A_772 = arith.index_cast %scan3A_44 : i32 to index
        %swap3A_773 = arith.constant 624 : index
        %swap3A_774 = tpu.vector_load %arg12[%swap3A_772, %swap3A_773] {strides = array<i32>} : memref<32x768xf32, #tpu.memory_space<vmem>>, vector<1x16xf32>,
        %swap3A_775 = vector.shape_cast %swap3A_774 : vector<1x16xf32> to vector<16xf32>
        %swap3A_776 = vector.shape_cast %add3A_771 : vector<16xf32> to vector<1x16xf32>
        tpu.vector_store %arg12[%swap3A_772, %swap3A_773], %swap3A_776 {strides = array<i32>} : memref<32x768xf32, #tpu.memory_space<vmem>>, vector<1x16xf32>,
        %get3A_777 = arith.index_cast %scan3A_44 : i32 to index
        %get3A_778 = arith.constant 640 : index
        %get3A_779 = tpu.vector_load %arg12[%get3A_777, %get3A_778] {strides = array<i32>} : memref<32x768xf32, #tpu.memory_space<vmem>>, vector<1x16xf32>,
        %get3A_780 = vector.shape_cast %get3A_779 : vector<1x16xf32> to vector<16xf32>
        %mul3A_781 = vector.broadcast %squeeze3A : f32 to vector<16xf32>
        %mul3A_782 = arith.mulf %get3A_780, %mul3A_781 : vector<16xf32>
        %get3A_783 = arith.index_cast %scan3A_44 : i32 to index
        %get3A_784 = arith.constant 640 : index
        %get3A_785 = tpu.vector_load %arg13[%get3A_783, %get3A_784] {strides = array<i32>} : memref<32x768xf32, #tpu.memory_space<vmem>>, vector<1x16xf32>,
        %get3A_786 = vector.shape_cast %get3A_785 : vector<1x16xf32> to vector<16xf32>
        %mul3A_787 = vector.broadcast %squeeze3A_57 : f32 to vector<16xf32>
        %mul3A_788 = arith.mulf %get3A_786, %mul3A_787 : vector<16xf32>
        %add3A_789 = arith.addf %mul3A_782, %mul3A_788 : vector<16xf32>
        %swap3A_790 = arith.index_cast %scan3A_44 : i32 to index
        %swap3A_791 = arith.constant 640 : index
        %swap3A_792 = tpu.vector_load %arg12[%swap3A_790, %swap3A_791] {strides = array<i32>} : memref<32x768xf32, #tpu.memory_space<vmem>>, vector<1x16xf32>,
        %swap3A_793 = vector.shape_cast %swap3A_792 : vector<1x16xf32> to vector<16xf32>
        %swap3A_794 = vector.shape_cast %add3A_789 : vector<16xf32> to vector<1x16xf32>
        tpu.vector_store %arg12[%swap3A_790, %swap3A_791], %swap3A_794 {strides = array<i32>} : memref<32x768xf32, #tpu.memory_space<vmem>>, vector<1x16xf32>,
        %get3A_795 = arith.index_cast %scan3A_44 : i32 to index
        %get3A_796 = arith.constant 656 : index
        %get3A_797 = tpu.vector_load %arg12[%get3A_795, %get3A_796] {strides = array<i32>} : memref<32x768xf32, #tpu.memory_space<vmem>>, vector<1x16xf32>,
        %get3A_798 = vector.shape_cast %get3A_797 : vector<1x16xf32> to vector<16xf32>
        %mul3A_799 = vector.broadcast %squeeze3A : f32 to vector<16xf32>
        %mul3A_800 = arith.mulf %get3A_798, %mul3A_799 : vector<16xf32>
        %get3A_801 = arith.index_cast %scan3A_44 : i32 to index
        %get3A_802 = arith.constant 656 : index
        %get3A_803 = tpu.vector_load %arg13[%get3A_801, %get3A_802] {strides = array<i32>} : memref<32x768xf32, #tpu.memory_space<vmem>>, vector<1x16xf32>,
        %get3A_804 = vector.shape_cast %get3A_803 : vector<1x16xf32> to vector<16xf32>
        %mul3A_805 = vector.broadcast %squeeze3A_57 : f32 to vector<16xf32>
        %mul3A_806 = arith.mulf %get3A_804, %mul3A_805 : vector<16xf32>
        %add3A_807 = arith.addf %mul3A_800, %mul3A_806 : vector<16xf32>
        %swap3A_808 = arith.index_cast %scan3A_44 : i32 to index
        %swap3A_809 = arith.constant 656 : index
        %swap3A_810 = tpu.vector_load %arg12[%swap3A_808, %swap3A_809] {strides = array<i32>} : memref<32x768xf32, #tpu.memory_space<vmem>>, vector<1x16xf32>,
        %swap3A_811 = vector.shape_cast %swap3A_810 : vector<1x16xf32> to vector<16xf32>
        %swap3A_812 = vector.shape_cast %add3A_807 : vector<16xf32> to vector<1x16xf32>
        tpu.vector_store %arg12[%swap3A_808, %swap3A_809], %swap3A_812 {strides = array<i32>} : memref<32x768xf32, #tpu.memory_space<vmem>>, vector<1x16xf32>,
        %get3A_813 = arith.index_cast %scan3A_44 : i32 to index
        %get3A_814 = arith.constant 672 : index
        %get3A_815 = tpu.vector_load %arg12[%get3A_813, %get3A_814] {strides = array<i32>} : memref<32x768xf32, #tpu.memory_space<vmem>>, vector<1x16xf32>,
        %get3A_816 = vector.shape_cast %get3A_815 : vector<1x16xf32> to vector<16xf32>
        %mul3A_817 = vector.broadcast %squeeze3A : f32 to vector<16xf32>
        %mul3A_818 = arith.mulf %get3A_816, %mul3A_817 : vector<16xf32>
        %get3A_819 = arith.index_cast %scan3A_44 : i32 to index
        %get3A_820 = arith.constant 672 : index
        %get3A_821 = tpu.vector_load %arg13[%get3A_819, %get3A_820] {strides = array<i32>} : memref<32x768xf32, #tpu.memory_space<vmem>>, vector<1x16xf32>,
        %get3A_822 = vector.shape_cast %get3A_821 : vector<1x16xf32> to vector<16xf32>
        %mul3A_823 = vector.broadcast %squeeze3A_57 : f32 to vector<16xf32>
        %mul3A_824 = arith.mulf %get3A_822, %mul3A_823 : vector<16xf32>
        %add3A_825 = arith.addf %mul3A_818, %mul3A_824 : vector<16xf32>
        %swap3A_826 = arith.index_cast %scan3A_44 : i32 to index
        %swap3A_827 = arith.constant 672 : index
        %swap3A_828 = tpu.vector_load %arg12[%swap3A_826, %swap3A_827] {strides = array<i32>} : memref<32x768xf32, #tpu.memory_space<vmem>>, vector<1x16xf32>,
        %swap3A_829 = vector.shape_cast %swap3A_828 : vector<1x16xf32> to vector<16xf32>
        %swap3A_830 = vector.shape_cast %add3A_825 : vector<16xf32> to vector<1x16xf32>
        tpu.vector_store %arg12[%swap3A_826, %swap3A_827], %swap3A_830 {strides = array<i32>} : memref<32x768xf32, #tpu.memory_space<vmem>>, vector<1x16xf32>,
        %get3A_831 = arith.index_cast %scan3A_44 : i32 to index
        %get3A_832 = arith.constant 688 : index
        %get3A_833 = tpu.vector_load %arg12[%get3A_831, %get3A_832] {strides = array<i32>} : memref<32x768xf32, #tpu.memory_space<vmem>>, vector<1x16xf32>,
        %get3A_834 = vector.shape_cast %get3A_833 : vector<1x16xf32> to vector<16xf32>
        %mul3A_835 = vector.broadcast %squeeze3A : f32 to vector<16xf32>
        %mul3A_836 = arith.mulf %get3A_834, %mul3A_835 : vector<16xf32>
        %get3A_837 = arith.index_cast %scan3A_44 : i32 to index
        %get3A_838 = arith.constant 688 : index
        %get3A_839 = tpu.vector_load %arg13[%get3A_837, %get3A_838] {strides = array<i32>} : memref<32x768xf32, #tpu.memory_space<vmem>>, vector<1x16xf32>,
        %get3A_840 = vector.shape_cast %get3A_839 : vector<1x16xf32> to vector<16xf32>
        %mul3A_841 = vector.broadcast %squeeze3A_57 : f32 to vector<16xf32>
        %mul3A_842 = arith.mulf %get3A_840, %mul3A_841 : vector<16xf32>
        %add3A_843 = arith.addf %mul3A_836, %mul3A_842 : vector<16xf32>
        %swap3A_844 = arith.index_cast %scan3A_44 : i32 to index
        %swap3A_845 = arith.constant 688 : index
        %swap3A_846 = tpu.vector_load %arg12[%swap3A_844, %swap3A_845] {strides = array<i32>} : memref<32x768xf32, #tpu.memory_space<vmem>>, vector<1x16xf32>,
        %swap3A_847 = vector.shape_cast %swap3A_846 : vector<1x16xf32> to vector<16xf32>
        %swap3A_848 = vector.shape_cast %add3A_843 : vector<16xf32> to vector<1x16xf32>
        tpu.vector_store %arg12[%swap3A_844, %swap3A_845], %swap3A_848 {strides = array<i32>} : memref<32x768xf32, #tpu.memory_space<vmem>>, vector<1x16xf32>,
        %get3A_849 = arith.index_cast %scan3A_44 : i32 to index
        %get3A_850 = arith.constant 704 : index
        %get3A_851 = tpu.vector_load %arg12[%get3A_849, %get3A_850] {strides = array<i32>} : memref<32x768xf32, #tpu.memory_space<vmem>>, vector<1x16xf32>,
        %get3A_852 = vector.shape_cast %get3A_851 : vector<1x16xf32> to vector<16xf32>
        %mul3A_853 = vector.broadcast %squeeze3A : f32 to vector<16xf32>
        %mul3A_854 = arith.mulf %get3A_852, %mul3A_853 : vector<16xf32>
        %get3A_855 = arith.index_cast %scan3A_44 : i32 to index
        %get3A_856 = arith.constant 704 : index
        %get3A_857 = tpu.vector_load %arg13[%get3A_855, %get3A_856] {strides = array<i32>} : memref<32x768xf32, #tpu.memory_space<vmem>>, vector<1x16xf32>,
        %get3A_858 = vector.shape_cast %get3A_857 : vector<1x16xf32> to vector<16xf32>
        %mul3A_859 = vector.broadcast %squeeze3A_57 : f32 to vector<16xf32>
        %mul3A_860 = arith.mulf %get3A_858, %mul3A_859 : vector<16xf32>
        %add3A_861 = arith.addf %mul3A_854, %mul3A_860 : vector<16xf32>
        %swap3A_862 = arith.index_cast %scan3A_44 : i32 to index
        %swap3A_863 = arith.constant 704 : index
        %swap3A_864 = tpu.vector_load %arg12[%swap3A_862, %swap3A_863] {strides = array<i32>} : memref<32x768xf32, #tpu.memory_space<vmem>>, vector<1x16xf32>,
        %swap3A_865 = vector.shape_cast %swap3A_864 : vector<1x16xf32> to vector<16xf32>
        %swap3A_866 = vector.shape_cast %add3A_861 : vector<16xf32> to vector<1x16xf32>
        tpu.vector_store %arg12[%swap3A_862, %swap3A_863], %swap3A_866 {strides = array<i32>} : memref<32x768xf32, #tpu.memory_space<vmem>>, vector<1x16xf32>,
        %get3A_867 = arith.index_cast %scan3A_44 : i32 to index
        %get3A_868 = arith.constant 720 : index
        %get3A_869 = tpu.vector_load %arg12[%get3A_867, %get3A_868] {strides = array<i32>} : memref<32x768xf32, #tpu.memory_space<vmem>>, vector<1x16xf32>,
        %get3A_870 = vector.shape_cast %get3A_869 : vector<1x16xf32> to vector<16xf32>
        %mul3A_871 = vector.broadcast %squeeze3A : f32 to vector<16xf32>
        %mul3A_872 = arith.mulf %get3A_870, %mul3A_871 : vector<16xf32>
        %get3A_873 = arith.index_cast %scan3A_44 : i32 to index
        %get3A_874 = arith.constant 720 : index
        %get3A_875 = tpu.vector_load %arg13[%get3A_873, %get3A_874] {strides = array<i32>} : memref<32x768xf32, #tpu.memory_space<vmem>>, vector<1x16xf32>,
        %get3A_876 = vector.shape_cast %get3A_875 : vector<1x16xf32> to vector<16xf32>
        %mul3A_877 = vector.broadcast %squeeze3A_57 : f32 to vector<16xf32>
        %mul3A_878 = arith.mulf %get3A_876, %mul3A_877 : vector<16xf32>
        %add3A_879 = arith.addf %mul3A_872, %mul3A_878 : vector<16xf32>
        %swap3A_880 = arith.index_cast %scan3A_44 : i32 to index
        %swap3A_881 = arith.constant 720 : index
        %swap3A_882 = tpu.vector_load %arg12[%swap3A_880, %swap3A_881] {strides = array<i32>} : memref<32x768xf32, #tpu.memory_space<vmem>>, vector<1x16xf32>,
        %swap3A_883 = vector.shape_cast %swap3A_882 : vector<1x16xf32> to vector<16xf32>
        %swap3A_884 = vector.shape_cast %add3A_879 : vector<16xf32> to vector<1x16xf32>
        tpu.vector_store %arg12[%swap3A_880, %swap3A_881], %swap3A_884 {strides = array<i32>} : memref<32x768xf32, #tpu.memory_space<vmem>>, vector<1x16xf32>,
        %get3A_885 = arith.index_cast %scan3A_44 : i32 to index
        %get3A_886 = arith.constant 736 : index
        %get3A_887 = tpu.vector_load %arg12[%get3A_885, %get3A_886] {strides = array<i32>} : memref<32x768xf32, #tpu.memory_space<vmem>>, vector<1x16xf32>,
        %get3A_888 = vector.shape_cast %get3A_887 : vector<1x16xf32> to vector<16xf32>
        %mul3A_889 = vector.broadcast %squeeze3A : f32 to vector<16xf32>
        %mul3A_890 = arith.mulf %get3A_888, %mul3A_889 : vector<16xf32>
        %get3A_891 = arith.index_cast %scan3A_44 : i32 to index
        %get3A_892 = arith.constant 736 : index
        %get3A_893 = tpu.vector_load %arg13[%get3A_891, %get3A_892] {strides = array<i32>} : memref<32x768xf32, #tpu.memory_space<vmem>>, vector<1x16xf32>,
        %get3A_894 = vector.shape_cast %get3A_893 : vector<1x16xf32> to vector<16xf32>
        %mul3A_895 = vector.broadcast %squeeze3A_57 : f32 to vector<16xf32>
        %mul3A_896 = arith.mulf %get3A_894, %mul3A_895 : vector<16xf32>
        %add3A_897 = arith.addf %mul3A_890, %mul3A_896 : vector<16xf32>
        %swap3A_898 = arith.index_cast %scan3A_44 : i32 to index
        %swap3A_899 = arith.constant 736 : index
        %swap3A_900 = tpu.vector_load %arg12[%swap3A_898, %swap3A_899] {strides = array<i32>} : memref<32x768xf32, #tpu.memory_space<vmem>>, vector<1x16xf32>,
        %swap3A_901 = vector.shape_cast %swap3A_900 : vector<1x16xf32> to vector<16xf32>
        %swap3A_902 = vector.shape_cast %add3A_897 : vector<16xf32> to vector<1x16xf32>
        tpu.vector_store %arg12[%swap3A_898, %swap3A_899], %swap3A_902 {strides = array<i32>} : memref<32x768xf32, #tpu.memory_space<vmem>>, vector<1x16xf32>,
        %get3A_903 = arith.index_cast %scan3A_44 : i32 to index
        %get3A_904 = arith.constant 752 : index
        %get3A_905 = tpu.vector_load %arg12[%get3A_903, %get3A_904] {strides = array<i32>} : memref<32x768xf32, #tpu.memory_space<vmem>>, vector<1x16xf32>,
        %get3A_906 = vector.shape_cast %get3A_905 : vector<1x16xf32> to vector<16xf32>
        %mul3A_907 = vector.broadcast %squeeze3A : f32 to vector<16xf32>
        %mul3A_908 = arith.mulf %get3A_906, %mul3A_907 : vector<16xf32>
        %get3A_909 = arith.index_cast %scan3A_44 : i32 to index
        %get3A_910 = arith.constant 752 : index
        %get3A_911 = tpu.vector_load %arg13[%get3A_909, %get3A_910] {strides = array<i32>} : memref<32x768xf32, #tpu.memory_space<vmem>>, vector<1x16xf32>,
        %get3A_912 = vector.shape_cast %get3A_911 : vector<1x16xf32> to vector<16xf32>
        %mul3A_913 = vector.broadcast %squeeze3A_57 : f32 to vector<16xf32>
        %mul3A_914 = arith.mulf %get3A_912, %mul3A_913 : vector<16xf32>
        %add3A_915 = arith.addf %mul3A_908, %mul3A_914 : vector<16xf32>
        %swap3A_916 = arith.index_cast %scan3A_44 : i32 to index
        %swap3A_917 = arith.constant 752 : index
        %swap3A_918 = tpu.vector_load %arg12[%swap3A_916, %swap3A_917] {strides = array<i32>} : memref<32x768xf32, #tpu.memory_space<vmem>>, vector<1x16xf32>,
        %swap3A_919 = vector.shape_cast %swap3A_918 : vector<1x16xf32> to vector<16xf32>
        %swap3A_920 = vector.shape_cast %add3A_915 : vector<16xf32> to vector<1x16xf32>
        tpu.vector_store %arg12[%swap3A_916, %swap3A_917], %swap3A_920 {strides = array<i32>} : memref<32x768xf32, #tpu.memory_space<vmem>>, vector<1x16xf32>,
        %scan3A_921 = arith.constant 0 : i32
        scf.yield %scan3A_921 : i32
      }
      %scan3A_39 = arith.constant 32 : i32
      %mul3A_40 = arith.constant 32 : i32
      %mul3A_41 = arith.muli %scan3A_9, %mul3A_40 : i32
      %add3A_42 = arith.addi %mul3A_2, %mul3A_41 : i32
      "tpu.region"() ({
        %run_scoped3A = tpu.sem_alloc : memref<!tpu.dma_semaphore, #tpu.memory_space<semaphore_mem>>
        %dma_start3A_44 = arith.constant 0 : i32
        %dma_start3A_45 = tpu.memref_slice %arg7[%add3A_42, %dma_start3A_44] : memref<2048x768xf32, #tpu.memory_space<hbm>> -> memref<32x768xf32, #tpu.memory_space<hbm>>
        %dma_start3A_46 = arith.constant 0 : i32
        %dma_start3A_47 = tpu.memref_slice %arg7[%add3A_42, %dma_start3A_46] : memref<2048x768xf32, #tpu.memory_space<hbm>> -> memref<32x768xf32, #tpu.memory_space<hbm>>
        tpu.enqueue_dma source(%arg12 : memref<32x768xf32, #tpu.memory_space<vmem>>) target(%dma_start3A_47 : memref<32x768xf32, #tpu.memory_space<hbm>>) target_semaphore(%run_scoped3A : memref<!tpu.dma_semaphore, #tpu.memory_space<semaphore_mem>>)
        %dma_wait3A_48 = arith.constant 0 : i32
        %dma_wait3A_49 = tpu.memref_slice %arg7[%add3A_42, %dma_wait3A_48] : memref<2048x768xf32, #tpu.memory_space<hbm>> -> memref<32x768xf32, #tpu.memory_space<hbm>>
        %dma_wait3A_50 = arith.constant 0 : i32
        %dma_wait3A_51 = tpu.memref_slice %arg7[%add3A_42, %dma_wait3A_50] : memref<2048x768xf32, #tpu.memory_space<hbm>> -> memref<32x768xf32, #tpu.memory_space<hbm>>
        tpu.wait_dma2 semaphore(%run_scoped3A : memref<!tpu.dma_semaphore, #tpu.memory_space<semaphore_mem>>) src(%arg12 : memref<32x768xf32, #tpu.memory_space<vmem>>) dst(%dma_wait3A_51 : memref<32x768xf32, #tpu.memory_space<hbm>>)
        tpu.yield
      }) : () -> ()
      %scan3A_43 = arith.constant 0 : i32
      scf.yield %scan3A_43 : i32
    }
    %scan3A_8 = arith.constant 2 : i32
    return
  }
}

module attributes {stable_mosaic.version = 14 : i64} {
  func.func @_route_body(%arg0: memref<2048x768xf32, #tpu.memory_space<vmem>>, %arg1: memref<768x8xf32, #tpu.memory_space<vmem>>, %arg2: memref<2048x1xi32, #tpu.memory_space<vmem>>, %arg3: memref<2048x1xi32, #tpu.memory_space<vmem>>, %arg4: memref<2048x1xf32, #tpu.memory_space<vmem>>, %arg5: memref<2048x1xf32, #tpu.memory_space<vmem>>, %arg6: memref<24x1xi32, #tpu.memory_space<vmem>>, %arg7: memref<24x1xi32, #tpu.memory_space<vmem>>, %arg8: memref<1x1xf32, #tpu.memory_space<smem>>, %arg9: memref<2048x384xi32, #tpu.memory_space<vmem>>) attributes {dimension_semantics = [], scalar_prefetch = 0 : i64, scratch_operands = 0 : i64, tpu.core_type = #tpu.core_type<tc>} {
    %get3A = arith.constant 0 : index
    %get3A_0 = arith.constant 0 : index
    %get3A_1 = vector.load %arg0[%get3A, %get3A_0] : memref<2048x768xf32, #tpu.memory_space<vmem>>, vector<2048x768xf32>
    %slice3A = vector.extract_strided_slice %get3A_1 {offsets = [0, 0], sizes = [2048, 384], strides = [1, 1]} : vector<2048x768xf32> to vector<2048x384xf32>
    %bitcast_convert_type3A = tpu.bitcast %slice3A : vector<2048x384xf32> -> vector<2048x384xi32>
    %add3A = arith.constant 32767 : i32
    %add3A_2 = vector.broadcast %add3A : i32 to vector<2048x384xi32>
    %add3A_3 = arith.addi %bitcast_convert_type3A, %add3A_2 : vector<2048x384xi32>
    %shift_right_arithmetic3A = arith.constant 16 : i32
    %shift_right_arithmetic3A_4 = vector.broadcast %shift_right_arithmetic3A : i32 to vector<2048x384xi32>
    %shift_right_arithmetic3A_5 = arith.shrsi %bitcast_convert_type3A, %shift_right_arithmetic3A_4 : vector<2048x384xi32>
    %and3A = arith.constant 1 : i32
    %and3A_6 = vector.broadcast %and3A : i32 to vector<2048x384xi32>
    %and3A_7 = arith.andi %shift_right_arithmetic3A_5, %and3A_6 : vector<2048x384xi32>
    %add3A_8 = arith.addi %add3A_3, %and3A_7 : vector<2048x384xi32>
    %shift_right_arithmetic3A_9 = arith.constant 16 : i32
    %shift_right_arithmetic3A_10 = vector.broadcast %shift_right_arithmetic3A_9 : i32 to vector<2048x384xi32>
    %shift_right_arithmetic3A_11 = arith.shrsi %add3A_8, %shift_right_arithmetic3A_10 : vector<2048x384xi32>
    %and3A_12 = arith.constant 65535 : i32
    %and3A_13 = vector.broadcast %and3A_12 : i32 to vector<2048x384xi32>
    %and3A_14 = arith.andi %shift_right_arithmetic3A_11, %and3A_13 : vector<2048x384xi32>
    %slice3A_15 = vector.extract_strided_slice %get3A_1 {offsets = [0, 384], sizes = [2048, 384], strides = [1, 1]} : vector<2048x768xf32> to vector<2048x384xf32>
    %bitcast_convert_type3A_16 = tpu.bitcast %slice3A_15 : vector<2048x384xf32> -> vector<2048x384xi32>
    %add3A_17 = arith.constant 32767 : i32
    %add3A_18 = vector.broadcast %add3A_17 : i32 to vector<2048x384xi32>
    %add3A_19 = arith.addi %bitcast_convert_type3A_16, %add3A_18 : vector<2048x384xi32>
    %shift_right_arithmetic3A_20 = arith.constant 16 : i32
    %shift_right_arithmetic3A_21 = vector.broadcast %shift_right_arithmetic3A_20 : i32 to vector<2048x384xi32>
    %shift_right_arithmetic3A_22 = arith.shrsi %bitcast_convert_type3A_16, %shift_right_arithmetic3A_21 : vector<2048x384xi32>
    %and3A_23 = arith.constant 1 : i32
    %and3A_24 = vector.broadcast %and3A_23 : i32 to vector<2048x384xi32>
    %and3A_25 = arith.andi %shift_right_arithmetic3A_22, %and3A_24 : vector<2048x384xi32>
    %add3A_26 = arith.addi %add3A_19, %and3A_25 : vector<2048x384xi32>
    %shift_right_arithmetic3A_27 = arith.constant 16 : i32
    %shift_right_arithmetic3A_28 = vector.broadcast %shift_right_arithmetic3A_27 : i32 to vector<2048x384xi32>
    %shift_right_arithmetic3A_29 = arith.shrsi %add3A_26, %shift_right_arithmetic3A_28 : vector<2048x384xi32>
    %and3A_30 = arith.constant 65535 : i32
    %and3A_31 = vector.broadcast %and3A_30 : i32 to vector<2048x384xi32>
    %and3A_32 = arith.andi %shift_right_arithmetic3A_29, %and3A_31 : vector<2048x384xi32>
    %shift_left3A = arith.constant 16 : i32
    %shift_left3A_33 = vector.broadcast %shift_left3A : i32 to vector<2048x384xi32>
    %shift_left3A_34 = arith.shli %and3A_32, %shift_left3A_33 : vector<2048x384xi32>
    %or3A = arith.ori %and3A_14, %shift_left3A_34 : vector<2048x384xi32>
    %swap3A = arith.constant 0 : index
    %swap3A_35 = arith.constant 0 : index
    %swap3A_36 = vector.load %arg9[%swap3A, %swap3A_35] : memref<2048x384xi32, #tpu.memory_space<vmem>>, vector<2048x384xi32>
    tpu.vector_store %arg9[%swap3A, %swap3A_35], %or3A {strides = array<i32>} : memref<2048x384xi32, #tpu.memory_space<vmem>>, vector<2048x384xi32>,
    %get3A_37 = arith.constant 0 : index
    %get3A_38 = arith.constant 0 : index
    %get3A_39 = vector.load %arg1[%get3A_37, %get3A_38] : memref<768x8xf32, #tpu.memory_space<vmem>>, vector<768x8xf32>
    %dot_general3A = arith.constant dense<0.000000e+00> : vector<2048x8xf32>
    %dot_general3A_40 = tpu.matmul %get3A_1, %get3A_39, %dot_general3A {dimension_numbers = #tpu.dot_dimension_numbers<[1], [0], [0], [1], [0, 0, 1, 1], [], []>, transpose_lhs_hint = false} : vector<2048x768xf32>, vector<768x8xf32>, vector<2048x8xf32> -> vector<2048x8xf32>
    %reduce_max3A = arith.constant dense<0xFF800000> : vector<2048xf32>
    %reduce_max3A_41 = vector.multi_reduction <maximumf>, %dot_general3A_40, %reduce_max3A [1] : vector<2048x8xf32> to vector<2048xf32>
    %broadcast_in_dim3A = vector.shape_cast %reduce_max3A_41 : vector<2048xf32> to vector<2048x1xf32>
    %sub3A = vector.broadcast %broadcast_in_dim3A : vector<2048x1xf32> to vector<2048x8xf32>
    %sub3A_42 = arith.subf %dot_general3A_40, %sub3A : vector<2048x8xf32>
    %exp3A = math.exp %sub3A_42 : vector<2048x8xf32>
    %reduce_sum3A = arith.constant dense<0.000000e+00> : vector<2048xf32>
    %reduce_sum3A_43 = vector.multi_reduction <add>, %exp3A, %reduce_sum3A [1] : vector<2048x8xf32> to vector<2048xf32>
    %broadcast_in_dim3A_44 = vector.shape_cast %reduce_sum3A_43 : vector<2048xf32> to vector<2048x1xf32>
    %div3A = vector.broadcast %broadcast_in_dim3A_44 : vector<2048x1xf32> to vector<2048x8xf32>
    %div3A_45 = arith.divf %exp3A, %div3A : vector<2048x8xf32>
    %iota3A = tpu.iota {dimensions = array<i32: 1>} : vector<2048x8xi32>
    %reduce_max3A_46 = arith.constant dense<0xFF800000> : vector<2048xf32>
    %reduce_max3A_47 = vector.multi_reduction <maximumf>, %div3A_45, %reduce_max3A_46 [1] : vector<2048x8xf32> to vector<2048xf32>
    %broadcast_in_dim3A_48 = vector.shape_cast %reduce_max3A_47 : vector<2048xf32> to vector<2048x1xf32>
    %eq3A = vector.broadcast %broadcast_in_dim3A_48 : vector<2048x1xf32> to vector<2048x8xf32>
    %eq3A_49 = arith.cmpf oeq, %div3A_45, %eq3A : vector<2048x8xf32>
    %jit3A = arith.constant 8 : i32
    %broadcast_in_dim3A_50 = vector.broadcast %jit3A : i32 to vector<2048x8xi32>
    %select_n3A = arith.select %eq3A_49, %iota3A, %broadcast_in_dim3A_50 : vector<2048x8xi1>, vector<2048x8xi32>
    %reduce_min3A = arith.constant dense<2147483647> : vector<2048xi32>
    %reduce_min3A_51 = vector.multi_reduction <minsi>, %select_n3A, %reduce_min3A [1] : vector<2048x8xi32> to vector<2048xi32>
    %broadcast_in_dim3A_52 = vector.shape_cast %reduce_min3A_51 : vector<2048xi32> to vector<2048x1xi32>
    %eq3A_53 = vector.broadcast %broadcast_in_dim3A_52 : vector<2048x1xi32> to vector<2048x8xi32>
    %eq3A_54 = arith.cmpi eq, %iota3A, %eq3A_53 : vector<2048x8xi32>
    %jit3A_55 = arith.constant -1.000000e+00 : f32
    %broadcast_in_dim3A_56 = vector.broadcast %jit3A_55 : f32 to vector<2048x8xf32>
    %select_n3A_57 = arith.select %eq3A_54, %broadcast_in_dim3A_56, %div3A_45 : vector<2048x8xi1>, vector<2048x8xf32>
    %reduce_max3A_58 = arith.constant dense<0xFF800000> : vector<2048xf32>
    %reduce_max3A_59 = vector.multi_reduction <maximumf>, %select_n3A_57, %reduce_max3A_58 [1] : vector<2048x8xf32> to vector<2048xf32>
    %broadcast_in_dim3A_60 = vector.shape_cast %reduce_max3A_59 : vector<2048xf32> to vector<2048x1xf32>
    %eq3A_61 = vector.broadcast %broadcast_in_dim3A_60 : vector<2048x1xf32> to vector<2048x8xf32>
    %eq3A_62 = arith.cmpf oeq, %select_n3A_57, %eq3A_61 : vector<2048x8xf32>
    %jit3A_63 = arith.constant 8 : i32
    %broadcast_in_dim3A_64 = vector.broadcast %jit3A_63 : i32 to vector<2048x8xi32>
    %select_n3A_65 = arith.select %eq3A_62, %iota3A, %broadcast_in_dim3A_64 : vector<2048x8xi1>, vector<2048x8xi32>
    %reduce_min3A_66 = arith.constant dense<2147483647> : vector<2048xi32>
    %reduce_min3A_67 = vector.multi_reduction <minsi>, %select_n3A_65, %reduce_min3A_66 [1] : vector<2048x8xi32> to vector<2048xi32>
    %broadcast_in_dim3A_68 = vector.shape_cast %reduce_min3A_67 : vector<2048xi32> to vector<2048x1xi32>
    %add3A_69 = arith.addf %broadcast_in_dim3A_48, %broadcast_in_dim3A_60 : vector<2048x1xf32>
    %add3A_70 = arith.constant 9.99999997E-7 : f32
    %add3A_71 = vector.broadcast %add3A_70 : f32 to vector<2048x1xf32>
    %add3A_72 = arith.addf %add3A_69, %add3A_71 : vector<2048x1xf32>
    %div3A_73 = arith.divf %broadcast_in_dim3A_48, %add3A_72 : vector<2048x1xf32>
    %swap3A_74 = arith.constant 0 : index
    %swap3A_75 = arith.constant 0 : index
    %swap3A_76 = vector.load %arg4[%swap3A_74, %swap3A_75] : memref<2048x1xf32, #tpu.memory_space<vmem>>, vector<2048x1xf32>
    tpu.vector_store %arg4[%swap3A_74, %swap3A_75], %div3A_73 {strides = array<i32>} : memref<2048x1xf32, #tpu.memory_space<vmem>>, vector<2048x1xf32>,
    %div3A_77 = arith.divf %broadcast_in_dim3A_60, %add3A_72 : vector<2048x1xf32>
    %swap3A_78 = arith.constant 0 : index
    %swap3A_79 = arith.constant 0 : index
    %swap3A_80 = vector.load %arg5[%swap3A_78, %swap3A_79] : memref<2048x1xf32, #tpu.memory_space<vmem>>, vector<2048x1xf32>
    tpu.vector_store %arg5[%swap3A_78, %swap3A_79], %div3A_77 {strides = array<i32>} : memref<2048x1xf32, #tpu.memory_space<vmem>>, vector<2048x1xf32>,
    %eq3A_81 = vector.broadcast %broadcast_in_dim3A_52 : vector<2048x1xi32> to vector<2048x8xi32>
    %eq3A_82 = arith.cmpi eq, %iota3A, %eq3A_81 : vector<2048x8xi32>
    %convert_element_type3A = arith.extui %eq3A_82 : vector<2048x8xi1> to vector<2048x8xi32>
    %convert_element_type3A_83 = arith.sitofp %convert_element_type3A : vector<2048x8xi32> to vector<2048x8xf32>
    %eq3A_84 = vector.broadcast %broadcast_in_dim3A_68 : vector<2048x1xi32> to vector<2048x8xi32>
    %eq3A_85 = arith.cmpi eq, %iota3A, %eq3A_84 : vector<2048x8xi32>
    %convert_element_type3A_86 = arith.extui %eq3A_85 : vector<2048x8xi1> to vector<2048x8xi32>
    %convert_element_type3A_87 = arith.sitofp %convert_element_type3A_86 : vector<2048x8xi32> to vector<2048x8xf32>
    %add3A_88 = arith.addf %convert_element_type3A_83, %convert_element_type3A_87 : vector<2048x8xf32>
    %iota3A_89 = tpu.iota {dimensions = array<i32: 0>} : vector<256x2048xi32>
    %add3A_90 = arith.constant 0 : i32
    %add3A_91 = vector.broadcast %add3A_90 : i32 to vector<256x2048xi32>
    %add3A_92 = arith.addi %iota3A_89, %add3A_91 : vector<256x2048xi32>
    %iota3A_93 = tpu.iota {dimensions = array<i32: 1>} : vector<256x2048xi32>
    %lt3A = arith.cmpi slt, %iota3A_93, %add3A_92 : vector<256x2048xi32>
    %convert_element_type3A_94 = arith.extui %lt3A : vector<256x2048xi1> to vector<256x2048xi32>
    %convert_element_type3A_95 = arith.sitofp %convert_element_type3A_94 : vector<256x2048xi32> to vector<256x2048xf32>
    %dot_general3A_96 = arith.constant dense<0.000000e+00> : vector<256x8xf32>
    %dot_general3A_97 = tpu.matmul %convert_element_type3A_95, %add3A_88, %dot_general3A_96 {dimension_numbers = #tpu.dot_dimension_numbers<[1], [0], [0], [1], [0, 0, 1, 1], [], []>, transpose_lhs_hint = false} : vector<256x2048xf32>, vector<2048x8xf32>, vector<256x8xf32> -> vector<256x8xf32>
    %iota3A_98 = tpu.iota {dimensions = array<i32: 0>} : vector<256x2048xi32>
    %add3A_99 = arith.constant 256 : i32
    %add3A_100 = vector.broadcast %add3A_99 : i32 to vector<256x2048xi32>
    %add3A_101 = arith.addi %iota3A_98, %add3A_100 : vector<256x2048xi32>
    %iota3A_102 = tpu.iota {dimensions = array<i32: 1>} : vector<256x2048xi32>
    %lt3A_103 = arith.cmpi slt, %iota3A_102, %add3A_101 : vector<256x2048xi32>
    %convert_element_type3A_104 = arith.extui %lt3A_103 : vector<256x2048xi1> to vector<256x2048xi32>
    %convert_element_type3A_105 = arith.sitofp %convert_element_type3A_104 : vector<256x2048xi32> to vector<256x2048xf32>
    %dot_general3A_106 = arith.constant dense<0.000000e+00> : vector<256x8xf32>
    %dot_general3A_107 = tpu.matmul %convert_element_type3A_105, %add3A_88, %dot_general3A_106 {dimension_numbers = #tpu.dot_dimension_numbers<[1], [0], [0], [1], [0, 0, 1, 1], [], []>, transpose_lhs_hint = false} : vector<256x2048xf32>, vector<2048x8xf32>, vector<256x8xf32> -> vector<256x8xf32>
    %iota3A_108 = tpu.iota {dimensions = array<i32: 0>} : vector<256x2048xi32>
    %add3A_109 = arith.constant 512 : i32
    %add3A_110 = vector.broadcast %add3A_109 : i32 to vector<256x2048xi32>
    %add3A_111 = arith.addi %iota3A_108, %add3A_110 : vector<256x2048xi32>
    %iota3A_112 = tpu.iota {dimensions = array<i32: 1>} : vector<256x2048xi32>
    %lt3A_113 = arith.cmpi slt, %iota3A_112, %add3A_111 : vector<256x2048xi32>
    %convert_element_type3A_114 = arith.extui %lt3A_113 : vector<256x2048xi1> to vector<256x2048xi32>
    %convert_element_type3A_115 = arith.sitofp %convert_element_type3A_114 : vector<256x2048xi32> to vector<256x2048xf32>
    %dot_general3A_116 = arith.constant dense<0.000000e+00> : vector<256x8xf32>
    %dot_general3A_117 = tpu.matmul %convert_element_type3A_115, %add3A_88, %dot_general3A_116 {dimension_numbers = #tpu.dot_dimension_numbers<[1], [0], [0], [1], [0, 0, 1, 1], [], []>, transpose_lhs_hint = false} : vector<256x2048xf32>, vector<2048x8xf32>, vector<256x8xf32> -> vector<256x8xf32>
    %iota3A_118 = tpu.iota {dimensions = array<i32: 0>} : vector<256x2048xi32>
    %add3A_119 = arith.constant 768 : i32
    %add3A_120 = vector.broadcast %add3A_119 : i32 to vector<256x2048xi32>
    %add3A_121 = arith.addi %iota3A_118, %add3A_120 : vector<256x2048xi32>
    %iota3A_122 = tpu.iota {dimensions = array<i32: 1>} : vector<256x2048xi32>
    %lt3A_123 = arith.cmpi slt, %iota3A_122, %add3A_121 : vector<256x2048xi32>
    %convert_element_type3A_124 = arith.extui %lt3A_123 : vector<256x2048xi1> to vector<256x2048xi32>
    %convert_element_type3A_125 = arith.sitofp %convert_element_type3A_124 : vector<256x2048xi32> to vector<256x2048xf32>
    %dot_general3A_126 = arith.constant dense<0.000000e+00> : vector<256x8xf32>
    %dot_general3A_127 = tpu.matmul %convert_element_type3A_125, %add3A_88, %dot_general3A_126 {dimension_numbers = #tpu.dot_dimension_numbers<[1], [0], [0], [1], [0, 0, 1, 1], [], []>, transpose_lhs_hint = false} : vector<256x2048xf32>, vector<2048x8xf32>, vector<256x8xf32> -> vector<256x8xf32>
    %iota3A_128 = tpu.iota {dimensions = array<i32: 0>} : vector<256x2048xi32>
    %add3A_129 = arith.constant 1024 : i32
    %add3A_130 = vector.broadcast %add3A_129 : i32 to vector<256x2048xi32>
    %add3A_131 = arith.addi %iota3A_128, %add3A_130 : vector<256x2048xi32>
    %iota3A_132 = tpu.iota {dimensions = array<i32: 1>} : vector<256x2048xi32>
    %lt3A_133 = arith.cmpi slt, %iota3A_132, %add3A_131 : vector<256x2048xi32>
    %convert_element_type3A_134 = arith.extui %lt3A_133 : vector<256x2048xi1> to vector<256x2048xi32>
    %convert_element_type3A_135 = arith.sitofp %convert_element_type3A_134 : vector<256x2048xi32> to vector<256x2048xf32>
    %dot_general3A_136 = arith.constant dense<0.000000e+00> : vector<256x8xf32>
    %dot_general3A_137 = tpu.matmul %convert_element_type3A_135, %add3A_88, %dot_general3A_136 {dimension_numbers = #tpu.dot_dimension_numbers<[1], [0], [0], [1], [0, 0, 1, 1], [], []>, transpose_lhs_hint = false} : vector<256x2048xf32>, vector<2048x8xf32>, vector<256x8xf32> -> vector<256x8xf32>
    %iota3A_138 = tpu.iota {dimensions = array<i32: 0>} : vector<256x2048xi32>
    %add3A_139 = arith.constant 1280 : i32
    %add3A_140 = vector.broadcast %add3A_139 : i32 to vector<256x2048xi32>
    %add3A_141 = arith.addi %iota3A_138, %add3A_140 : vector<256x2048xi32>
    %iota3A_142 = tpu.iota {dimensions = array<i32: 1>} : vector<256x2048xi32>
    %lt3A_143 = arith.cmpi slt, %iota3A_142, %add3A_141 : vector<256x2048xi32>
    %convert_element_type3A_144 = arith.extui %lt3A_143 : vector<256x2048xi1> to vector<256x2048xi32>
    %convert_element_type3A_145 = arith.sitofp %convert_element_type3A_144 : vector<256x2048xi32> to vector<256x2048xf32>
    %dot_general3A_146 = arith.constant dense<0.000000e+00> : vector<256x8xf32>
    %dot_general3A_147 = tpu.matmul %convert_element_type3A_145, %add3A_88, %dot_general3A_146 {dimension_numbers = #tpu.dot_dimension_numbers<[1], [0], [0], [1], [0, 0, 1, 1], [], []>, transpose_lhs_hint = false} : vector<256x2048xf32>, vector<2048x8xf32>, vector<256x8xf32> -> vector<256x8xf32>
    %iota3A_148 = tpu.iota {dimensions = array<i32: 0>} : vector<256x2048xi32>
    %add3A_149 = arith.constant 1536 : i32
    %add3A_150 = vector.broadcast %add3A_149 : i32 to vector<256x2048xi32>
    %add3A_151 = arith.addi %iota3A_148, %add3A_150 : vector<256x2048xi32>
    %iota3A_152 = tpu.iota {dimensions = array<i32: 1>} : vector<256x2048xi32>
    %lt3A_153 = arith.cmpi slt, %iota3A_152, %add3A_151 : vector<256x2048xi32>
    %convert_element_type3A_154 = arith.extui %lt3A_153 : vector<256x2048xi1> to vector<256x2048xi32>
    %convert_element_type3A_155 = arith.sitofp %convert_element_type3A_154 : vector<256x2048xi32> to vector<256x2048xf32>
    %dot_general3A_156 = arith.constant dense<0.000000e+00> : vector<256x8xf32>
    %dot_general3A_157 = tpu.matmul %convert_element_type3A_155, %add3A_88, %dot_general3A_156 {dimension_numbers = #tpu.dot_dimension_numbers<[1], [0], [0], [1], [0, 0, 1, 1], [], []>, transpose_lhs_hint = false} : vector<256x2048xf32>, vector<2048x8xf32>, vector<256x8xf32> -> vector<256x8xf32>
    %iota3A_158 = tpu.iota {dimensions = array<i32: 0>} : vector<256x2048xi32>
    %add3A_159 = arith.constant 1792 : i32
    %add3A_160 = vector.broadcast %add3A_159 : i32 to vector<256x2048xi32>
    %add3A_161 = arith.addi %iota3A_158, %add3A_160 : vector<256x2048xi32>
    %iota3A_162 = tpu.iota {dimensions = array<i32: 1>} : vector<256x2048xi32>
    %lt3A_163 = arith.cmpi slt, %iota3A_162, %add3A_161 : vector<256x2048xi32>
    %convert_element_type3A_164 = arith.extui %lt3A_163 : vector<256x2048xi1> to vector<256x2048xi32>
    %convert_element_type3A_165 = arith.sitofp %convert_element_type3A_164 : vector<256x2048xi32> to vector<256x2048xf32>
    %dot_general3A_166 = arith.constant dense<0.000000e+00> : vector<256x8xf32>
    %dot_general3A_167 = tpu.matmul %convert_element_type3A_165, %add3A_88, %dot_general3A_166 {dimension_numbers = #tpu.dot_dimension_numbers<[1], [0], [0], [1], [0, 0, 1, 1], [], []>, transpose_lhs_hint = false} : vector<256x2048xf32>, vector<2048x8xf32>, vector<256x8xf32> -> vector<256x8xf32>
    %concatenate3A = tpu.concatenate %dot_general3A_97, %dot_general3A_107, %dot_general3A_117, %dot_general3A_127, %dot_general3A_137, %dot_general3A_147, %dot_general3A_157, %dot_general3A_167 in 0 : vector<256x8xf32>, vector<256x8xf32>, vector<256x8xf32>, vector<256x8xf32>, vector<256x8xf32>, vector<256x8xf32>, vector<256x8xf32>, vector<256x8xf32> -> vector<2048x8xf32>
    %mul3A = arith.mulf %concatenate3A, %convert_element_type3A_83 : vector<2048x8xf32>
    %reduce_sum3A_168 = arith.constant dense<0.000000e+00> : vector<2048xf32>
    %reduce_sum3A_169 = vector.multi_reduction <add>, %mul3A, %reduce_sum3A_168 [1] : vector<2048x8xf32> to vector<2048xf32>
    %broadcast_in_dim3A_170 = vector.shape_cast %reduce_sum3A_169 : vector<2048xf32> to vector<2048x1xf32>
    %mul3A_171 = arith.mulf %concatenate3A, %convert_element_type3A_87 : vector<2048x8xf32>
    %reduce_sum3A_172 = arith.constant dense<0.000000e+00> : vector<2048xf32>
    %reduce_sum3A_173 = vector.multi_reduction <add>, %mul3A_171, %reduce_sum3A_172 [1] : vector<2048x8xf32> to vector<2048xf32>
    %broadcast_in_dim3A_174 = vector.shape_cast %reduce_sum3A_173 : vector<2048xf32> to vector<2048x1xf32>
    %reduce_sum3A_175 = arith.constant dense<0.000000e+00> : vector<8xf32>
    %reduce_sum3A_176 = vector.multi_reduction <add>, %add3A_88, %reduce_sum3A_175 [0] : vector<2048x8xf32> to vector<8xf32>
    %broadcast_in_dim3A_177 = vector.shape_cast %reduce_sum3A_176 : vector<8xf32> to vector<1x8xf32>
    %add3A_178 = arith.constant 2.550000e+02 : f32
    %add3A_179 = vector.broadcast %add3A_178 : f32 to vector<1x8xf32>
    %add3A_180 = arith.addf %broadcast_in_dim3A_177, %add3A_179 : vector<1x8xf32>
    %mul3A_181 = arith.constant 3.906250e-03 : f32
    %mul3A_182 = vector.broadcast %mul3A_181 : f32 to vector<1x8xf32>
    %mul3A_183 = arith.mulf %add3A_180, %mul3A_182 : vector<1x8xf32>
    %floor3A = math.floor %mul3A_183 : vector<1x8xf32>
    %iota3A_184 = tpu.iota {dimensions = array<i32: 1>} : vector<8x8xi32>
    %iota3A_185 = tpu.iota {dimensions = array<i32: 0>} : vector<8x8xi32>
    %lt3A_186 = arith.cmpi slt, %iota3A_185, %iota3A_184 : vector<8x8xi32>
    %convert_element_type3A_187 = arith.extui %lt3A_186 : vector<8x8xi1> to vector<8x8xi32>
    %convert_element_type3A_188 = arith.sitofp %convert_element_type3A_187 : vector<8x8xi32> to vector<8x8xf32>
    %dot_general3A_189 = arith.constant dense<0.000000e+00> : vector<1x8xf32>
    %dot_general3A_190 = tpu.matmul %floor3A, %convert_element_type3A_188, %dot_general3A_189 {dimension_numbers = #tpu.dot_dimension_numbers<[1], [0], [0], [1], [0, 0, 1, 1], [], []>, transpose_lhs_hint = false} : vector<1x8xf32>, vector<8x8xf32>, vector<1x8xf32> -> vector<1x8xf32>
    %mul3A_191 = arith.constant 2.560000e+02 : f32
    %mul3A_192 = vector.broadcast %mul3A_191 : f32 to vector<1x8xf32>
    %mul3A_193 = arith.mulf %dot_general3A_190, %mul3A_192 : vector<1x8xf32>
    %mul3A_194 = vector.broadcast %mul3A_193 : vector<1x8xf32> to vector<2048x8xf32>
    %mul3A_195 = arith.mulf %convert_element_type3A_83, %mul3A_194 : vector<2048x8xf32>
    %reduce_sum3A_196 = arith.constant dense<0.000000e+00> : vector<2048xf32>
    %reduce_sum3A_197 = vector.multi_reduction <add>, %mul3A_195, %reduce_sum3A_196 [1] : vector<2048x8xf32> to vector<2048xf32>
    %broadcast_in_dim3A_198 = vector.shape_cast %reduce_sum3A_197 : vector<2048xf32> to vector<2048x1xf32>
    %add3A_199 = arith.addf %broadcast_in_dim3A_198, %broadcast_in_dim3A_170 : vector<2048x1xf32>
    %mul3A_200 = vector.broadcast %mul3A_193 : vector<1x8xf32> to vector<2048x8xf32>
    %mul3A_201 = arith.mulf %convert_element_type3A_87, %mul3A_200 : vector<2048x8xf32>
    %reduce_sum3A_202 = arith.constant dense<0.000000e+00> : vector<2048xf32>
    %reduce_sum3A_203 = vector.multi_reduction <add>, %mul3A_201, %reduce_sum3A_202 [1] : vector<2048x8xf32> to vector<2048xf32>
    %broadcast_in_dim3A_204 = vector.shape_cast %reduce_sum3A_203 : vector<2048xf32> to vector<2048x1xf32>
    %add3A_205 = arith.addf %broadcast_in_dim3A_204, %broadcast_in_dim3A_174 : vector<2048x1xf32>
    %convert_element_type3A_206 = arith.fptosi %add3A_199 : vector<2048x1xf32> to vector<2048x1xi32>
    %swap3A_207 = arith.constant 0 : index
    %swap3A_208 = arith.constant 0 : index
    %swap3A_209 = vector.load %arg2[%swap3A_207, %swap3A_208] : memref<2048x1xi32, #tpu.memory_space<vmem>>, vector<2048x1xi32>
    tpu.vector_store %arg2[%swap3A_207, %swap3A_208], %convert_element_type3A_206 {strides = array<i32>} : memref<2048x1xi32, #tpu.memory_space<vmem>>, vector<2048x1xi32>,
    %convert_element_type3A_210 = arith.fptosi %add3A_205 : vector<2048x1xf32> to vector<2048x1xi32>
    %swap3A_211 = arith.constant 0 : index
    %swap3A_212 = arith.constant 0 : index
    %swap3A_213 = vector.load %arg3[%swap3A_211, %swap3A_212] : memref<2048x1xi32, #tpu.memory_space<vmem>>, vector<2048x1xi32>
    tpu.vector_store %arg3[%swap3A_211, %swap3A_212], %convert_element_type3A_210 {strides = array<i32>} : memref<2048x1xi32, #tpu.memory_space<vmem>>, vector<2048x1xi32>,
    %iota3A_214 = tpu.iota {dimensions = array<i32: 0>} : vector<24x8xi32>
    %convert_element_type3A_215 = arith.sitofp %iota3A_214 : vector<24x8xi32> to vector<24x8xf32>
    %broadcast_in_dim3A_216 = vector.shape_cast %dot_general3A_190 : vector<1x8xf32> to vector<1x8xf32>
    %broadcast_in_dim3A_217 = vector.broadcast %broadcast_in_dim3A_216 : vector<1x8xf32> to vector<24x8xf32>
    %le3A = arith.cmpf ole, %broadcast_in_dim3A_217, %convert_element_type3A_215 : vector<24x8xf32>
    %convert_element_type3A_218 = arith.extui %le3A : vector<24x8xi1> to vector<24x8xi32>
    %convert_element_type3A_219 = arith.sitofp %convert_element_type3A_218 : vector<24x8xi32> to vector<24x8xf32>
    %reduce_sum3A_220 = arith.constant dense<0.000000e+00> : vector<24xf32>
    %reduce_sum3A_221 = vector.multi_reduction <add>, %convert_element_type3A_219, %reduce_sum3A_220 [1] : vector<24x8xf32> to vector<24xf32>
    %broadcast_in_dim3A_222 = vector.shape_cast %reduce_sum3A_221 : vector<24xf32> to vector<24x1xf32>
    %sub3A_223 = arith.constant 1.000000e+00 : f32
    %sub3A_224 = vector.broadcast %sub3A_223 : f32 to vector<24x1xf32>
    %sub3A_225 = arith.subf %broadcast_in_dim3A_222, %sub3A_224 : vector<24x1xf32>
    %jit3A_226 = arith.constant 0.000000e+00 : f32
    %jit3A_227 = arith.constant 7.000000e+00 : f32
    %max3A = vector.broadcast %jit3A_226 : f32 to vector<24x1xf32>
    %max3A_228 = arith.maximumf %max3A, %sub3A_225 : vector<24x1xf32>
    %min3A = vector.broadcast %jit3A_227 : f32 to vector<24x1xf32>
    %min3A_229 = arith.minimumf %min3A, %max3A_228 : vector<24x1xf32>
    %convert_element_type3A_230 = arith.fptosi %min3A_229 : vector<24x1xf32> to vector<24x1xi32>
    %swap3A_231 = arith.constant 0 : index
    %swap3A_232 = arith.constant 0 : index
    %swap3A_233 = vector.load %arg6[%swap3A_231, %swap3A_232] : memref<24x1xi32, #tpu.memory_space<vmem>>, vector<24x1xi32>
    tpu.vector_store %arg6[%swap3A_231, %swap3A_232], %convert_element_type3A_230 {strides = array<i32>} : memref<24x1xi32, #tpu.memory_space<vmem>>, vector<24x1xi32>,
    %reduce_sum3A_234 = vector.shape_cast %floor3A : vector<1x8xf32> to vector<1x1x8xf32>
    %reduce_sum3A_235 = arith.constant dense<0.000000e+00> : vector<1xf32>
    %reduce_sum3A_236 = vector.multi_reduction <add>, %reduce_sum3A_234, %reduce_sum3A_235 [1, 2] : vector<1x1x8xf32> to vector<1xf32>
    %reduce_sum3A_237 = vector.shape_cast %reduce_sum3A_236 : vector<1xf32> to vector<1x1x1xf32>
    %reduce_sum3A_238 = vector.extract %reduce_sum3A_237[0, 0, 0] : f32 from vector<1x1x1xf32>
    %iota3A_239 = tpu.iota {dimensions = array<i32: 0>} : vector<24x1xi32>
    %convert_element_type3A_240 = arith.sitofp %iota3A_239 : vector<24x1xi32> to vector<24x1xf32>
    %lt3A_241 = vector.broadcast %reduce_sum3A_238 : f32 to vector<24x1xf32>
    %lt3A_242 = arith.cmpf olt, %convert_element_type3A_240, %lt3A_241 : vector<24x1xf32>
    %convert_element_type3A_243 = arith.extui %lt3A_242 : vector<24x1xi1> to vector<24x1xi32>
    %swap3A_244 = arith.constant 0 : index
    %swap3A_245 = arith.constant 0 : index
    %swap3A_246 = vector.load %arg7[%swap3A_244, %swap3A_245] : memref<24x1xi32, #tpu.memory_space<vmem>>, vector<24x1xi32>
    tpu.vector_store %arg7[%swap3A_244, %swap3A_245], %convert_element_type3A_243 {strides = array<i32>} : memref<24x1xi32, #tpu.memory_space<vmem>>, vector<24x1xi32>,
    %reduce_sum3A_247 = arith.constant dense<0.000000e+00> : vector<8xf32>
    %reduce_sum3A_248 = vector.multi_reduction <add>, %div3A_45, %reduce_sum3A_247 [0] : vector<2048x8xf32> to vector<8xf32>
    %broadcast_in_dim3A_249 = vector.shape_cast %reduce_sum3A_248 : vector<8xf32> to vector<1x8xf32>
    %mul3A_250 = arith.mulf %broadcast_in_dim3A_249, %broadcast_in_dim3A_177 : vector<1x8xf32>
    %reduce_sum3A_251 = vector.shape_cast %mul3A_250 : vector<1x8xf32> to vector<1x1x8xf32>
    %reduce_sum3A_252 = arith.constant dense<0.000000e+00> : vector<1xf32>
    %reduce_sum3A_253 = vector.multi_reduction <add>, %reduce_sum3A_251, %reduce_sum3A_252 [1, 2] : vector<1x1x8xf32> to vector<1xf32>
    %reduce_sum3A_254 = vector.shape_cast %reduce_sum3A_253 : vector<1xf32> to vector<1x1x1xf32>
    %reduce_sum3A_255 = vector.extract %reduce_sum3A_254[0, 0, 0] : f32 from vector<1x1x1xf32>
    %mul3A_256 = arith.constant 1.90734863E-6 : f32
    %mul3A_257 = arith.mulf %mul3A_256, %reduce_sum3A_255 : f32
    %swap3A_258 = arith.constant 0 : index
    %swap3A_259 = arith.constant 0 : index
    %swap3A_260 = memref.load %arg8[%swap3A_258, %swap3A_259] : memref<1x1xf32, #tpu.memory_space<smem>>
    memref.store %mul3A_257, %arg8[%swap3A_258, %swap3A_259] : memref<1x1xf32, #tpu.memory_space<smem>>
    return
  }
}

module attributes {stable_mosaic.version = 14 : i64} {
  func.func @_ffn_body(%arg0: i32, %arg1: memref<24xi32, #tpu.memory_space<smem>>, %arg2: memref<24xi32, #tpu.memory_space<smem>>, %arg3: memref<256x384xi32, #tpu.memory_space<vmem>>, %arg4: memref<1x768x1536xf32, #tpu.memory_space<vmem>>, %arg5: memref<1x1536x768xf32, #tpu.memory_space<vmem>>, %arg6: memref<256x768xf32, #tpu.memory_space<vmem>>) attributes {dimension_semantics = [#tpu.dimension_semantics<arbitrary>], iteration_bounds = array<i64: 24>, scalar_prefetch = 2 : i64, scratch_operands = 0 : i64, tpu.core_type = #tpu.core_type<tc>, window_params = [{transform_indices = @transform_0, window_bounds = array<i64: 256, 384>}, {transform_indices = @transform_1, window_bounds = array<i64: 1, 768, 1536>}, {transform_indices = @transform_2, window_bounds = array<i64: 1, 1536, 768>}, {transform_indices = @transform_3, window_bounds = array<i64: 256, 768>}]} {
    %get3A = arith.index_cast %arg0 : i32 to index
    %get3A_0 = memref.load %arg2[%get3A] : memref<24xi32, #tpu.memory_space<smem>>
    %eq3A = arith.constant 1 : i32
    %eq3A_1 = arith.cmpi eq, %get3A_0, %eq3A : i32
    %convert_element_type3A = arith.extui %eq3A_1 : i1 to i32
    %cond3A = arith.constant 0 : i32
    %cond3A_2 = arith.cmpi ne, %convert_element_type3A, %cond3A : i32
    scf.if %cond3A_2 {
      %get3A_3 = arith.constant 0 : index
      %get3A_4 = arith.constant 0 : index
      %get3A_5 = vector.load %arg3[%get3A_3, %get3A_4] : memref<256x384xi32, #tpu.memory_space<vmem>>, vector<256x384xi32>
      %shift_left3A = arith.constant 16 : i32
      %shift_left3A_6 = vector.broadcast %shift_left3A : i32 to vector<256x384xi32>
      %shift_left3A_7 = arith.shli %get3A_5, %shift_left3A_6 : vector<256x384xi32>
      %bitcast_convert_type3A = tpu.bitcast %shift_left3A_7 : vector<256x384xi32> -> vector<256x384xf32>
      %and3A = arith.constant -65536 : i32
      %and3A_8 = vector.broadcast %and3A : i32 to vector<256x384xi32>
      %and3A_9 = arith.andi %get3A_5, %and3A_8 : vector<256x384xi32>
      %bitcast_convert_type3A_10 = tpu.bitcast %and3A_9 : vector<256x384xi32> -> vector<256x384xf32>
      %get3A_11 = arith.constant 0 : index
      %get3A_12 = arith.constant 0 : index
      %get3A_13 = arith.constant 0 : index
      %get3A_14 = vector.load %arg4[%get3A_11, %get3A_12, %get3A_13] : memref<1x768x1536xf32, #tpu.memory_space<vmem>>, vector<1x768x1536xf32>
      %get3A_15 = vector.shape_cast %get3A_14 : vector<1x768x1536xf32> to vector<768x1536xf32>
      %convert_element_type3A_16 = arith.truncf %get3A_15 : vector<768x1536xf32> to vector<768x1536xbf16>
      %convert_element_type3A_17 = arith.truncf %bitcast_convert_type3A : vector<256x384xf32> to vector<256x384xbf16>
      %slice3A = vector.extract_strided_slice %convert_element_type3A_16 {offsets = [0, 0], sizes = [384, 1536], strides = [1, 1]} : vector<768x1536xbf16> to vector<384x1536xbf16>
      %dot_general3A = arith.constant dense<0.000000e+00> : vector<256x1536xf32>
      %dot_general3A_18 = tpu.matmul %convert_element_type3A_17, %slice3A, %dot_general3A {dimension_numbers = #tpu.dot_dimension_numbers<[1], [0], [0], [1], [0, 0, 1, 1], [], []>, transpose_lhs_hint = false} : vector<256x384xbf16>, vector<384x1536xbf16>, vector<256x1536xf32> -> vector<256x1536xf32>
      %convert_element_type3A_19 = arith.truncf %bitcast_convert_type3A_10 : vector<256x384xf32> to vector<256x384xbf16>
      %slice3A_20 = vector.extract_strided_slice %convert_element_type3A_16 {offsets = [384, 0], sizes = [384, 1536], strides = [1, 1]} : vector<768x1536xbf16> to vector<384x1536xbf16>
      %dot_general3A_21 = arith.constant dense<0.000000e+00> : vector<256x1536xf32>
      %dot_general3A_22 = tpu.matmul %convert_element_type3A_19, %slice3A_20, %dot_general3A_21 {dimension_numbers = #tpu.dot_dimension_numbers<[1], [0], [0], [1], [0, 0, 1, 1], [], []>, transpose_lhs_hint = false} : vector<256x384xbf16>, vector<384x1536xbf16>, vector<256x1536xf32> -> vector<256x1536xf32>
      %add3A = arith.addf %dot_general3A_18, %dot_general3A_22 : vector<256x1536xf32>
      %max3A = arith.constant 0.000000e+00 : f32
      %max3A_23 = vector.broadcast %max3A : f32 to vector<256x1536xf32>
      %max3A_24 = arith.maximumf %add3A, %max3A_23 : vector<256x1536xf32>
      %square3A = arith.mulf %max3A_24, %max3A_24 : vector<256x1536xf32>
      %convert_element_type3A_25 = arith.truncf %square3A : vector<256x1536xf32> to vector<256x1536xbf16>
      %get3A_26 = arith.constant 0 : index
      %get3A_27 = arith.constant 0 : index
      %get3A_28 = arith.constant 0 : index
      %get3A_29 = vector.load %arg5[%get3A_26, %get3A_27, %get3A_28] : memref<1x1536x768xf32, #tpu.memory_space<vmem>>, vector<1x1536x768xf32>
      %get3A_30 = vector.shape_cast %get3A_29 : vector<1x1536x768xf32> to vector<1536x768xf32>
      %convert_element_type3A_31 = arith.truncf %get3A_30 : vector<1536x768xf32> to vector<1536x768xbf16>
      %dot_general3A_32 = arith.constant dense<0.000000e+00> : vector<256x768xf32>
      %dot_general3A_33 = tpu.matmul %convert_element_type3A_25, %convert_element_type3A_31, %dot_general3A_32 {dimension_numbers = #tpu.dot_dimension_numbers<[1], [0], [0], [1], [0, 0, 1, 1], [], []>, transpose_lhs_hint = false} : vector<256x1536xbf16>, vector<1536x768xbf16>, vector<256x768xf32> -> vector<256x768xf32>
      %swap3A = arith.constant 0 : index
      %swap3A_34 = arith.constant 0 : index
      %swap3A_35 = vector.load %arg6[%swap3A, %swap3A_34] : memref<256x768xf32, #tpu.memory_space<vmem>>, vector<256x768xf32>
      tpu.vector_store %arg6[%swap3A, %swap3A_34], %dot_general3A_33 {strides = array<i32>} : memref<256x768xf32, #tpu.memory_space<vmem>>, vector<256x768xf32>,
    } else {
    }
    return
  }
  func.func @transform_0(%arg0: i32, %arg1: memref<24xi32, #tpu.memory_space<smem>>, %arg2: memref<24xi32, #tpu.memory_space<smem>>) -> (i32, i32) {
    %c0_i32 = arith.constant 0 : i32
    %c0_i32_0 = arith.constant 0 : i32
    return %arg0, %c0_i32 : i32, i32
  }
  func.func @transform_1(%arg0: i32, %arg1: memref<24xi32, #tpu.memory_space<smem>>, %arg2: memref<24xi32, #tpu.memory_space<smem>>) -> (i32, i32, i32) {
    %get3A = arith.index_cast %arg0 : i32 to index
    %get3A_0 = memref.load %arg1[%get3A] : memref<24xi32, #tpu.memory_space<smem>>
    %c0_i32 = arith.constant 0 : i32
    %c0_i32_1 = arith.constant 0 : i32
    %c0_i32_2 = arith.constant 0 : i32
    return %get3A_0, %c0_i32, %c0_i32_1 : i32, i32, i32
  }
  func.func @transform_2(%arg0: i32, %arg1: memref<24xi32, #tpu.memory_space<smem>>, %arg2: memref<24xi32, #tpu.memory_space<smem>>) -> (i32, i32, i32) {
    %get3A = arith.index_cast %arg0 : i32 to index
    %get3A_0 = memref.load %arg1[%get3A] : memref<24xi32, #tpu.memory_space<smem>>
    %c0_i32 = arith.constant 0 : i32
    %c0_i32_1 = arith.constant 0 : i32
    %c0_i32_2 = arith.constant 0 : i32
    return %get3A_0, %c0_i32, %c0_i32_1 : i32, i32, i32
  }
  func.func @transform_3(%arg0: i32, %arg1: memref<24xi32, #tpu.memory_space<smem>>, %arg2: memref<24xi32, #tpu.memory_space<smem>>) -> (i32, i32) {
    %c0_i32 = arith.constant 0 : i32
    %c0_i32_0 = arith.constant 0 : i32
    return %arg0, %c0_i32 : i32, i32
  }
}

</mosaic_0001>

<sc_bundles>
// kernel: kernel.6.cloned.1.call-start
scs
__scs_entry_jumppad:
0x0: {  	(pc) =	sbr.rel $0x88, $3  }
0x1: {  	(tag) =	ssettag $0x0;
	lr =	simm.s32 $0x1  }
0x2: {  	[smem:$0x3F9D] =	sst lr;
	_ =	strace $0xD0000000  }
0x3: {  	_ = 	snop  }
0x4: {  	_ = 	snop  }
0x5: {  	_ = 	snop  }
0x6: {  	_ = 	snop  }
0x7: {  	_ = 	snop  }
__scs_overlays_trampoline_lowered:
0x8: {  	[smem:$0x3FAC] =	sst s0  }
0x9: {  	[smem:$0x3FAD] =	sst s1  }
0xa: {  	[smem:$0x3FAE] =	sst s2  }
0xb: {  	[smem:$0x3FAF] =	sst s3  }
0xc: {  	[smem:$0x3FB0] =	sst s4  }
0xd: {  	[smem:$0x3FB1] =	sst s5  }
0xe: {  	[smem:$0x3FB2] =	sst s6  }
0xf: {  	[smem:$0x3FB3] =	sst s7  }
0x10: {  	[smem:$0x3FB4] =	sst s8  }
0x11: {  	[smem:$0x3FB5] =	sst s9;
	s0 =	simm.s32 @!p0 $0x0  }
0x12: {  	s1 =	sld [smem:$0x3F9B];
	s0 =	simm.s32 @p0 $0x1  }
0x13: {  	[smem:$0x3FB6] =	sst s0;
	s0 =	simm.s32 @!p1 $0x0  }
0x14: {  	s2 =	sld [smem:$0x3F9A];
	s0 =	simm.s32 @p1 $0x1  }
0x15: {  	[smem:$0x3FB7] =	sst s0;
	s0 =	simm.s32 @!p2 $0x0  }
0x16: {  	s3 =	sld [smem:$0x3FDB];
	s0 =	simm.s32 @p2 $0x1  }
0x17: {  	s4 =	simm.s32 $0x1BF5;
	[smem:$0x3FB9] =	sst s0  }
0x18: {  	s0 =	sld [smem:$0x3F9C];
	_ =	swait.ge [sflag:s4], $0x0  }
0x19: {  	s7 =	sld [smem:$0x3F9D]  }
0x1a: {  	s8 =	sadd.s32 $0xFFFFE003, lr  }
0x1b: {  	s9 =	sadd.s32 $0xFFFFFEF7, lr;
	s5 =	simm.s32 $0xFFFFFFFF;
	p2 =	slt.u32 s8, $0xFFFFF086  }
0x1c: {  	p1 =	slt.u32 s9, $0xF7A;
	s5 =	simm.s32 @!p2 $0x0  }
0x1d: {  	s5 =	simm.s32 @p1 $0x1;
	p0 =	seq.s32 s7, s2  }
0x1e: {  	s7 =	smul.u32 @!p0 $0xF7A, s2;
	p2 =	seq.s32 @!p0 s5, $0x0  }
0x1f: {  	s9 =	smul.u32 $0xF7A, s1;
	s8 =	simm.s32 @!p0 $0x1BF5;
	p2 =	por !p2, p0  }
0x20: {  	[sflag:s8] =	ssyncset.s32 @!p0 $0xFFFFF086;
	s6 =	sadd.s32 @!p0 s3, s7;
	s7 =	simm.s32 @!p0 $0x108  }
0x21: {  	s3 =	sadd.s32 s3, s9;
	s6 =	sadd.s32 @!p0 $0x88, s6;
	s7 =	simm.s32 @p2 $0x1082  }
0x22: {  	[simem:s7], [sflag:s8] =	dma.local @!p0 [hbm:s6], $0xF7A  }
0x23: {  	s9 =	sor.u32 $0xD0000000, s2;
	s6 =	simm.s32 $0x108;
	_ =	swait.ge @!p0 [sflag:s8], $0x0  }
0x24: {  	s3 =	sadd.s32 $0x88, s3;
	s6 =	simm.s32 @!p1 $0x1082;
	[sflag:s4] =	ssyncset.s32 $0xFFFFF086  }
0x25: {  	[simem:s6], [sflag:s4] =	dma.local [hbm:s3], $0xF7A  }
0x26: {  	[smem:$0x3F9D] =	sst s1;
	(tag) =	ssettag s2;
	_ =	strace s9  }
0x27: {  	s1 =	sld [smem:$0x3FAD]  }
0x28: {  	s2 =	sld [smem:$0x3FAE]  }
0x29: {  	s4 =	sld [smem:$0x3FB0]  }
0x2a: {  	p0 =	seq.s32 s5, $0x0;
	s5 =	sld [smem:$0x3FB1]  }
0x2b: {  	s6 =	sld [smem:$0x3FB2]  }
0x2c: {  	s7 =	sld [smem:$0x3FB3]  }
0x2d: {  	s3 =	simm.s32 $0x108;
	s8 =	sld [smem:$0x3FB4]  }
0x2e: {  	s3 =	simm.s32 @!p0 $0x1082;
	s9 =	sld [smem:$0x3FB5]  }
0x2f: {  	lr =	sadd.s32 s0, s3;
	s0 =	sld [smem:$0x3FAC]  }
0x30: {  	s3 =	sld [smem:$0x3FAF]  }
0x31: {  	[smem:$0x3FB8] =	sst s10  }
0x32: {  	s10 =	sld [smem:$0x3FB6];
	_ =	sdelay $0x3  }
0x33: {  	p0 =	seq.s32 s10, $0x1;
	s10 =	sld [smem:$0x3FB8];
	_ =	sdelay $0x3  }
0x34: {  	[smem:$0x3FB8] =	sst s10  }
0x35: {  	s10 =	sld [smem:$0x3FB7];
	_ =	sdelay $0x3  }
0x36: {  	p1 =	seq.s32 s10, $0x1;
	s10 =	sld [smem:$0x3FB8];
	_ =	sdelay $0x3  }
0x37: {  	[smem:$0x3FB8] =	sst s10  }
0x38: {  	s10 =	sld [smem:$0x3FB9]  }
0x39: {  	_ = 	snop;
	(pc) =	sbr.ind lr, $3  }
0x3a: {  	_ = 	snop  }
0x3b: {  	_ = 	snop  }
0x3c: {  	p2 =	seq.s32 s10, $0x1;
	s10 =	sld [smem:$0x3FB8]  }
0x3d: {  	_ =	shalt  }
0x3e: {  	_ =	shalt  }
0x3f: {  	_ =	shalt  }
0x40: {  	_ =	shalt  }
0x41: {  	_ =	shalt  }
0x42: {  	_ =	shalt  }
0x43: {  	_ =	shalt  }
0x44: {  	_ =	shalt  }
0x45: {  	_ =	shalt  }
0x46: {  	_ =	shalt  }
0x47: {  	_ =	shalt  }
0x48: {  	_ =	shalt  }
0x49: {  	_ =	shalt  }
0x4a: {  	_ =	shalt  }
0x4b: {  	_ =	shalt  }
0x4c: {  	_ =	shalt  }
0x4d: {  	_ =	shalt  }
0x4e: {  	_ =	shalt  }
0x4f: {  	_ =	shalt  }
0x50: {  	_ =	shalt  }
0x51: {  	_ =	shalt  }
0x52: {  	_ =	shalt  }
0x53: {  	_ =	shalt  }
0x54: {  	_ =	shalt  }
0x55: {  	_ =	shalt  }
0x56: {  	_ =	shalt  }
0x57: {  	_ =	shalt  }
0x58: {  	_ =	shalt  }
0x59: {  	_ =	shalt  }
0x5a: {  	_ =	shalt  }
0x5b: {  	_ =	shalt  }
0x5c: {  	_ =	shalt  }
0x5d: {  	_ =	shalt  }
0x5e: {  	_ =	shalt  }
0x5f: {  	_ =	shalt  }
0x60: {  	_ =	shalt  }
0x61: {  	_ =	shalt  }
0x62: {  	_ =	shalt  }
0x63: {  	_ =	shalt  }
0x64: {  	_ =	shalt  }
0x65: {  	_ =	shalt  }
0x66: {  	_ =	shalt  }
0x67: {  	_ =	shalt  }
0x68: {  	_ =	shalt  }
0x69: {  	_ =	shalt  }
0x6a: {  	_ =	shalt  }
0x6b: {  	_ =	shalt  }
0x6c: {  	_ =	shalt  }
0x6d: {  	_ =	shalt  }
0x6e: {  	_ =	shalt  }
0x6f: {  	_ =	shalt  }
0x70: {  	_ =	shalt  }
0x71: {  	_ =	shalt  }
0x72: {  	_ =	shalt  }
0x73: {  	_ =	shalt  }
0x74: {  	_ =	shalt  }
0x75: {  	_ =	shalt  }
0x76: {  	_ =	shalt  }
0x77: {  	_ =	shalt  }
0x78: {  	_ =	shalt  }
0x79: {  	_ =	shalt  }
0x7a: {  	_ =	shalt  }
0x7b: {  	_ =	shalt  }
0x7c: {  	_ =	shalt  }
0x7d: {  	_ =	shalt  }
0x7e: {  	_ =	shalt  }
0x7f: {  	_ =	shalt  }
0x80: {  	_ =	shalt  }
0x81: {  	_ =	shalt  }
0x82: {  	_ =	shalt  }
0x83: {  	_ =	shalt  }
0x84: {  	_ =	shalt  }
0x85: {  	_ =	shalt  }
0x86: {  	_ =	shalt  }
0x87: {  	_ =	shalt  }
.Lfunc_end0:
.L_simem_size_0:
called_computation_lowered:
.L_overlay_start_0:
0x88: {  	s2 =	sld [smem:$0x3FD9]  }
0x89: {  	s3 =	sld [smem:$0x3FFE];
	_ =	sdelay $0x1  }
0x8a: {  	s1 =	srdreg.scid  }
0x8b: {  	s0 =	sand.u32 $0x1, s1  }
0x8c: {  	s14 =	sshll.u32 s0, $0xA;
	s2 =	sadd.s32 s3, s2  }
0x8d: {  	s2 =	sadd.s32 s2, s14  }
0x8e: {  	[smem:$0x3FC4] =	sst s2  }
0x8f: {  	_ = 	snop  }
0x90: {  	s2 =	sld [smem:$0x3FD0];
	_ =	sdelay $0x2  }
0x91: {  	s15 =	simm.s32 $0xA;
	s4 =	simm.s32 $0x10  }
0x92: {  	[smem:s4], [sflag:s15] =	dma.local [hbm:s2], $0x1  }
0x93: {  	_ =	swait.eq [sflag:s15], $0x1  }
0x94: {  	[sflag:s15] =	ssyncset.done $0x0  }
0x95: {  	[sflag:s15] =	ssyncadd.s32 $0xFFFFFFFF  }
0x96: {  	s16 =	sld [smem:$0x10];
	(tm) =	ssettm $0x1  }
0x97: {  	s17 =	sld [smem:$0x3FFB];
	_ =	sdelay $0x3  }
0x98: {  	_ =	strace s17  }
0x99: {  	s3 =	sld [smem:$0x3FFC];
	_ =	sdelay $0x3  }
0x9a: {  	_ =	strace s3  }
0x9b: {  	s3 =	sld [smem:$0x3FFD];
	_ =	sdelay $0x3  }
0x9c: {  	_ =	strace s3  }
0x9d: {  	_ =	strace $0x8FFFFFFF  }
0x9e: {  	s18 =	sld [smem:$0x3FDB];
	_ =	sdelay $0x1  }
0x9f: {  	s19 =	simm.s32 $_scs_section_size  }
0xa0: {  	s5 =	simm.s32 $_size__tile_overlayer_lowered;
	s6 =	simm.s32 $_tile_overlayer_lowered  }
0xa1: {  	s22 =	simm.s32 $0x1BFF;
	s21 =	sshll.u32 s6, $0x1;
	s3 =	sadd.s32 s19, s18  }
0xa2: {  	s7 =	simm.s32 $0x0;
	s20 =	sshll.u32 s5, $0x1;
	s5 =	sadd.s32 s21, s3  }
0xa3: {  	[timem:s7], [sflag:s22] =	dma.local [hbm:s5], s20  }
0xa4: {  	_ =	swait.ge [sflag:s22], s20  }
0xa5: {  	s4 =	ssub.s32 $0x0, s20;
	[sflag:s22] =	ssyncset.done $0x0  }
0xa6: {  	[sflag:s22] =	ssyncadd.s32 s4;
	_ =	sdelay $0x1  }
0xa7: {  	s23 =	simm.s32 $0x1B8B  }
0xa8: {  	_ =	swait.ge [sflag:s23], $0x1  }
0xa9: {  	[sflag:s23] =	ssyncset.done $0x0  }
0xaa: {  	s25 =	simm.s32 $0x1B8E;
	s24 =	sld [smem:$0x3FFE];
	[sflag:s23] =	ssyncadd.s32 $0xFFFFFFFF  }
0xab: {  	s26 =	simm.s32 $execute0_lowered;
	[smem:$0x3FD2] =	sst s25  }
0xac: {  	s5 =	sshll.u32 s26, $0x1;
	_ =	strace $0x80000046;
	[dreg:$0x1] =	wrdreg $0xFFFFFFFF  }
0xad: {  	s28 =	simm.s32 $_size_execute0_lowered;
	s3 =	sadd.s32 s3, s5;
	[dreg:$0x0] =	wrdreg $0x0  }
0xae: {  	s5 =	sshll.u32 s28, $0x1;
	[dreg:$0x2] =	wrdreg s3  }
0xaf: {  	[dreg:$0x3] =	wrdreg s5  }
0xb0: {  	[dreg:$0x4] =	wrdreg $0xC0  }
0xb1: {  	_ =	task [dreg:s7], $0x5FFFF  }
0xb2: {  	[dreg:$0x1] =	wrdreg $0xFFFFFFFF  }
0xb3: {  	[dreg:$0x0] =	wrdreg $0x60  }
0xb4: {  	[dreg:$0x2] =	wrdreg s24  }
0xb5: {  	[dreg:$0x3] =	wrdreg s16  }
0xb6: {  	[dreg:$0x4] =	wrdreg $0x92800  }
0xb7: {  	[dreg:$0x5] =	wrdreg $0x9  }
0xb8: {  	_ =	task.clear_ibuf [dreg:s7], $0x6FFFF;
	_ =	strace $0x90000046  }
0xb9: {  	s29 =	simm.s32 $0x9;
	_ =	strace $0x80000048  }
0xba: {  	_ =	swait.ge [sflag:s29], $0x1  }
0xbb: {  	[sflag:s29] =	ssyncadd.s32 $0xFFFFFFFF  }
0xbc: {  	_ =	strace $0x90000048  }
0xbd: {  	_ =	sfence  }
0xbe: {  	s30 =	sld [smem:$0x0];
	_ =	sdelay $0x2  }
0xbf: {  	s31 =	sshll.u32 s1, $0xD;
	s1 =	sshrl.u32 s1, $0x2  }
0xc0: {  	s3 =	sand.u32 $0x4000, s31;
	s1 =	sadd.s32 s1, s30  }
0xc1: {  	s0 =	sor.u32 s3, s0;
	s1 =	sshll.u32 s1, $0x11  }
0xc2: {  	s0 =	sor.u32 s1, s0  }
0xc3: {  	s0 =	sadd.s32 $0x8F2B, s0  }
0xc4: {  	[sflag:s0] =	ssyncadd.remote.s32 $0x1  }
0xc5: {  	_ =	sfence.sel $0xFFFF  }
0xc6: {  	[dreg:$0x0] =	wrdreg $0xFFFFFFFF;
	(pc) =	sbr.abs _section_cstart, $3  }
0xc7: {  	[dreg:$0x1] =	wrdreg $0xFFFFFFFF  }
0xc8: {  	_ =	task.clear_ibuf [dreg:s7], $0x2FFFF;
	_ =	strace $0x9FFFFFFF  }
0xc9: {  	(tm) =	ssettm $0x7FFFFFFF  }
tec
execute0_lowered:
.L_overlay_start_1:
0x0: {  	(tag) =	ssettag $0x1  }
0x1: {  	s0 =	srdreg.scid;
	s1 =	rddreg [dreg:$0x0]  }
0x2: {  	s2 =	rddreg [dreg:$0x1];
	s10 =	stileid.u32  }
0x3: {  	s11 =	rddreg [dreg:$0x2];
	s4 =	simm.s32 $0x0;
	s13 =	simm.s32 $0x3  }
0x4: {  	s15 =	simm.s32 $0x180;
	s14 =	simm.s32 $0x4;
	s29 =	simm.s32 $0x280  }
0x5: {  	s28 =	simm.s32 $0x2E80;
	s30 =	simm.s32 $0x3280;
	s31 =	simm.s32 $0x3A80  }
0x6: {  	s0 =	sand.u32 $0x1, s0;
	[smem:$0x7FF] =	sst s4;
	s7 =	sshll.u32 s10, $0x4  }
0x7: {  	s9 =	sadd.s32 $0x400, s1;
	s20 =	sshll.u32 s10, $0x7;
	s3 =	sshll.u32 s0, $0x4  }
0x8: {  	_ =	strace $0x80000047;
	s0 =	ssub.s32 $0x2, s0;
	s1 =	sadd.s32 s1, s7  }
0x9: {  	s7 =	sadd.s32 $0x100, s2;
	s23 =	sor.u32 $0x10, s20;
	s24 =	sor.u32 $0x20, s20  }
0xa: {  	s25 =	sor.u32 $0x30, s20;
	s26 =	sor.u32 $0x40, s20;
	s12 =	sor.u32 $0x50, s20  }
0xb: {  	[dreg:$0x9] =	wrdreg s15;
	s15 =	simm.s32 $0x8280;
	s3 =	sor.u32 s10, s3  }
0xc: {  	v10 =	vlaneseq.u32;
	s6 =	sshrl.u32 s0, $0x1;
	[dreg:$0xa] =	wrdreg s1;
	s1 =	sadd.s32 $0x200, s1  }
0xd: {  	s10 =	simm.s32 $0x1;
	v1 =	vor.u32 s23, v10;
	s23 =	simm.s32 $0x1680;
	s3 =	smul.u32 $0xC0, s3  }
0xe: {  	v2 =	vor.u32 s24, v10;
	v3 =	vor.u32 s25, v10;
	v4 =	vor.u32 s26, v10;
	s24 =	simm.s32 $0x1A80;
	s25 =	simm.s32 $0x2280;
	s26 =	simm.s32 $0x2680  }
0xf: {  	v5 =	vor.u32 s12, v10;
	s12 =	simm.s32 $0x5E80;
	s0 =	ssub.s32 s0, s6;
	s5 =	sshrl.u32 s3, $0x3  }
0x10: {  	[dreg:$0x4] =	wrdreg s1;
	s6 =	simm.s32 $0x6280;
	s8 =	smul.u32 $0xC00, s5  }
0x11: {  	s17 =	sadd.s32 s3, s11;
	s11 =	simm.s32 $0x2;
	s5 =	smul.u32 $0x180, s5  }
0x12: {  	s3 =	simm.s32 $0x4680;
	[dreg:$0x5] =	wrdreg s17;
	s17 =	sor.u32 $0x60, s20  }
0x13: {  	v6 =	vor.u32 s17, v10;
	s17 =	simm.s32 $0x6A80;
	s16 =	sshrl.u32 s8, $0x3;
	s5 =	sadd.s32 s9, s5  }
0x14: {  	s8 =	smax.u32 s0, $0x1;
	s18 =	sadd.s32 s9, s16;
	s21 =	sadd.s32 $0x1200, s5  }
0x15: {  	[dreg:$0xb] =	wrdreg s5;
	s22 =	sadd.s32 $0x1B00, s5;
	s9 =	simm.s32 $0x7A80  }
0x16: {  	vm0 =	vmmov $0xffff;
	vm1 =	vmmov $0xff;
	s16 =	simm.s32 $0x8680;
	s19 =	sadd.s32 $0x900, s18;
	[dreg:$0x7] =	wrdreg s21  }
0x17: {  	v9 =	vshrl.u32 v10, $0x3;
	v8 =	vand.u32 $0x7, v10;
	v0 =	vor.u32 s20, v10;
	[dreg:$0x8] =	wrdreg s22;
	s18 =	sor.u32 $0x70, s20;
	s22 =	simm.s32 $0xE80  }
0x18: {  	v9 =	vmul.u32 $0x8, v9;
	[dreg:$0x6] =	wrdreg s19;
	v7 =	vor.u32 s18, v10;
	v10 =	vor.u32 $0x8, v10;
	s18 =	simm.s32 $0x6E80;
	s19 =	simm.s32 $0x7680  }
.LBB2_1:
0x19: {  	s21 =	rddreg [dreg:$0xa]  }
0x1a: {  	[tilespmem:s4], [sflag:$0x1] =	stream.linear.gather [hbm4b:s21+s4], $0x80, $0x38;
	[tilespmem:$0x9400] =	vst v63  }
0x1b: {  	s20 =	rddreg [dreg:$0x4];
	s0 =	simm.s32 $0x80  }
0x1c: {  	[tilespmem:s0], [sflag:$0x2] =	stream.linear.gather [hbm4b:s20+s4], $0x80, $0x38;
	[tilespmem:$0x9400] =	vst v63  }
0x1d: {  	[tilespmem:$0x100] =	vst v0  }
0x1e: {  	[tilespmem:$0x110] =	vst v1  }
0x1f: {  	[tilespmem:$0x120] =	vst v2  }
0x20: {  	[tilespmem:$0x130] =	vst v3  }
0x21: {  	[tilespmem:$0x140] =	vst v4  }
0x22: {  	[tilespmem:$0x150] =	vst v5  }
0x23: {  	[tilespmem:$0x160] =	vst v6  }
0x24: {  	[tilespmem:$0x170] =	vst v7  }
0x25: {  	_ =	swait.ge [sflag:s10], $0x80  }
0x26: {  	[sflag:s10] =	ssyncset.done $0x0  }
0x27: {  	[sflag:s10] =	ssyncadd.s32 $0xFFFFFF80  }
0x28: {  	_ =	swait.ge [sflag:s11], $0x80  }
0x29: {  	[sflag:s11] =	ssyncset.done $0x0  }
0x2a: {  	[sflag:s11] =	ssyncadd.s32 $0xFFFFFF80  }
0x2b: {  	s5 =	simm.s32 $0x100;
	s1 =	rddreg [dreg:$0x2]  }
0x2c: {  	[spmem:s1] =	stream.indirect.scatter [tilespmem:s5], [sflag:$0x3], $0x1, s4, s0, $0xb8;
	[tilespmem:$0x9400] =	vst v63  }
0x2d: {  	_ = 	snop  }
0x2e: {  	[spmem:s1] =	stream.indirect.scatter [tilespmem:s5], [sflag:$0x4], $0x1, s0, s0, $0xb8;
	[tilespmem:$0x9400] =	vst v63  }
0x2f: {  	_ =	swait.ge [sflag:s13], $0x80  }
0x30: {  	[sflag:s13] =	ssyncset.done $0x0  }
0x31: {  	[sflag:s13] =	ssyncadd.s32 $0xFFFFFF80  }
0x32: {  	_ =	swait.ge [sflag:s14], $0x80  }
0x33: {  	[sflag:s14] =	ssyncset.done $0x0  }
0x34: {  	[sflag:s14] =	ssyncadd.s32 $0xFFFFFF80  }
0x35: {  	[bflag:$0x0] =	sbarrier.arrive $0xFFFF  }
0x36: {  	s0 =	rddreg [dreg:$0x5]  }
0x37: {  	s5 =	simm.s32 $0x5;
	s1 =	rddreg [dreg:$0x9]  }
0x38: {  	[tilespmem:s1], [sflag:$0x5] =	stream.linear.gather [spmem:s0], $0xC0, $0x38;
	[tilespmem:$0x9400] =	vst v63  }
0x39: {  	_ =	swait.ge [sflag:s5], $0xC0  }
0x3a: {  	[sflag:s5] =	ssyncset.done $0x0  }
0x3b: {  	[sflag:s5] =	ssyncadd.s32 $0xFFFFFF40  }
0x3c: {  	v11 =	vld [tilespmem:$0x180]  }
0x3d: {  	v12 =	vld [tilespmem:$0x190]  }
0x3e: {  	v13 =	vld [tilespmem:$0x1A0]  }
0x3f: {  	v14 =	vld [tilespmem:$0x1B0]  }
0x40: {  	v15 =	vld [tilespmem:$0x1C0]  }
0x41: {  	v17 =	vld [tilespmem:$0x1D0];
	v16 =	vand.u32 $0x7FF, v11  }
0x42: {  	v18 =	vld [tilespmem:$0x1E0];
	v12 =	vand.u32 $0x7FF, v12;
	[tilespmem:$0x180] =	vst v16  }
0x43: {  	v37 =	vld [tilespmem:$0x1F0];
	v36 =	vand.u32 $0x7FF, v13;
	[tilespmem:$0x190] =	vst v12;
	v16 =	vshrl.u32 v16, $0x3  }
0x44: {  	v39 =	vld [tilespmem:$0x200];
	v38 =	vand.u32 $0x7FF, v14;
	[tilespmem:$0x1A0] =	vst v36;
	v16 =	vmul.u32 $0x18, v16  }
0x45: {  	v41 =	vld [tilespmem:$0x210];
	v40 =	vand.u32 $0x7FF, v15;
	v11 =	vand.u32 $0x7, v11;
	[tilespmem:$0x1B0] =	vst v38  }
0x46: {  	v43 =	vld [tilespmem:$0x220];
	v42 =	vand.u32 $0x7FF, v17;
	[tilespmem:$0x1C0] =	vst v40;
	v11 =	vor.u32 v11, v16  }
0x47: {  	v45 =	vld [tilespmem:$0x230];
	v44 =	vand.u32 $0x7FF, v18;
	[tilespmem:$0x1D0] =	vst v42;
	v46 =	vperm.xlane v11, v8  }
0x48: {  	v47 =	vand.u32 $0x7FF, v37;
	[tilespmem:$0x1E0] =	vst v44  }
0x49: {  	v48 =	vand.u32 $0x7FF, v39;
	[tilespmem:$0x1F0] =	vst v47;
	v49 =	vadd.s32 v9, v46  }
0x4a: {  	v50 =	vand.u32 $0x7FF, v41;
	[tilespmem:$0x200] =	vst v48  }
0x4b: {  	v51 =	vand.u32 $0x7FF, v43;
	[tilespmem:$0x210] =	vst v50;
	v11 =	vperm.xlane v11, v10  }
0x4c: {  	v52 =	vand.u32 $0x7FF, v45;
	[tilespmem:$0x220] =	vst v51  }
0x4d: {  	[tilespmem:$0x230] =	vst v52;
	v11 =	vadd.s32 v9, v11  }
0x4e: {  	[tilespmem:s29], [sflag:$0x1] =	stream.indirect_vreg.gather [hbm4b:s2+s4], $0x80, v49, vm0, $0xb8;
	[tilespmem:$0x9400] =	vst v63  }
0x4f: {  	s21 =	simm.s32 $0xA80  }
0x50: {  	[tilespmem:s21], [sflag:$0x1] =	stream.indirect_vreg.gather [hbm4b:s7+s4], $0x80, v49, vm1, $0xb8;
	[tilespmem:$0x9400] =	vst v63  }
0x51: {  	_ = 	snop  }
0x52: {  	[tilespmem:s22], [sflag:$0x1] =	stream.indirect_vreg.gather [hbm4b:s2+s4], $0x80, v11, vm0, $0xb8;
	[tilespmem:$0x9400] =	vst v63  }
0x53: {  	_ = 	snop  }
0x54: {  	[tilespmem:s23], [sflag:$0x1] =	stream.indirect_vreg.gather [hbm4b:s7+s4], $0x80, v11, vm1, $0xb8;
	[tilespmem:$0x9400] =	vst v63  }
0x55: {  	v11 =	vld [tilespmem:$0x190];
	_ =	sdelay $0x4  }
0x56: {  	v53 =	vshrl.u32 v11, $0x3  }
0x57: {  	v12 =	vmul.u32 $0x18, v53  }
0x58: {  	v11 =	vand.u32 $0x7, v11  }
0x59: {  	v11 =	vor.u32 v11, v12  }
0x5a: {  	v12 =	vperm.xlane v11, v8;
	_ =	sdelay $0x1  }
0x5b: {  	v12 =	vadd.s32 v9, v12;
	_ =	sdelay $0x1  }
0x5c: {  	v11 =	vperm.xlane v11, v10;
	_ =	sdelay $0x1  }
0x5d: {  	v11 =	vadd.s32 v9, v11  }
0x5e: {  	[tilespmem:s24], [sflag:$0x1] =	stream.indirect_vreg.gather [hbm4b:s2+s4], $0x80, v12, vm0, $0xb8;
	[tilespmem:$0x9400] =	vst v63  }
0x5f: {  	_ = 	snop  }
0x60: {  	[tilespmem:s25], [sflag:$0x1] =	stream.indirect_vreg.gather [hbm4b:s7+s4], $0x80, v12, vm1, $0xb8;
	[tilespmem:$0x9400] =	vst v63  }
0x61: {  	_ = 	snop  }
0x62: {  	[tilespmem:s26], [sflag:$0x1] =	stream.indirect_vreg.gather [hbm4b:s2+s4], $0x80, v11, vm0, $0xb8;
	[tilespmem:$0x9400] =	vst v63  }
0x63: {  	_ = 	snop  }
0x64: {  	[tilespmem:s28], [sflag:$0x1] =	stream.indirect_vreg.gather [hbm4b:s7+s4], $0x80, v11, vm1, $0xb8;
	[tilespmem:$0x9400] =	vst v63  }
0x65: {  	v11 =	vld [tilespmem:$0x1A0];
	_ =	sdelay $0x4  }
0x66: {  	v54 =	vshrl.u32 v11, $0x3  }
0x67: {  	v12 =	vmul.u32 $0x18, v54  }
0x68: {  	v11 =	vand.u32 $0x7, v11  }
0x69: {  	v11 =	vor.u32 v11, v12  }
0x6a: {  	v12 =	vperm.xlane v11, v8;
	_ =	sdelay $0x1  }
0x6b: {  	v12 =	vadd.s32 v9, v12;
	_ =	sdelay $0x1  }
0x6c: {  	v11 =	vperm.xlane v11, v10;
	_ =	sdelay $0x1  }
0x6d: {  	v11 =	vadd.s32 v9, v11  }
0x6e: {  	[tilespmem:s30], [sflag:$0x1] =	stream.indirect_vreg.gather [hbm4b:s2+s4], $0x80, v12, vm0, $0xb8;
	[tilespmem:$0x9400] =	vst v63  }
0x6f: {  	_ = 	snop  }
0x70: {  	[tilespmem:s31], [sflag:$0x1] =	stream.indirect_vreg.gather [hbm4b:s7+s4], $0x80, v12, vm1, $0xb8;
	[tilespmem:$0x9400] =	vst v63  }
0x71: {  	s1 =	simm.s32 $0x3E80  }
0x72: {  	[tilespmem:s1], [sflag:$0x1] =	stream.indirect_vreg.gather [hbm4b:s2+s4], $0x80, v11, vm0, $0xb8;
	[tilespmem:$0x9400] =	vst v63  }
0x73: {  	_ = 	snop  }
0x74: {  	[tilespmem:s3], [sflag:$0x1] =	stream.indirect_vreg.gather [hbm4b:s7+s4], $0x80, v11, vm1, $0xb8;
	[tilespmem:$0x9400] =	vst v63  }
0x75: {  	v11 =	vld [tilespmem:$0x1B0];
	_ =	sdelay $0x4  }
0x76: {  	v55 =	vshrl.u32 v11, $0x3  }
0x77: {  	v12 =	vmul.u32 $0x18, v55  }
0x78: {  	v11 =	vand.u32 $0x7, v11  }
0x79: {  	v11 =	vor.u32 v11, v12  }
0x7a: {  	v12 =	vperm.xlane v11, v8;
	_ =	sdelay $0x1  }
0x7b: {  	v12 =	vadd.s32 v9, v12;
	_ =	sdelay $0x1  }
0x7c: {  	v11 =	vperm.xlane v11, v10;
	_ =	sdelay $0x1  }
0x7d: {  	s0 =	simm.s32 $0x4A80;
	v11 =	vadd.s32 v9, v11  }
0x7e: {  	[tilespmem:s0], [sflag:$0x2] =	stream.indirect_vreg.gather [hbm4b:s2+s4], $0x80, v12, vm0, $0xb8;
	[tilespmem:$0x9400] =	vst v63  }
0x7f: {  	s5 =	simm.s32 $0x5280  }
0x80: {  	[tilespmem:s5], [sflag:$0x2] =	stream.indirect_vreg.gather [hbm4b:s7+s4], $0x80, v12, vm1, $0xb8;
	[tilespmem:$0x9400] =	vst v63  }
0x81: {  	s5 =	simm.s32 $0x5680  }
0x82: {  	[tilespmem:s5], [sflag:$0x2] =	stream.indirect_vreg.gather [hbm4b:s2+s4], $0x80, v11, vm0, $0xb8;
	[tilespmem:$0x9400] =	vst v63  }
0x83: {  	_ = 	snop  }
0x84: {  	[tilespmem:s12], [sflag:$0x2] =	stream.indirect_vreg.gather [hbm4b:s7+s4], $0x80, v11, vm1, $0xb8;
	[tilespmem:$0x9400] =	vst v63  }
0x85: {  	v11 =	vld [tilespmem:$0x1C0];
	_ =	sdelay $0x4  }
0x86: {  	v56 =	vshrl.u32 v11, $0x3  }
0x87: {  	v12 =	vmul.u32 $0x18, v56  }
0x88: {  	v11 =	vand.u32 $0x7, v11  }
0x89: {  	v11 =	vor.u32 v11, v12  }
0x8a: {  	v12 =	vperm.xlane v11, v8;
	_ =	sdelay $0x1  }
0x8b: {  	v12 =	vadd.s32 v9, v12;
	_ =	sdelay $0x1  }
0x8c: {  	v11 =	vperm.xlane v11, v10;
	_ =	sdelay $0x1  }
0x8d: {  	v11 =	vadd.s32 v9, v11  }
0x8e: {  	[tilespmem:s6], [sflag:$0x2] =	stream.indirect_vreg.gather [hbm4b:s2+s4], $0x80, v12, vm0, $0xb8;
	[tilespmem:$0x9400] =	vst v63  }
0x8f: {  	_ = 	snop  }
0x90: {  	[tilespmem:s17], [sflag:$0x2] =	stream.indirect_vreg.gather [hbm4b:s7+s4], $0x80, v12, vm1, $0xb8;
	[tilespmem:$0x9400] =	vst v63  }
0x91: {  	_ = 	snop  }
0x92: {  	[tilespmem:s18], [sflag:$0x2] =	stream.indirect_vreg.gather [hbm4b:s2+s4], $0x80, v11, vm0, $0xb8;
	[tilespmem:$0x9400] =	vst v63  }
0x93: {  	_ = 	snop  }
0x94: {  	[tilespmem:s19], [sflag:$0x2] =	stream.indirect_vreg.gather [hbm4b:s7+s4], $0x80, v11, vm1, $0xb8;
	[tilespmem:$0x9400] =	vst v63  }
0x95: {  	v11 =	vld [tilespmem:$0x1D0];
	_ =	sdelay $0x4  }
0x96: {  	v57 =	vshrl.u32 v11, $0x3  }
0x97: {  	v12 =	vmul.u32 $0x18, v57  }
0x98: {  	v11 =	vand.u32 $0x7, v11  }
0x99: {  	v11 =	vor.u32 v11, v12  }
0x9a: {  	v12 =	vperm.xlane v11, v8;
	_ =	sdelay $0x1  }
0x9b: {  	v12 =	vadd.s32 v9, v12;
	_ =	sdelay $0x1  }
0x9c: {  	v11 =	vperm.xlane v11, v10;
	_ =	sdelay $0x1  }
0x9d: {  	v11 =	vadd.s32 v9, v11  }
0x9e: {  	[tilespmem:s9], [sflag:$0x2] =	stream.indirect_vreg.gather [hbm4b:s2+s4], $0x80, v12, vm0, $0xb8;
	[tilespmem:$0x9400] =	vst v63  }
0x9f: {  	_ = 	snop  }
0xa0: {  	[tilespmem:s15], [sflag:$0x2] =	stream.indirect_vreg.gather [hbm4b:s7+s4], $0x80, v12, vm1, $0xb8;
	[tilespmem:$0x9400] =	vst v63  }
0xa1: {  	_ = 	snop  }
0xa2: {  	[tilespmem:s16], [sflag:$0x2] =	stream.indirect_vreg.gather [hbm4b:s2+s4], $0x80, v11, vm0, $0xb8;
	[tilespmem:$0x9400] =	vst v63  }
0xa3: {  	s20 =	simm.s32 $0x8E80  }
0xa4: {  	[tilespmem:s20], [sflag:$0x2] =	stream.indirect_vreg.gather [hbm4b:s7+s4], $0x80, v11, vm1, $0xb8;
	[tilespmem:$0x9400] =	vst v63  }
0xa5: {  	_ =	swait.ge [sflag:s10], $0x4800  }
0xa6: {  	[sflag:s10] =	ssyncset.done $0x0  }
0xa7: {  	s20 =	rddreg [dreg:$0xb];
	[sflag:s10] =	ssyncadd.s32 $0xFFFFB800  }
0xa8: {  	[hbm4b:s20+s4] =	stream.linear.scatter [tilespmem:s29], [sflag:$0x3], $0x4800, $0x38;
	[tilespmem:$0x9400] =	vst v63  }
0xa9: {  	_ =	swait.ge [sflag:s11], $0x4800  }
0xaa: {  	[sflag:s11] =	ssyncset.done $0x0  }
0xab: {  	s20 =	rddreg [dreg:$0x6];
	[sflag:s11] =	ssyncadd.s32 $0xFFFFB800  }
0xac: {  	[hbm4b:s20+s4] =	stream.linear.scatter [tilespmem:s0], [sflag:$0x4], $0x4800, $0x38;
	[tilespmem:$0x9400] =	vst v63  }
0xad: {  	_ =	swait.ge [sflag:s13], $0x4800  }
0xae: {  	[sflag:s13] =	ssyncset.done $0x0  }
0xaf: {  	[sflag:s13] =	ssyncadd.s32 $0xFFFFB800  }
0xb0: {  	v11 =	vld [tilespmem:$0x1E0];
	_ =	sdelay $0x4  }
0xb1: {  	v58 =	vshrl.u32 v11, $0x3  }
0xb2: {  	v12 =	vmul.u32 $0x18, v58  }
0xb3: {  	v11 =	vand.u32 $0x7, v11  }
0xb4: {  	v11 =	vor.u32 v11, v12  }
0xb5: {  	v12 =	vperm.xlane v11, v8;
	_ =	sdelay $0x1  }
0xb6: {  	v12 =	vadd.s32 v9, v12;
	_ =	sdelay $0x1  }
0xb7: {  	v11 =	vperm.xlane v11, v10;
	_ =	sdelay $0x1  }
0xb8: {  	v11 =	vadd.s32 v9, v11  }
0xb9: {  	[tilespmem:s29], [sflag:$0x1] =	stream.indirect_vreg.gather [hbm4b:s2+s4], $0x80, v12, vm0, $0xb8;
	[tilespmem:$0x9400] =	vst v63  }
0xba: {  	_ = 	snop  }
0xbb: {  	[tilespmem:s21], [sflag:$0x1] =	stream.indirect_vreg.gather [hbm4b:s7+s4], $0x80, v12, vm1, $0xb8;
	[tilespmem:$0x9400] =	vst v63  }
0xbc: {  	_ = 	snop  }
0xbd: {  	[tilespmem:s22], [sflag:$0x1] =	stream.indirect_vreg.gather [hbm4b:s2+s4], $0x80, v11, vm0, $0xb8;
	[tilespmem:$0x9400] =	vst v63  }
0xbe: {  	_ = 	snop  }
0xbf: {  	[tilespmem:s23], [sflag:$0x1] =	stream.indirect_vreg.gather [hbm4b:s7+s4], $0x80, v11, vm1, $0xb8;
	[tilespmem:$0x9400] =	vst v63  }
0xc0: {  	v11 =	vld [tilespmem:$0x1F0];
	_ =	sdelay $0x4  }
0xc1: {  	v59 =	vshrl.u32 v11, $0x3  }
0xc2: {  	v12 =	vmul.u32 $0x18, v59  }
0xc3: {  	v11 =	vand.u32 $0x7, v11  }
0xc4: {  	v11 =	vor.u32 v11, v12  }
0xc5: {  	v12 =	vperm.xlane v11, v8;
	_ =	sdelay $0x1  }
0xc6: {  	v12 =	vadd.s32 v9, v12;
	_ =	sdelay $0x1  }
0xc7: {  	v11 =	vperm.xlane v11, v10;
	_ =	sdelay $0x1  }
0xc8: {  	v11 =	vadd.s32 v9, v11  }
0xc9: {  	[tilespmem:s24], [sflag:$0x1] =	stream.indirect_vreg.gather [hbm4b:s2+s4], $0x80, v12, vm0, $0xb8;
	[tilespmem:$0x9400] =	vst v63  }
0xca: {  	_ = 	snop  }
0xcb: {  	[tilespmem:s25], [sflag:$0x1] =	stream.indirect_vreg.gather [hbm4b:s7+s4], $0x80, v12, vm1, $0xb8;
	[tilespmem:$0x9400] =	vst v63  }
0xcc: {  	_ = 	snop  }
0xcd: {  	[tilespmem:s26], [sflag:$0x1] =	stream.indirect_vreg.gather [hbm4b:s2+s4], $0x80, v11, vm0, $0xb8;
	[tilespmem:$0x9400] =	vst v63  }
0xce: {  	_ = 	snop  }
0xcf: {  	[tilespmem:s28], [sflag:$0x1] =	stream.indirect_vreg.gather [hbm4b:s7+s4], $0x80, v11, vm1, $0xb8;
	[tilespmem:$0x9400] =	vst v63  }
0xd0: {  	v11 =	vld [tilespmem:$0x200];
	_ =	sdelay $0x4  }
0xd1: {  	v60 =	vshrl.u32 v11, $0x3  }
0xd2: {  	v12 =	vmul.u32 $0x18, v60  }
0xd3: {  	v11 =	vand.u32 $0x7, v11  }
0xd4: {  	v11 =	vor.u32 v11, v12  }
0xd5: {  	v12 =	vperm.xlane v11, v8;
	_ =	sdelay $0x1  }
0xd6: {  	v12 =	vadd.s32 v9, v12;
	_ =	sdelay $0x1  }
0xd7: {  	v11 =	vperm.xlane v11, v10;
	_ =	sdelay $0x1  }
0xd8: {  	v11 =	vadd.s32 v9, v11  }
0xd9: {  	[tilespmem:s30], [sflag:$0x1] =	stream.indirect_vreg.gather [hbm4b:s2+s4], $0x80, v12, vm0, $0xb8;
	[tilespmem:$0x9400] =	vst v63  }
0xda: {  	_ = 	snop  }
0xdb: {  	[tilespmem:s31], [sflag:$0x1] =	stream.indirect_vreg.gather [hbm4b:s7+s4], $0x80, v12, vm1, $0xb8;
	[tilespmem:$0x9400] =	vst v63  }
0xdc: {  	_ = 	snop  }
0xdd: {  	[tilespmem:s1], [sflag:$0x1] =	stream.indirect_vreg.gather [hbm4b:s2+s4], $0x80, v11, vm0, $0xb8;
	[tilespmem:$0x9400] =	vst v63  }
0xde: {  	_ = 	snop  }
0xdf: {  	[tilespmem:s3], [sflag:$0x1] =	stream.indirect_vreg.gather [hbm4b:s7+s4], $0x80, v11, vm1, $0xb8;
	[tilespmem:$0x9400] =	vst v63  }
0xe0: {  	_ =	swait.ge [sflag:s14], $0x4800  }
0xe1: {  	[sflag:s14] =	ssyncset.done $0x0  }
0xe2: {  	[sflag:s14] =	ssyncadd.s32 $0xFFFFB800  }
0xe3: {  	v11 =	vld [tilespmem:$0x210];
	_ =	sdelay $0x4  }
0xe4: {  	v61 =	vshrl.u32 v11, $0x3  }
0xe5: {  	v12 =	vmul.u32 $0x18, v61  }
0xe6: {  	v11 =	vand.u32 $0x7, v11  }
0xe7: {  	v11 =	vor.u32 v11, v12  }
0xe8: {  	v12 =	vperm.xlane v11, v8;
	_ =	sdelay $0x1  }
0xe9: {  	v12 =	vadd.s32 v9, v12;
	_ =	sdelay $0x1  }
0xea: {  	v11 =	vperm.xlane v11, v10;
	_ =	sdelay $0x1  }
0xeb: {  	v11 =	vadd.s32 v9, v11  }
0xec: {  	[tilespmem:s0], [sflag:$0x2] =	stream.indirect_vreg.gather [hbm4b:s2+s4], $0x80, v12, vm0, $0xb8;
	[tilespmem:$0x9400] =	vst v63  }
0xed: {  	s20 =	simm.s32 $0x5280  }
0xee: {  	[tilespmem:s20], [sflag:$0x2] =	stream.indirect_vreg.gather [hbm4b:s7+s4], $0x80, v12, vm1, $0xb8;
	[tilespmem:$0x9400] =	vst v63  }
0xef: {  	_ = 	snop  }
0xf0: {  	[tilespmem:s5], [sflag:$0x2] =	stream.indirect_vreg.gather [hbm4b:s2+s4], $0x80, v11, vm0, $0xb8;
	[tilespmem:$0x9400] =	vst v63  }
0xf1: {  	_ = 	snop  }
0xf2: {  	[tilespmem:s12], [sflag:$0x2] =	stream.indirect_vreg.gather [hbm4b:s7+s4], $0x80, v11, vm1, $0xb8;
	[tilespmem:$0x9400] =	vst v63  }
0xf3: {  	v11 =	vld [tilespmem:$0x220];
	_ =	sdelay $0x4  }
0xf4: {  	v62 =	vshrl.u32 v11, $0x3  }
0xf5: {  	v12 =	vmul.u32 $0x18, v62  }
0xf6: {  	v11 =	vand.u32 $0x7, v11  }
0xf7: {  	v11 =	vor.u32 v11, v12  }
0xf8: {  	v12 =	vperm.xlane v11, v8;
	_ =	sdelay $0x1  }
0xf9: {  	v12 =	vadd.s32 v9, v12;
	_ =	sdelay $0x1  }
0xfa: {  	v11 =	vperm.xlane v11, v10;
	_ =	sdelay $0x1  }
0xfb: {  	v11 =	vadd.s32 v9, v11  }
0xfc: {  	[tilespmem:s6], [sflag:$0x2] =	stream.indirect_vreg.gather [hbm4b:s2+s4], $0x80, v12, vm0, $0xb8;
	[tilespmem:$0x9400] =	vst v63  }
0xfd: {  	_ = 	snop  }
0xfe: {  	[tilespmem:s17], [sflag:$0x2] =	stream.indirect_vreg.gather [hbm4b:s7+s4], $0x80, v12, vm1, $0xb8;
	[tilespmem:$0x9400] =	vst v63  }
0xff: {  	_ = 	snop  }
0x100: {  	[tilespmem:s18], [sflag:$0x2] =	stream.indirect_vreg.gather [hbm4b:s2+s4], $0x80, v11, vm0, $0xb8;
	[tilespmem:$0x9400] =	vst v63  }
0x101: {  	_ = 	snop  }
0x102: {  	[tilespmem:s19], [sflag:$0x2] =	stream.indirect_vreg.gather [hbm4b:s7+s4], $0x80, v11, vm1, $0xb8;
	[tilespmem:$0x9400] =	vst v63  }
0x103: {  	v11 =	vld [tilespmem:$0x230];
	_ =	sdelay $0x4  }
0x104: {  	v63 =	vshrl.u32 v11, $0x3  }
0x105: {  	v12 =	vmul.u32 $0x18, v63  }
0x106: {  	v11 =	vand.u32 $0x7, v11  }
0x107: {  	v11 =	vor.u32 v11, v12  }
0x108: {  	v12 =	vperm.xlane v11, v8;
	_ =	sdelay $0x1  }
0x109: {  	v12 =	vadd.s32 v9, v12;
	_ =	sdelay $0x1  }
0x10a: {  	v11 =	vperm.xlane v11, v10;
	_ =	sdelay $0x1  }
0x10b: {  	v11 =	vadd.s32 v9, v11  }
0x10c: {  	[tilespmem:s9], [sflag:$0x2] =	stream.indirect_vreg.gather [hbm4b:s2+s4], $0x80, v12, vm0, $0xb8;
	[tilespmem:$0x9400] =	vst v63  }
0x10d: {  	_ = 	snop  }
0x10e: {  	[tilespmem:s15], [sflag:$0x2] =	stream.indirect_vreg.gather [hbm4b:s7+s4], $0x80, v12, vm1, $0xb8;
	[tilespmem:$0x9400] =	vst v63  }
0x10f: {  	_ = 	snop  }
0x110: {  	[tilespmem:s16], [sflag:$0x2] =	stream.indirect_vreg.gather [hbm4b:s2+s4], $0x80, v11, vm0, $0xb8;
	[tilespmem:$0x9400] =	vst v63  }
0x111: {  	s21 =	simm.s32 $0x8E80  }
0x112: {  	[tilespmem:s21], [sflag:$0x2] =	stream.indirect_vreg.gather [hbm4b:s7+s4], $0x80, v11, vm1, $0xb8;
	[tilespmem:$0x9400] =	vst v63  }
0x113: {  	_ =	swait.ge [sflag:s10], $0x4800  }
0x114: {  	[sflag:s10] =	ssyncset.done $0x0  }
0x115: {  	s5 =	rddreg [dreg:$0x7];
	[sflag:s10] =	ssyncadd.s32 $0xFFFFB800  }
0x116: {  	[hbm4b:s5+s4] =	stream.linear.scatter [tilespmem:s29], [sflag:$0x3], $0x4800, $0x38;
	[tilespmem:$0x9400] =	vst v63  }
0x117: {  	_ =	swait.ge [sflag:s11], $0x4800  }
0x118: {  	[sflag:s11] =	ssyncset.done $0x0  }
0x119: {  	s21 =	rddreg [dreg:$0x8];
	[sflag:s11] =	ssyncadd.s32 $0xFFFFB800  }
0x11a: {  	[hbm4b:s21+s4] =	stream.linear.scatter [tilespmem:s0], [sflag:$0x4], $0x4800, $0x38;
	[tilespmem:$0x9400] =	vst v63  }
0x11b: {  	p0 =	sne.s32 s8, $0x1;
	_ =	swait.ge [sflag:s13], $0x4800  }
.Ltmp0:
0x11c: {  	[sflag:s13] =	ssyncset.done $0x0;
	(pc) =	sbr.rel @p0 .LBB2_1-.Ltmp0, $4  }
0x11d: {  	[sflag:s13] =	ssyncadd.s32 $0xFFFFB800  }
0x11e: {  	_ =	swait.ge [sflag:s14], $0x4800  }
0x11f: {  	[sflag:s14] =	ssyncset.done $0x0  }
0x120: {  	s8 =	sadd.s32 $0xFFFFFFFF, s8;
	[sflag:s14] =	ssyncadd.s32 $0xFFFFB800  }
0x121: {  	_ =	sfence.sel $0x180000  }
0x122: {  	[bflag:$0x0] =	sbarrier.arrive $0xFFFF  }
0x123: {  	_ =	strace $0x90000047  }
0x124: {  	s0 =	stileid.u32;
	[bflag:$0x2] =	sbarrier.arrive $0xFFFF  }
0x125: {  	p0 =	sne.s32 s0, $0x0;
	s0 =	rddreg [dreg:$0x3]  }
0x126: {  	s0 =	sadd.s32 @!p0 $0x100000, s0  }
0x127: {  	[sflag:s0] =	ssyncadd.tile.s32 @!p0 $0x1;
	_ =	shalt  }
.Lfunc_end2:
_tile_overlayer_lowered:
.L_overlay_start_2:
0x128: {  	(tag) =	ssettag $0x2  }
0x129: {  	s0 =	rddreg [dreg:$0x0];
	s2 =	stileid.u32  }
0x12a: {  	s1 =	rddreg [dreg:$0x1];
	p0 =	sne.s32 s2, $0x0  }
0x12b: {  	s3 =	rddreg [dreg:$0x2];
	[bflag:$0x3] =	sbarrier.arrive $0xFFFF;
	s2 =	simm.s32 @!p0 $0x1C05  }
0x12c: {  	[timem:s3], [sflag:s2] =	dma.local @!p0 [hbm:s0], s1  }
0x12d: {  	s0 =	simm.s32 @!p0 $0x5  }
0x12e: {  	_ =	swait.ge @!p0 [sflag:s0], s1  }
0x12f: {  	s1 =	ssub.s32 @!p0 $0x0, s1;
	[sflag:s0] =	ssyncset.done @!p0 $0x0  }
0x130: {  	[sflag:s0] =	ssyncadd.s32 @!p0 s1  }
0x131: {  	[bflag:$0x3] =	sbarrier.arrive $0xFFFF  }
0x132: {  	_ =	shalt  }

// kernel: kernel.9.cloned.1.call-start
scs
__scs_entry_jumppad:
0x0: {  	(pc) =	sbr.rel $0x88, $3  }
0x1: {  	(tag) =	ssettag $0x0;
	lr =	simm.s32 $0x1  }
0x2: {  	[smem:$0x3F9D] =	sst lr;
	_ =	strace $0xD0000000  }
0x3: {  	_ = 	snop  }
0x4: {  	_ = 	snop  }
0x5: {  	_ = 	snop  }
0x6: {  	_ = 	snop  }
0x7: {  	_ = 	snop  }
__scs_overlays_trampoline_lowered:
0x8: {  	[smem:$0x3FAC] =	sst s0  }
0x9: {  	[smem:$0x3FAD] =	sst s1  }
0xa: {  	[smem:$0x3FAE] =	sst s2  }
0xb: {  	[smem:$0x3FAF] =	sst s3  }
0xc: {  	[smem:$0x3FB0] =	sst s4  }
0xd: {  	[smem:$0x3FB1] =	sst s5  }
0xe: {  	[smem:$0x3FB2] =	sst s6  }
0xf: {  	[smem:$0x3FB3] =	sst s7  }
0x10: {  	[smem:$0x3FB4] =	sst s8  }
0x11: {  	[smem:$0x3FB5] =	sst s9;
	s0 =	simm.s32 @!p0 $0x0  }
0x12: {  	s1 =	sld [smem:$0x3F9B];
	s0 =	simm.s32 @p0 $0x1  }
0x13: {  	[smem:$0x3FB6] =	sst s0;
	s0 =	simm.s32 @!p1 $0x0  }
0x14: {  	s2 =	sld [smem:$0x3F9A];
	s0 =	simm.s32 @p1 $0x1  }
0x15: {  	[smem:$0x3FB7] =	sst s0;
	s0 =	simm.s32 @!p2 $0x0  }
0x16: {  	s3 =	sld [smem:$0x3FDB];
	s0 =	simm.s32 @p2 $0x1  }
0x17: {  	s4 =	simm.s32 $0x1BF5;
	[smem:$0x3FB9] =	sst s0  }
0x18: {  	s0 =	sld [smem:$0x3F9C];
	_ =	swait.ge [sflag:s4], $0x0  }
0x19: {  	s7 =	sld [smem:$0x3F9D]  }
0x1a: {  	s8 =	sadd.s32 $0xFFFFE003, lr  }
0x1b: {  	s9 =	sadd.s32 $0xFFFFFEF7, lr;
	s5 =	simm.s32 $0xFFFFFFFF;
	p2 =	slt.u32 s8, $0xFFFFF086  }
0x1c: {  	p1 =	slt.u32 s9, $0xF7A;
	s5 =	simm.s32 @!p2 $0x0  }
0x1d: {  	s5 =	simm.s32 @p1 $0x1;
	p0 =	seq.s32 s7, s2  }
0x1e: {  	s7 =	smul.u32 @!p0 $0xF7A, s2;
	p2 =	seq.s32 @!p0 s5, $0x0  }
0x1f: {  	s9 =	smul.u32 $0xF7A, s1;
	s8 =	simm.s32 @!p0 $0x1BF5;
	p2 =	por !p2, p0  }
0x20: {  	[sflag:s8] =	ssyncset.s32 @!p0 $0xFFFFF086;
	s6 =	sadd.s32 @!p0 s3, s7;
	s7 =	simm.s32 @!p0 $0x108  }
0x21: {  	s3 =	sadd.s32 s3, s9;
	s6 =	sadd.s32 @!p0 $0x88, s6;
	s7 =	simm.s32 @p2 $0x1082  }
0x22: {  	[simem:s7], [sflag:s8] =	dma.local @!p0 [hbm:s6], $0xF7A  }
0x23: {  	s9 =	sor.u32 $0xD0000000, s2;
	s6 =	simm.s32 $0x108;
	_ =	swait.ge @!p0 [sflag:s8], $0x0  }
0x24: {  	s3 =	sadd.s32 $0x88, s3;
	s6 =	simm.s32 @!p1 $0x1082;
	[sflag:s4] =	ssyncset.s32 $0xFFFFF086  }
0x25: {  	[simem:s6], [sflag:s4] =	dma.local [hbm:s3], $0xF7A  }
0x26: {  	[smem:$0x3F9D] =	sst s1;
	(tag) =	ssettag s2;
	_ =	strace s9  }
0x27: {  	s1 =	sld [smem:$0x3FAD]  }
0x28: {  	s2 =	sld [smem:$0x3FAE]  }
0x29: {  	s4 =	sld [smem:$0x3FB0]  }
0x2a: {  	p0 =	seq.s32 s5, $0x0;
	s5 =	sld [smem:$0x3FB1]  }
0x2b: {  	s6 =	sld [smem:$0x3FB2]  }
0x2c: {  	s7 =	sld [smem:$0x3FB3]  }
0x2d: {  	s3 =	simm.s32 $0x108;
	s8 =	sld [smem:$0x3FB4]  }
0x2e: {  	s3 =	simm.s32 @!p0 $0x1082;
	s9 =	sld [smem:$0x3FB5]  }
0x2f: {  	lr =	sadd.s32 s0, s3;
	s0 =	sld [smem:$0x3FAC]  }
0x30: {  	s3 =	sld [smem:$0x3FAF]  }
0x31: {  	[smem:$0x3FB8] =	sst s10  }
0x32: {  	s10 =	sld [smem:$0x3FB6];
	_ =	sdelay $0x3  }
0x33: {  	p0 =	seq.s32 s10, $0x1;
	s10 =	sld [smem:$0x3FB8];
	_ =	sdelay $0x3  }
0x34: {  	[smem:$0x3FB8] =	sst s10  }
0x35: {  	s10 =	sld [smem:$0x3FB7];
	_ =	sdelay $0x3  }
0x36: {  	p1 =	seq.s32 s10, $0x1;
	s10 =	sld [smem:$0x3FB8];
	_ =	sdelay $0x3  }
0x37: {  	[smem:$0x3FB8] =	sst s10  }
0x38: {  	s10 =	sld [smem:$0x3FB9]  }
0x39: {  	_ = 	snop;
	(pc) =	sbr.ind lr, $3  }
0x3a: {  	_ = 	snop  }
0x3b: {  	_ = 	snop  }
0x3c: {  	p2 =	seq.s32 s10, $0x1;
	s10 =	sld [smem:$0x3FB8]  }
0x3d: {  	_ =	shalt  }
0x3e: {  	_ =	shalt  }
0x3f: {  	_ =	shalt  }
0x40: {  	_ =	shalt  }
0x41: {  	_ =	shalt  }
0x42: {  	_ =	shalt  }
0x43: {  	_ =	shalt  }
0x44: {  	_ =	shalt  }
0x45: {  	_ =	shalt  }
0x46: {  	_ =	shalt  }
0x47: {  	_ =	shalt  }
0x48: {  	_ =	shalt  }
0x49: {  	_ =	shalt  }
0x4a: {  	_ =	shalt  }
0x4b: {  	_ =	shalt  }
0x4c: {  	_ =	shalt  }
0x4d: {  	_ =	shalt  }
0x4e: {  	_ =	shalt  }
0x4f: {  	_ =	shalt  }
0x50: {  	_ =	shalt  }
0x51: {  	_ =	shalt  }
0x52: {  	_ =	shalt  }
0x53: {  	_ =	shalt  }
0x54: {  	_ =	shalt  }
0x55: {  	_ =	shalt  }
0x56: {  	_ =	shalt  }
0x57: {  	_ =	shalt  }
0x58: {  	_ =	shalt  }
0x59: {  	_ =	shalt  }
0x5a: {  	_ =	shalt  }
0x5b: {  	_ =	shalt  }
0x5c: {  	_ =	shalt  }
0x5d: {  	_ =	shalt  }
0x5e: {  	_ =	shalt  }
0x5f: {  	_ =	shalt  }
0x60: {  	_ =	shalt  }
0x61: {  	_ =	shalt  }
0x62: {  	_ =	shalt  }
0x63: {  	_ =	shalt  }
0x64: {  	_ =	shalt  }
0x65: {  	_ =	shalt  }
0x66: {  	_ =	shalt  }
0x67: {  	_ =	shalt  }
0x68: {  	_ =	shalt  }
0x69: {  	_ =	shalt  }
0x6a: {  	_ =	shalt  }
0x6b: {  	_ =	shalt  }
0x6c: {  	_ =	shalt  }
0x6d: {  	_ =	shalt  }
0x6e: {  	_ =	shalt  }
0x6f: {  	_ =	shalt  }
0x70: {  	_ =	shalt  }
0x71: {  	_ =	shalt  }
0x72: {  	_ =	shalt  }
0x73: {  	_ =	shalt  }
0x74: {  	_ =	shalt  }
0x75: {  	_ =	shalt  }
0x76: {  	_ =	shalt  }
0x77: {  	_ =	shalt  }
0x78: {  	_ =	shalt  }
0x79: {  	_ =	shalt  }
0x7a: {  	_ =	shalt  }
0x7b: {  	_ =	shalt  }
0x7c: {  	_ =	shalt  }
0x7d: {  	_ =	shalt  }
0x7e: {  	_ =	shalt  }
0x7f: {  	_ =	shalt  }
0x80: {  	_ =	shalt  }
0x81: {  	_ =	shalt  }
0x82: {  	_ =	shalt  }
0x83: {  	_ =	shalt  }
0x84: {  	_ =	shalt  }
0x85: {  	_ =	shalt  }
0x86: {  	_ =	shalt  }
0x87: {  	_ =	shalt  }
.Lfunc_end0:
.L_simem_size_0:
called_computation.1_lowered:
.L_overlay_start_0:
0x88: {  	s2 =	sld [smem:$0x3FD9]  }
0x89: {  	s3 =	sld [smem:$0x3FFE];
	_ =	sdelay $0x1  }
0x8a: {  	s1 =	srdreg.scid  }
0x8b: {  	s0 =	sand.u32 $0x1, s1  }
0x8c: {  	s14 =	sshll.u32 s0, $0xA;
	s2 =	sadd.s32 s3, s2  }
0x8d: {  	s2 =	sadd.s32 s2, s14  }
0x8e: {  	[smem:$0x3FC4] =	sst s2  }
0x8f: {  	_ = 	snop  }
0x90: {  	s2 =	sld [smem:$0x3FD0];
	_ =	sdelay $0x2  }
0x91: {  	s15 =	simm.s32 $0xA;
	s4 =	simm.s32 $0x10  }
0x92: {  	[smem:s4], [sflag:s15] =	dma.local [hbm:s2], $0x1  }
0x93: {  	_ =	swait.eq [sflag:s15], $0x1  }
0x94: {  	[sflag:s15] =	ssyncset.done $0x0  }
0x95: {  	[sflag:s15] =	ssyncadd.s32 $0xFFFFFFFF  }
0x96: {  	s16 =	sld [smem:$0x10];
	(tm) =	ssettm $0x1  }
0x97: {  	s17 =	sld [smem:$0x3FFB];
	_ =	sdelay $0x3  }
0x98: {  	_ =	strace s17  }
0x99: {  	s3 =	sld [smem:$0x3FFC];
	_ =	sdelay $0x3  }
0x9a: {  	_ =	strace s3  }
0x9b: {  	s3 =	sld [smem:$0x3FFD];
	_ =	sdelay $0x3  }
0x9c: {  	_ =	strace s3  }
0x9d: {  	_ =	strace $0x8FFFFFFF  }
0x9e: {  	s18 =	sld [smem:$0x3FDB];
	_ =	sdelay $0x1  }
0x9f: {  	s19 =	simm.s32 $_scs_section_size  }
0xa0: {  	s5 =	simm.s32 $_size__tile_overlayer_lowered;
	s6 =	simm.s32 $_tile_overlayer_lowered  }
0xa1: {  	s22 =	simm.s32 $0x1BFF;
	s21 =	sshll.u32 s6, $0x1;
	s3 =	sadd.s32 s19, s18  }
0xa2: {  	s7 =	simm.s32 $0x0;
	s20 =	sshll.u32 s5, $0x1;
	s5 =	sadd.s32 s21, s3  }
0xa3: {  	[timem:s7], [sflag:s22] =	dma.local [hbm:s5], s20  }
0xa4: {  	_ =	swait.ge [sflag:s22], s20  }
0xa5: {  	s4 =	ssub.s32 $0x0, s20;
	[sflag:s22] =	ssyncset.done $0x0  }
0xa6: {  	[sflag:s22] =	ssyncadd.s32 s4;
	_ =	sdelay $0x1  }
0xa7: {  	s23 =	simm.s32 $0x1B8B  }
0xa8: {  	_ =	swait.ge [sflag:s23], $0x1  }
0xa9: {  	[sflag:s23] =	ssyncset.done $0x0  }
0xaa: {  	s25 =	simm.s32 $0x1B8E;
	s24 =	sld [smem:$0x3FFE];
	[sflag:s23] =	ssyncadd.s32 $0xFFFFFFFF  }
0xab: {  	s26 =	simm.s32 $execute0_lowered;
	[smem:$0x3FD2] =	sst s25  }
0xac: {  	s5 =	sshll.u32 s26, $0x1;
	_ =	strace $0x80000049;
	[dreg:$0x1] =	wrdreg $0xFFFFFFFF  }
0xad: {  	s28 =	simm.s32 $_size_execute0_lowered;
	s3 =	sadd.s32 s3, s5;
	[dreg:$0x0] =	wrdreg $0x0  }
0xae: {  	s5 =	sshll.u32 s28, $0x1;
	[dreg:$0x2] =	wrdreg s3  }
0xaf: {  	[dreg:$0x3] =	wrdreg s5  }
0xb0: {  	[dreg:$0x4] =	wrdreg $0xC0  }
0xb1: {  	_ =	task [dreg:s7], $0x5FFFF  }
0xb2: {  	[dreg:$0x1] =	wrdreg $0xFFFFFFFF  }
0xb3: {  	[dreg:$0x0] =	wrdreg $0x60  }
0xb4: {  	[dreg:$0x2] =	wrdreg s24  }
0xb5: {  	[dreg:$0x3] =	wrdreg s16  }
0xb6: {  	[dreg:$0x4] =	wrdreg $0x9  }
0xb7: {  	_ =	task.clear_ibuf [dreg:s7], $0x5FFFF;
	_ =	strace $0x90000049  }
0xb8: {  	s29 =	simm.s32 $0x9;
	_ =	strace $0x8000004B  }
0xb9: {  	_ =	swait.ge [sflag:s29], $0x1  }
0xba: {  	[sflag:s29] =	ssyncadd.s32 $0xFFFFFFFF  }
0xbb: {  	_ =	strace $0x9000004B  }
0xbc: {  	_ =	sfence  }
0xbd: {  	s30 =	sld [smem:$0x0];
	_ =	sdelay $0x2  }
0xbe: {  	s31 =	sshll.u32 s1, $0xD;
	s1 =	sshrl.u32 s1, $0x2  }
0xbf: {  	s3 =	sand.u32 $0x4000, s31;
	s1 =	sadd.s32 s1, s30  }
0xc0: {  	s0 =	sor.u32 s3, s0;
	s1 =	sshll.u32 s1, $0x11  }
0xc1: {  	s0 =	sor.u32 s1, s0  }
0xc2: {  	s0 =	sadd.s32 $0x8F2B, s0  }
0xc3: {  	[sflag:s0] =	ssyncadd.remote.s32 $0x1  }
0xc4: {  	_ =	sfence.sel $0xFFFF  }
0xc5: {  	[dreg:$0x0] =	wrdreg $0xFFFFFFFF;
	(pc) =	sbr.abs _section_cstart, $3  }
0xc6: {  	[dreg:$0x1] =	wrdreg $0xFFFFFFFF  }
0xc7: {  	_ =	task.clear_ibuf [dreg:s7], $0x2FFFF;
	_ =	strace $0x9FFFFFFF  }
0xc8: {  	(tm) =	ssettm $0x7FFFFFFF  }
0xc9: {  	_ =	shalt  }
tec
execute0_lowered:
.L_overlay_start_1:
0x0: {  	(tag) =	ssettag $0x1  }
0x1: {  	s0 =	srdreg.scid  }
0x2: {  	s1 =	rddreg [dreg:$0x0];
	s3 =	stileid.u32;
	s13 =	simm.s32 $0x3  }
0x3: {  	s17 =	simm.s32 $0x200;
	s28 =	simm.s32 $0x5200;
	s29 =	simm.s32 $0x5A00  }
0x4: {  	s30 =	simm.s32 $0x6200;
	s31 =	simm.s32 $0x6A00;
	s14 =	simm.s32 $0x8200  }
0x5: {  	s15 =	simm.s32 $0x8A00;
	s16 =	simm.s32 $0x9200;
	s7 =	simm.s32 $0x9A00  }
0x6: {  	s8 =	simm.s32 $0xA200;
	s9 =	simm.s32 $0xAA00;
	s12 =	simm.s32 $0xB200  }
0x7: {  	s18 =	simm.s32 $0x2;
	s20 =	simm.s32 $0x0;
	s0 =	sand.u32 $0x1, s0  }
0x8: {  	s4 =	sshll.u32 s3, $0x6;
	s3 =	simm.s32 $0x0;
	s2 =	sshll.u32 s0, $0xA  }
0x9: {  	s6 =	sadd.s32 $0x48800, s1;
	s0 =	ssub.s32 $0x2, s0;
	s4 =	sor.u32 s4, s2  }
0xa: {  	s10 =	sadd.s32 $0x48900, s1;
	s5 =	sshrl.u32 s0, $0x1;
	s2 =	sshrl.u32 s4, $0x3  }
0xb: {  	[smem:$0x7FF] =	sst s3;
	s0 =	ssub.s32 s0, s5;
	s2 =	sadd.s32 s1, s2  }
0xc: {  	_ =	strace $0x8000004A;
	s0 =	smax.u32 s0, $0x1;
	[dreg:$0x3] =	wrdreg s2  }
0xd: {  	s11 =	sadd.s32 $0x48A00, s1;
	s25 =	sadd.s32 $0x200, s2;
	[dreg:$0x7] =	wrdreg s0  }
0xe: {  	v2 =	vlaneseq.u32;
	s5 =	simm.s32 $0xBA00;
	s26 =	sadd.s32 $0x48400, s2;
	[dreg:$0x4] =	wrdreg s25  }
0xf: {  	vm0 =	vmmov $0xffff;
	v1 =	vshrl.u32 v2, $0x3;
	s1 =	simm.s32 $0x7200;
	s2 =	sadd.s32 $0x48600, s2;
	[dreg:$0x5] =	wrdreg s26  }
0x10: {  	v0 =	vand.u32 $0x7, v2;
	v2 =	vor.u32 $0x8, v2;
	v1 =	vmul.u32 $0x8, v1;
	s0 =	simm.s32 $0x7A00;
	[dreg:$0x6] =	wrdreg s2;
	s2 =	simm.s32 $0x1  }
.LBB2_1:
0x11: {  	[dreg:$0x8] =	wrdreg s20  }
0x12: {  	s19 =	rddreg [dreg:$0x3]  }
0x13: {  	[tilespmem:s3], [sflag:$0x3] =	stream.linear.gather [hbm4b:s19+s3], $0x40, $0x38;
	[tilespmem:$0xC200] =	vst v63  }
0x14: {  	_ =	swait.ge [sflag:s13], $0x40  }
0x15: {  	[sflag:s13] =	ssyncset.done $0x0  }
0x16: {  	s22 =	simm.s32 $0x80;
	s21 =	rddreg [dreg:$0x4];
	[sflag:s13] =	ssyncadd.s32 $0xFFFFFFC0  }
0x17: {  	[tilespmem:s22], [sflag:$0x3] =	stream.linear.gather [hbm4b:s21+s3], $0x40, $0x38;
	[tilespmem:$0xC200] =	vst v63  }
0x18: {  	_ =	swait.ge [sflag:s13], $0x40  }
0x19: {  	[sflag:s13] =	ssyncset.done $0x0  }
0x1a: {  	s24 =	simm.s32 $0x100;
	s23 =	rddreg [dreg:$0x5];
	[sflag:s13] =	ssyncadd.s32 $0xFFFFFFC0  }
0x1b: {  	[tilespmem:s24], [sflag:$0x3] =	stream.linear.gather [hbm4b:s23+s3], $0x40, $0x38;
	[tilespmem:$0xC200] =	vst v63  }
0x1c: {  	_ =	swait.ge [sflag:s13], $0x40  }
0x1d: {  	[sflag:s13] =	ssyncset.done $0x0  }
0x1e: {  	s26 =	simm.s32 $0x180;
	s25 =	rddreg [dreg:$0x6];
	[sflag:s13] =	ssyncadd.s32 $0xFFFFFFC0  }
0x1f: {  	[tilespmem:s26], [sflag:$0x3] =	stream.linear.gather [hbm4b:s25+s3], $0x40, $0x38;
	[tilespmem:$0xC200] =	vst v63  }
0x20: {  	_ =	swait.ge [sflag:s13], $0x40  }
0x21: {  	[sflag:s13] =	ssyncset.done $0x0  }
0x22: {  	p1 =	por $0x1, $0x1;
	s19 =	simm.s32 $0x0;
	[sflag:s13] =	ssyncadd.s32 $0xFFFFFFC0  }
.LBB2_2:
0x23: {  	v3 =	vld [tilespmem:s19+$0x0];
	_ =	sdelay $0x4  }
0x24: {  	v4 =	vshrl.u32 v3, $0x3  }
0x25: {  	v4 =	vmul.u32 $0x30, v4  }
0x26: {  	v3 =	vand.u32 $0x7, v3  }
0x27: {  	v3 =	vor.u32 v3, v4  }
0x28: {  	v4 =	vperm.xlane v3, v0;
	_ =	sdelay $0x1  }
0x29: {  	v4 =	vadd.s32 v1, v4;
	_ =	sdelay $0x3  }
0x2a: {  	s20 =	simm.s32 $0x0;
	v3 =	vperm.xlane v3, v2  }
0x2b: {  	[tilespmem:s17], [sflag:$0x1] =	stream.indirect_vreg.gather [hbm4b:s6+s20], $0x80, v4, vm0, $0xb8;
	[tilespmem:$0xC200] =	vst v63  }
0x2c: {  	s21 =	simm.s32 $0xA00;
	v3 =	vadd.s32 v1, v3  }
0x2d: {  	[tilespmem:s21], [sflag:$0x1] =	stream.indirect_vreg.gather [hbm4b:s10+s20], $0x80, v4, vm0, $0xb8;
	[tilespmem:$0xC200] =	vst v63  }
0x2e: {  	s26 =	simm.s32 $0x1200  }
0x2f: {  	[tilespmem:s26], [sflag:$0x1] =	stream.indirect_vreg.gather [hbm4b:s11+s20], $0x80, v4, vm0, $0xb8;
	[tilespmem:$0xC200] =	vst v63  }
0x30: {  	s22 =	simm.s32 $0x1A00  }
0x31: {  	[tilespmem:s22], [sflag:$0x1] =	stream.indirect_vreg.gather [hbm4b:s6+s20], $0x80, v3, vm0, $0xb8;
	[tilespmem:$0xC200] =	vst v63  }
0x32: {  	s23 =	simm.s32 $0x2200  }
0x33: {  	[tilespmem:s23], [sflag:$0x1] =	stream.indirect_vreg.gather [hbm4b:s10+s20], $0x80, v3, vm0, $0xb8;
	[tilespmem:$0xC200] =	vst v63  }
0x34: {  	s24 =	simm.s32 $0x2A00  }
0x35: {  	[tilespmem:s24], [sflag:$0x1] =	stream.indirect_vreg.gather [hbm4b:s11+s20], $0x80, v3, vm0, $0xb8;
	[tilespmem:$0xC200] =	vst v63  }
0x36: {  	v3 =	vld [tilespmem:s19+$0x10];
	_ =	sdelay $0x4  }
0x37: {  	v4 =	vshrl.u32 v3, $0x3  }
0x38: {  	v4 =	vmul.u32 $0x30, v4  }
0x39: {  	v3 =	vand.u32 $0x7, v3  }
0x3a: {  	v3 =	vor.u32 v3, v4  }
0x3b: {  	v4 =	vperm.xlane v3, v0;
	_ =	sdelay $0x1  }
0x3c: {  	v4 =	vadd.s32 v1, v4;
	_ =	sdelay $0x3  }
0x3d: {  	s25 =	simm.s32 $0x3200;
	v3 =	vperm.xlane v3, v2  }
0x3e: {  	[tilespmem:s25], [sflag:$0x1] =	stream.indirect_vreg.gather [hbm4b:s6+s20], $0x80, v4, vm0, $0xb8;
	[tilespmem:$0xC200] =	vst v63  }
0x3f: {  	s26 =	simm.s32 $0x3A00;
	v3 =	vadd.s32 v1, v3  }
0x40: {  	[tilespmem:s26], [sflag:$0x1] =	stream.indirect_vreg.gather [hbm4b:s10+s20], $0x80, v4, vm0, $0xb8;
	[tilespmem:$0xC200] =	vst v63  }
0x41: {  	s22 =	simm.s32 $0x4200  }
0x42: {  	[tilespmem:s22], [sflag:$0x1] =	stream.indirect_vreg.gather [hbm4b:s11+s20], $0x80, v4, vm0, $0xb8;
	[tilespmem:$0xC200] =	vst v63  }
0x43: {  	s23 =	simm.s32 $0x4A00  }
0x44: {  	[tilespmem:s23], [sflag:$0x1] =	stream.indirect_vreg.gather [hbm4b:s6+s20], $0x80, v3, vm0, $0xb8;
	[tilespmem:$0xC200] =	vst v63  }
0x45: {  	_ = 	snop  }
0x46: {  	[tilespmem:s28], [sflag:$0x1] =	stream.indirect_vreg.gather [hbm4b:s10+s20], $0x80, v3, vm0, $0xb8;
	[tilespmem:$0xC200] =	vst v63  }
0x47: {  	_ = 	snop  }
0x48: {  	[tilespmem:s29], [sflag:$0x1] =	stream.indirect_vreg.gather [hbm4b:s11+s20], $0x80, v3, vm0, $0xb8;
	[tilespmem:$0xC200] =	vst v63  }
0x49: {  	v3 =	vld [tilespmem:s19+$0x80];
	_ =	sdelay $0x4  }
0x4a: {  	v4 =	vshrl.u32 v3, $0x3  }
0x4b: {  	v4 =	vmul.u32 $0x30, v4  }
0x4c: {  	v3 =	vand.u32 $0x7, v3  }
0x4d: {  	v3 =	vor.u32 v3, v4  }
0x4e: {  	v4 =	vperm.xlane v3, v0;
	_ =	sdelay $0x1  }
0x4f: {  	v4 =	vadd.s32 v1, v4;
	_ =	sdelay $0x3  }
0x50: {  	v3 =	vperm.xlane v3, v2  }
0x51: {  	[tilespmem:s30], [sflag:$0x2] =	stream.indirect_vreg.gather [hbm4b:s6+s20], $0x80, v4, vm0, $0xb8;
	[tilespmem:$0xC200] =	vst v63  }
0x52: {  	v3 =	vadd.s32 v1, v3  }
0x53: {  	[tilespmem:s31], [sflag:$0x2] =	stream.indirect_vreg.gather [hbm4b:s10+s20], $0x80, v4, vm0, $0xb8;
	[tilespmem:$0xC200] =	vst v63  }
0x54: {  	_ = 	snop  }
0x55: {  	[tilespmem:s1], [sflag:$0x2] =	stream.indirect_vreg.gather [hbm4b:s11+s20], $0x80, v4, vm0, $0xb8;
	[tilespmem:$0xC200] =	vst v63  }
0x56: {  	_ = 	snop  }
0x57: {  	[tilespmem:s0], [sflag:$0x2] =	stream.indirect_vreg.gather [hbm4b:s6+s20], $0x80, v3, vm0, $0xb8;
	[tilespmem:$0xC200] =	vst v63  }
0x58: {  	_ = 	snop  }
0x59: {  	[tilespmem:s14], [sflag:$0x2] =	stream.indirect_vreg.gather [hbm4b:s10+s20], $0x80, v3, vm0, $0xb8;
	[tilespmem:$0xC200] =	vst v63  }
0x5a: {  	_ = 	snop  }
0x5b: {  	[tilespmem:s15], [sflag:$0x2] =	stream.indirect_vreg.gather [hbm4b:s11+s20], $0x80, v3, vm0, $0xb8;
	[tilespmem:$0xC200] =	vst v63  }
0x5c: {  	v3 =	vld [tilespmem:s19+$0x90];
	_ =	sdelay $0x4  }
0x5d: {  	v4 =	vshrl.u32 v3, $0x3  }
0x5e: {  	v4 =	vmul.u32 $0x30, v4  }
0x5f: {  	v3 =	vand.u32 $0x7, v3  }
0x60: {  	v3 =	vor.u32 v3, v4  }
0x61: {  	v4 =	vperm.xlane v3, v0;
	_ =	sdelay $0x1  }
0x62: {  	v4 =	vadd.s32 v1, v4;
	_ =	sdelay $0x3  }
0x63: {  	v3 =	vperm.xlane v3, v2  }
0x64: {  	[tilespmem:s16], [sflag:$0x2] =	stream.indirect_vreg.gather [hbm4b:s6+s20], $0x80, v4, vm0, $0xb8;
	[tilespmem:$0xC200] =	vst v63  }
0x65: {  	v3 =	vadd.s32 v1, v3  }
0x66: {  	[tilespmem:s7], [sflag:$0x2] =	stream.indirect_vreg.gather [hbm4b:s10+s20], $0x80, v4, vm0, $0xb8;
	[tilespmem:$0xC200] =	vst v63  }
0x67: {  	_ = 	snop  }
0x68: {  	[tilespmem:s8], [sflag:$0x2] =	stream.indirect_vreg.gather [hbm4b:s11+s20], $0x80, v4, vm0, $0xb8;
	[tilespmem:$0xC200] =	vst v63  }
0x69: {  	_ = 	snop  }
0x6a: {  	[tilespmem:s9], [sflag:$0x2] =	stream.indirect_vreg.gather [hbm4b:s6+s20], $0x80, v3, vm0, $0xb8;
	[tilespmem:$0xC200] =	vst v63  }
0x6b: {  	_ = 	snop  }
0x6c: {  	[tilespmem:s12], [sflag:$0x2] =	stream.indirect_vreg.gather [hbm4b:s10+s20], $0x80, v3, vm0, $0xb8;
	[tilespmem:$0xC200] =	vst v63  }
0x6d: {  	_ = 	snop  }
0x6e: {  	[tilespmem:s5], [sflag:$0x2] =	stream.indirect_vreg.gather [hbm4b:s11+s20], $0x80, v3, vm0, $0xb8;
	[tilespmem:$0xC200] =	vst v63  }
0x6f: {  	_ =	swait.ge [sflag:s2], $0x6000  }
0x70: {  	[sflag:s2] =	ssyncset.done $0x0  }
0x71: {  	s24 =	simm.s32 $0x0;
	[sflag:s2] =	ssyncadd.s32 $0xFFFFA000  }
0x72: {  	s21 =	smul.u32 $0x1800, s24;
	_ =	swait.ge [sflag:s18], $0x6000  }
0x73: {  	s20 =	sand.u32 $0x380, s20;
	[sflag:s18] =	ssyncset.done $0x0  }
0x74: {  	s23 =	sor.u32 s20, s21;
	[sflag:s18] =	ssyncadd.s32 $0xFFFFA000  }
0x75: {  	v6 =	vld [tilespmem:s23+$0x6200]  }
0x76: {  	v3 =	vld [tilespmem:s23+$0x210]  }
0x77: {  	v4 =	vld [tilespmem:s23+$0x6210]  }
0x78: {  	v5 =	vld [tilespmem:s23+$0x220]  }
0x79: {  	v7 =	vld [tilespmem:s23+$0x230]  }
0x7a: {  	v8 =	vld [tilespmem:s23+$0x240]  }
0x7b: {  	v11 =	vld [tilespmem:s23+$0x250]  }
0x7c: {  	v12 =	vld [tilespmem:s23+$0x260]  }
0x7d: {  	v13 =	vld [tilespmem:s23+$0x270]  }
0x7e: {  	v14 =	vld [tilespmem:s23+$0x600]  }
0x7f: {  	v15 =	vld [tilespmem:s23+$0x610]  }
0x80: {  	v16 =	vld [tilespmem:s23+$0x620]  }
0x81: {  	v17 =	vld [tilespmem:s23+$0x630]  }
0x82: {  	v18 =	vld [tilespmem:s23+$0x640]  }
0x83: {  	v19 =	vld [tilespmem:s23+$0x650]  }
0x84: {  	v20 =	vld [tilespmem:s23+$0x660]  }
0x85: {  	v21 =	vld [tilespmem:s23+$0x670]  }
0x86: {  	v22 =	vld [tilespmem:s23+$0xA00]  }
0x87: {  	v23 =	vld [tilespmem:s23+$0xA10]  }
0x88: {  	v24 =	vld [tilespmem:s23+$0xA20]  }
0x89: {  	v25 =	vld [tilespmem:s23+$0xA30]  }
0x8a: {  	v26 =	vld [tilespmem:s23+$0xA40]  }
0x8b: {  	v27 =	vld [tilespmem:s23+$0xA50]  }
0x8c: {  	v28 =	vld [tilespmem:s23+$0xA60]  }
0x8d: {  	v29 =	vld [tilespmem:s23+$0xA70]  }
0x8e: {  	v30 =	vld [tilespmem:s23+$0xE00]  }
0x8f: {  	v31 =	vld [tilespmem:s23+$0xE10]  }
0x90: {  	v32 =	vld [tilespmem:s23+$0xE20]  }
0x91: {  	v33 =	vld [tilespmem:s23+$0xE30]  }
0x92: {  	v34 =	vld [tilespmem:s23+$0xE40]  }
0x93: {  	v35 =	vld [tilespmem:s23+$0xE50]  }
0x94: {  	v36 =	vld [tilespmem:s23+$0xE60]  }
0x95: {  	v37 =	vld [tilespmem:s23+$0xE70]  }
0x96: {  	v38 =	vld [tilespmem:s23+$0x1200]  }
0x97: {  	v39 =	vld [tilespmem:s23+$0x1210]  }
0x98: {  	v40 =	vld [tilespmem:s23+$0x1220]  }
0x99: {  	v41 =	vld [tilespmem:s23+$0x1230]  }
0x9a: {  	v42 =	vld [tilespmem:s23+$0x1240]  }
0x9b: {  	v43 =	vld [tilespmem:s23+$0x1250]  }
0x9c: {  	v44 =	vld [tilespmem:s23+$0x1260]  }
0x9d: {  	v45 =	vld [tilespmem:s23+$0x1270]  }
0x9e: {  	s25 =	sshll.u32 s19, $0x2;
	v46 =	vld [tilespmem:s23+$0x1600]  }
0x9f: {  	s20 =	sshra.s32 s25, $0x2;
	v47 =	vld [tilespmem:s23+$0x1610]  }
0xa0: {  	s25 =	sadd.s32 $0x100, s20;
	v48 =	vld [tilespmem:s23+$0x7620]  }
0xa1: {  	s21 =	sadd.s32 $0x180, s20;
	v9 =	vld.msk [tilespmem:s25+$0x0], $0x1  }
0xa2: {  	v10 =	vld.msk [tilespmem:s21+$0x0], $0x1  }
0xa3: {  	v49 =	vld [tilespmem:s23+$0x7630]  }
0xa4: {  	v50 =	vld [tilespmem:s23+$0x1630]  }
0xa5: {  	v51 =	vld [tilespmem:s23+$0x1620]  }
0xa6: {  	v52 =	vld [tilespmem:s23+$0x7610]  }
0xa7: {  	v53 =	vld [tilespmem:s23+$0x7600];
	v9 =	vbroadcast v9, $0x0  }
0xa8: {  	v54 =	vld [tilespmem:s23+$0x7270];
	v10 =	vbroadcast v10, $0x0  }
0xa9: {  	v55 =	vld [tilespmem:s23+$0x7260];
	v50 =	vmul.f32 v50, v9  }
0xaa: {  	v56 =	vld [tilespmem:s23+$0x7250];
	v49 =	vmul.f32 v49, v10;
	v51 =	vmul.f32 v51, v9  }
0xab: {  	v57 =	vld [tilespmem:s23+$0x7240];
	v48 =	vmul.f32 v48, v10;
	v47 =	vmul.f32 v47, v9  }
0xac: {  	v62 =	vld [tilespmem:s23+$0x7230];
	v52 =	vmul.f32 v52, v10;
	v46 =	vmul.f32 v46, v9;
	v49 =	vadd.f32 v49, v50  }
0xad: {  	v59 =	vld [tilespmem:s23+$0x6E70];
	v53 =	vmul.f32 v53, v10;
	v45 =	vmul.f32 v45, v9;
	v48 =	vadd.f32 v48, v51  }
0xae: {  	v61 =	vld [tilespmem:s23+$0x6E60];
	v54 =	vmul.f32 v54, v10;
	v44 =	vmul.f32 v44, v9;
	v47 =	vadd.f32 v52, v47;
	[tilespmem:s23+$0x1630] =	vst v49  }
0xaf: {  	v63 =	vmul.f32 v55, v10;
	v43 =	vmul.f32 v43, v9;
	v55 =	vld [tilespmem:s23+$0x6E00];
	v46 =	vadd.f32 v53, v46;
	[tilespmem:s23+$0x1620] =	vst v48  }
0xb0: {  	v58 =	vmul.f32 v56, v10;
	v42 =	vmul.f32 v42, v9;
	v51 =	vld [tilespmem:s23+$0x7220];
	v45 =	vadd.f32 v54, v45;
	[tilespmem:s23+$0x1610] =	vst v47  }
0xb1: {  	v60 =	vmul.f32 v57, v10;
	v44 =	vadd.f32 v63, v44;
	v50 =	vmul.f32 v62, v10;
	v62 =	vld [tilespmem:s23+$0x6E50];
	[tilespmem:s23+$0x1600] =	vst v46  }
0xb2: {  	v41 =	vmul.f32 v41, v9;
	v43 =	vadd.f32 v58, v43;
	v63 =	vld [tilespmem:s23+$0x6E40];
	[tilespmem:s23+$0x1270] =	vst v45  }
0xb3: {  	v37 =	vmul.f32 v37, v9;
	v42 =	vadd.f32 v60, v42;
	v52 =	vld [tilespmem:s23+$0x6E30];
	[tilespmem:s23+$0x1260] =	vst v44;
	v47 =	vmul.f32 v59, v10  }
0xb4: {  	v36 =	vmul.f32 v36, v9;
	v53 =	vld [tilespmem:s23+$0x6E20];
	v41 =	vadd.f32 v50, v41;
	[tilespmem:s23+$0x1250] =	vst v43;
	v46 =	vmul.f32 v61, v10  }
0xb5: {  	v40 =	vmul.f32 v40, v9;
	v54 =	vld [tilespmem:s23+$0x6E10];
	[tilespmem:s23+$0x1240] =	vst v42;
	v37 =	vadd.f32 v47, v37;
	v51 =	vmul.f32 v51, v10  }
0xb6: {  	v35 =	vmul.f32 v35, v9;
	v58 =	vld [tilespmem:s23+$0x6A50];
	[tilespmem:s23+$0x1230] =	vst v41;
	v36 =	vadd.f32 v46, v36;
	v45 =	vmul.f32 v62, v10  }
0xb7: {  	v34 =	vmul.f32 v34, v9;
	v49 =	vld [tilespmem:s23+$0x7210];
	v44 =	vmul.f32 v63, v10;
	[tilespmem:s23+$0xE70] =	vst v37;
	v40 =	vadd.f32 v51, v40  }
0xb8: {  	v33 =	vmul.f32 v33, v9;
	v48 =	vld [tilespmem:s23+$0x7200];
	v43 =	vmul.f32 v52, v10;
	[tilespmem:s23+$0xE60] =	vst v36;
	v35 =	vadd.f32 v45, v35  }
0xb9: {  	v32 =	vmul.f32 v32, v9;
	v59 =	vld [tilespmem:s23+$0x6A40];
	v42 =	vmul.f32 v53, v10;
	v34 =	vadd.f32 v44, v34;
	[tilespmem:s23+$0x1220] =	vst v40  }
0xba: {  	v56 =	vld [tilespmem:s23+$0x6A70];
	v31 =	vmul.f32 v31, v9;
	v41 =	vmul.f32 v54, v10;
	v33 =	vadd.f32 v43, v33;
	[tilespmem:s23+$0xE50] =	vst v35  }
0xbb: {  	v57 =	vld [tilespmem:s23+$0x6A60];
	v27 =	vmul.f32 v27, v9;
	v37 =	vmul.f32 v58, v10;
	v32 =	vadd.f32 v42, v32;
	[tilespmem:s23+$0xE40] =	vst v34  }
0xbc: {  	v39 =	vmul.f32 v39, v9;
	v60 =	vld [tilespmem:s23+$0x6A30];
	v49 =	vmul.f32 v49, v10;
	v31 =	vadd.f32 v41, v31;
	[tilespmem:s23+$0xE30] =	vst v33  }
0xbd: {  	v38 =	vmul.f32 v38, v9;
	v61 =	vld [tilespmem:s23+$0x6A20];
	v48 =	vmul.f32 v48, v10;
	v27 =	vadd.f32 v37, v27;
	[tilespmem:s23+$0xE20] =	vst v32  }
0xbe: {  	v26 =	vmul.f32 v26, v9;
	v62 =	vld [tilespmem:s23+$0x6A10];
	v36 =	vmul.f32 v59, v10;
	v39 =	vadd.f32 v49, v39;
	[tilespmem:s23+$0xE10] =	vst v31  }
0xbf: {  	v30 =	vmul.f32 v30, v9;
	v63 =	vld [tilespmem:s23+$0x6A00];
	v38 =	vadd.f32 v48, v38;
	v40 =	vmul.f32 v55, v10;
	[tilespmem:s23+$0xA50] =	vst v27  }
0xc0: {  	v29 =	vmul.f32 v29, v9;
	v31 =	vld [tilespmem:s23+$0x6670];
	v26 =	vadd.f32 v36, v26;
	[tilespmem:s23+$0x1210] =	vst v39;
	v39 =	vmul.f32 v56, v10  }
0xc1: {  	v28 =	vmul.f32 v28, v9;
	v27 =	vld [tilespmem:s23+$0x6630];
	[tilespmem:s23+$0x1200] =	vst v38;
	v38 =	vmul.f32 v57, v10;
	v30 =	vadd.f32 v40, v30  }
0xc2: {  	v25 =	vmul.f32 v25, v9;
	v35 =	vmul.f32 v60, v10;
	[tilespmem:s23+$0xA40] =	vst v26;
	v26 =	vld [tilespmem:s23+$0x6620];
	v29 =	vadd.f32 v39, v29  }
0xc3: {  	v24 =	vmul.f32 v24, v9;
	v34 =	vmul.f32 v61, v10;
	v28 =	vadd.f32 v38, v28;
	[tilespmem:s23+$0xE00] =	vst v30;
	v30 =	vld [tilespmem:s23+$0x6660]  }
0xc4: {  	v23 =	vmul.f32 v23, v9;
	v33 =	vmul.f32 v62, v10;
	v25 =	vadd.f32 v35, v25;
	[tilespmem:s23+$0xA70] =	vst v29;
	v29 =	vld [tilespmem:s23+$0x6650]  }
0xc5: {  	v22 =	vmul.f32 v22, v9;
	v32 =	vmul.f32 v63, v10;
	v24 =	vadd.f32 v34, v24;
	[tilespmem:s23+$0xA60] =	vst v28;
	v28 =	vld [tilespmem:s23+$0x6640]  }
0xc6: {  	v21 =	vmul.f32 v21, v9;
	v23 =	vadd.f32 v33, v23;
	[tilespmem:s23+$0xA30] =	vst v25;
	v25 =	vld [tilespmem:s23+$0x6610];
	v31 =	vmul.f32 v31, v10  }
0xc7: {  	v17 =	vmul.f32 v17, v9;
	v22 =	vadd.f32 v32, v22;
	[tilespmem:s23+$0xA20] =	vst v24;
	v24 =	vld [tilespmem:s23+$0x6600];
	v27 =	vmul.f32 v27, v10  }
0xc8: {  	v20 =	vmul.f32 v20, v9;
	[tilespmem:s23+$0xA10] =	vst v23;
	v23 =	vld [tilespmem:s23+$0x6270];
	v21 =	vadd.f32 v31, v21;
	v30 =	vmul.f32 v30, v10  }
0xc9: {  	v19 =	vmul.f32 v19, v9;
	[tilespmem:s23+$0xA00] =	vst v22;
	v22 =	vld [tilespmem:s23+$0x6260];
	v17 =	vadd.f32 v27, v17;
	v29 =	vmul.f32 v29, v10  }
0xca: {  	v18 =	vmul.f32 v18, v9;
	[tilespmem:s23+$0x670] =	vst v21;
	v21 =	vld [tilespmem:s23+$0x6250];
	v28 =	vmul.f32 v28, v10;
	v20 =	vadd.f32 v30, v20  }
0xcb: {  	v16 =	vmul.f32 v16, v9;
	v26 =	vmul.f32 v26, v10;
	[tilespmem:s23+$0x630] =	vst v17;
	v17 =	vld [tilespmem:s23+$0x7640];
	v19 =	vadd.f32 v29, v19  }
0xcc: {  	v15 =	vmul.f32 v15, v9;
	v25 =	vmul.f32 v25, v10;
	v18 =	vadd.f32 v28, v18;
	[tilespmem:s23+$0x660] =	vst v20;
	v20 =	vld [tilespmem:s23+$0x6240]  }
0xcd: {  	v14 =	vmul.f32 v14, v9;
	v24 =	vmul.f32 v24, v10;
	v16 =	vadd.f32 v26, v16;
	[tilespmem:s23+$0x650] =	vst v19;
	v19 =	vld [tilespmem:s23+$0x6230]  }
0xce: {  	v12 =	vmul.f32 v12, v9;
	v22 =	vmul.f32 v22, v10;
	v15 =	vadd.f32 v25, v15;
	[tilespmem:s23+$0x640] =	vst v18;
	v18 =	vld [tilespmem:s23+$0x6220]  }
0xcf: {  	v11 =	vmul.f32 v11, v9;
	v14 =	vadd.f32 v24, v14;
	[tilespmem:s23+$0x620] =	vst v16;
	v16 =	vld [tilespmem:s23+$0x7650];
	v21 =	vmul.f32 v21, v10  }
0xd0: {  	v13 =	vmul.f32 v13, v9;
	v23 =	vmul.f32 v23, v10;
	v12 =	vadd.f32 v22, v12;
	[tilespmem:s23+$0x610] =	vst v15;
	v15 =	vld [tilespmem:s23+$0x7660]  }
0xd1: {  	v8 =	vmul.f32 v8, v9;
	[tilespmem:s23+$0x600] =	vst v14;
	v14 =	vld [tilespmem:s23+$0x1640];
	v11 =	vadd.f32 v21, v11;
	v20 =	vmul.f32 v20, v10  }
0xd2: {  	v7 =	vmul.f32 v7, v9;
	v13 =	vadd.f32 v23, v13;
	[tilespmem:s23+$0x260] =	vst v12;
	v12 =	vld [tilespmem:s23+$0x1650];
	v19 =	vmul.f32 v19, v10  }
0xd3: {  	v5 =	vmul.f32 v5, v9;
	[tilespmem:s23+$0x250] =	vst v11;
	v11 =	vld [tilespmem:s23+$0x1660];
	v18 =	vmul.f32 v18, v10;
	v8 =	vadd.f32 v20, v8  }
0xd4: {  	[tilespmem:s23+$0x270] =	vst v13;
	v7 =	vadd.f32 v19, v7  }
0xd5: {  	s26 =	simm.s32 $0x0;
	v3 =	vmul.f32 v3, v9;
	v4 =	vmul.f32 v4, v10;
	v13 =	vld [tilespmem:s23+$0x7670];
	v5 =	vadd.f32 v18, v5;
	[tilespmem:s23+$0x240] =	vst v8  }
0xd6: {  	s22 =	simm.s32 $0x80;
	s20 =	smul.u32 $0x1800, s26;
	v17 =	vmul.f32 v17, v10;
	v14 =	vmul.f32 v14, v9;
	v8 =	vld [tilespmem:s23+$0x1670];
	[tilespmem:s23+$0x230] =	vst v7  }
0xd7: {  	s24 =	sand.u32 $0x380, s22;
	v4 =	vadd.f32 v4, v3;
	v7 =	vld [tilespmem:s23+$0x200];
	[tilespmem:s23+$0x220] =	vst v5;
	v5 =	vmul.f32 v12, v9;
	v12 =	vmul.f32 v16, v10  }
0xd8: {  	s20 =	sor.u32 s24, s20;
	v15 =	vmul.f32 v15, v10;
	v14 =	vadd.f32 v17, v14;
	v11 =	vmul.f32 v11, v9  }
0xd9: {  	v3 =	vld [tilespmem:s20+$0x6200];
	[tilespmem:s23+$0x210] =	vst v4;
	v12 =	vadd.f32 v12, v5  }
0xda: {  	v11 =	vadd.f32 v15, v11;
	v4 =	vld [tilespmem:s20+$0x210];
	[tilespmem:s23+$0x1640] =	vst v14  }
0xdb: {  	v13 =	vmul.f32 v13, v10;
	v8 =	vmul.f32 v8, v9;
	v5 =	vld [tilespmem:s20+$0x6210];
	[tilespmem:s23+$0x1650] =	vst v12  }
0xdc: {  	[tilespmem:s23+$0x1660] =	vst v11;
	v7 =	vmul.f32 v7, v9;
	v9 =	vmul.f32 v6, v10;
	v6 =	vld [tilespmem:s20+$0x220]  }
0xdd: {  	v8 =	vadd.f32 v13, v8;
	v18 =	vld [tilespmem:s20+$0x630]  }
0xde: {  	v9 =	vadd.f32 v9, v7;
	v7 =	vld [tilespmem:s20+$0x6220]  }
0xdf: {  	[tilespmem:s23+$0x1670] =	vst v8;
	v8 =	vld [tilespmem:s20+$0x230]  }
0xe0: {  	v10 =	vld [tilespmem:s20+$0x240]  }
0xe1: {  	v12 =	vld [tilespmem:s20+$0x250]  }
0xe2: {  	v13 =	vld [tilespmem:s20+$0x260]  }
0xe3: {  	v14 =	vld [tilespmem:s20+$0x270]  }
0xe4: {  	v15 =	vld [tilespmem:s20+$0x600]  }
0xe5: {  	v16 =	vld [tilespmem:s20+$0x610]  }
0xe6: {  	v17 =	vld [tilespmem:s20+$0x620]  }
0xe7: {  	v19 =	vld [tilespmem:s20+$0x640]  }
0xe8: {  	v20 =	vld [tilespmem:s20+$0x650]  }
0xe9: {  	v21 =	vld [tilespmem:s20+$0x660]  }
0xea: {  	v22 =	vld [tilespmem:s20+$0x670]  }
0xeb: {  	v27 =	vld [tilespmem:s20+$0xA40]  }
0xec: {  	v37 =	vld [tilespmem:s20+$0xE40]  }
0xed: {  	v45 =	vld [tilespmem:s20+$0x1240];
	[tilespmem:s23+$0x200] =	vst v9  }
0xee: {  	v9 =	vld [tilespmem:s20+$0x6230]  }
0xef: {  	v11 =	vld [tilespmem:s20+$0x6240]  }
0xf0: {  	v23 =	vld [tilespmem:s20+$0xA00]  }
0xf1: {  	v24 =	vld [tilespmem:s20+$0xA10]  }
0xf2: {  	v25 =	vld [tilespmem:s20+$0xA20]  }
0xf3: {  	v26 =	vld [tilespmem:s20+$0xA30]  }
0xf4: {  	v28 =	vld [tilespmem:s20+$0xA50]  }
0xf5: {  	v29 =	vld [tilespmem:s20+$0xA60]  }
0xf6: {  	v30 =	vld [tilespmem:s20+$0xA70]  }
0xf7: {  	v31 =	vld [tilespmem:s20+$0xE00]  }
0xf8: {  	v32 =	vld [tilespmem:s20+$0xE10]  }
0xf9: {  	v35 =	vld [tilespmem:s20+$0xE20]  }
0xfa: {  	v36 =	vld [tilespmem:s20+$0xE30]  }
0xfb: {  	v38 =	vld [tilespmem:s20+$0xE50]  }
0xfc: {  	v39 =	vld [tilespmem:s20+$0xE60]  }
0xfd: {  	v40 =	vld [tilespmem:s20+$0xE70]  }
0xfe: {  	v41 =	vld [tilespmem:s20+$0x1200]  }
0xff: {  	v42 =	vld [tilespmem:s20+$0x1210]  }
0x100: {  	v43 =	vld [tilespmem:s20+$0x1220]  }
0x101: {  	v44 =	vld [tilespmem:s20+$0x1230]  }
0x102: {  	v46 =	vld [tilespmem:s20+$0x1250]  }
0x103: {  	v47 =	vld [tilespmem:s20+$0x1260]  }
0x104: {  	v48 =	vld [tilespmem:s20+$0x1270]  }
0x105: {  	v49 =	vld [tilespmem:s20+$0x1600]  }
0x106: {  	v50 =	vld [tilespmem:s20+$0x1610]  }
0x107: {  	p0 =	por p1, p1;
	s24 =	simm.s32 $0x2;
	s23 =	sadd.s32 $0x1, s25;
	v51 =	vld [tilespmem:s20+$0x7620]  }
.LBB2_3:
0x108: {  	p1 =	sne.s32 s24, $0x1F;
	v33 =	vld.msk [tilespmem:s23+$0x0], $0x1;
	s21 =	sadd.s32 $0x1, s21  }
0x109: {  	v34 =	vld.msk [tilespmem:s21+$0x0], $0x1  }
0x10a: {  	v52 =	vld [tilespmem:s20+$0x7630]  }
0x10b: {  	v53 =	vld [tilespmem:s20+$0x1630]  }
0x10c: {  	v54 =	vld [tilespmem:s20+$0x1620]  }
0x10d: {  	v55 =	vld [tilespmem:s20+$0x7610]  }
0x10e: {  	v33 =	vbroadcast v33, $0x0;
	v34 =	vbroadcast v34, $0x0;
	v56 =	vld [tilespmem:s20+$0x7600]  }
0x10f: {  	v57 =	vld [tilespmem:s20+$0x7270]  }
0x110: {  	v58 =	vld [tilespmem:s20+$0x7260];
	v53 =	vmul.f32 v53, v33;
	v52 =	vmul.f32 v52, v34  }
0x111: {  	v51 =	vmul.f32 v51, v34;
	v59 =	vld [tilespmem:s20+$0x7250];
	v54 =	vmul.f32 v54, v33  }
0x112: {  	v50 =	vmul.f32 v50, v33;
	v60 =	vld [tilespmem:s20+$0x7240];
	v55 =	vmul.f32 v55, v34;
	v52 =	vadd.f32 v52, v53  }
0x113: {  	v49 =	vmul.f32 v49, v33;
	v53 =	vld [tilespmem:s20+$0x7230];
	v56 =	vmul.f32 v56, v34;
	v51 =	vadd.f32 v51, v54  }
0x114: {  	v48 =	vmul.f32 v48, v33;
	v54 =	vld [tilespmem:s20+$0x7220];
	v57 =	vmul.f32 v57, v34;
	v50 =	vadd.f32 v55, v50;
	[tilespmem:s20+$0x1630] =	vst v52  }
0x115: {  	v47 =	vmul.f32 v47, v33;
	v52 =	vld [tilespmem:s20+$0x7210];
	v55 =	vmul.f32 v58, v34;
	v49 =	vadd.f32 v56, v49;
	[tilespmem:s20+$0x1620] =	vst v51  }
0x116: {  	v46 =	vmul.f32 v46, v33;
	v51 =	vld [tilespmem:s20+$0x7200];
	v56 =	vmul.f32 v59, v34;
	v48 =	vadd.f32 v57, v48;
	[tilespmem:s20+$0x1610] =	vst v50  }
0x117: {  	v45 =	vmul.f32 v45, v33;
	v50 =	vld [tilespmem:s20+$0x6E70];
	v57 =	vmul.f32 v60, v34;
	v47 =	vadd.f32 v55, v47;
	[tilespmem:s20+$0x1600] =	vst v49  }
0x118: {  	v44 =	vmul.f32 v44, v33;
	v49 =	vld [tilespmem:s20+$0x6E60];
	v53 =	vmul.f32 v53, v34;
	v46 =	vadd.f32 v56, v46;
	[tilespmem:s20+$0x1270] =	vst v48  }
0x119: {  	v43 =	vmul.f32 v43, v33;
	v48 =	vld [tilespmem:s20+$0x6E50];
	v54 =	vmul.f32 v54, v34;
	v45 =	vadd.f32 v57, v45;
	[tilespmem:s20+$0x1260] =	vst v47  }
0x11a: {  	v42 =	vmul.f32 v42, v33;
	v47 =	vld [tilespmem:s20+$0x6E40];
	v52 =	vmul.f32 v52, v34;
	v44 =	vadd.f32 v53, v44;
	[tilespmem:s20+$0x1250] =	vst v46  }
0x11b: {  	v41 =	vmul.f32 v41, v33;
	v46 =	vld [tilespmem:s20+$0x6E30];
	v51 =	vmul.f32 v51, v34;
	v43 =	vadd.f32 v54, v43;
	[tilespmem:s20+$0x1240] =	vst v45  }
0x11c: {  	v40 =	vmul.f32 v40, v33;
	v45 =	vld [tilespmem:s20+$0x6E20];
	v50 =	vmul.f32 v50, v34;
	v42 =	vadd.f32 v52, v42;
	[tilespmem:s20+$0x1230] =	vst v44  }
0x11d: {  	v39 =	vmul.f32 v39, v33;
	v44 =	vld [tilespmem:s20+$0x6E10];
	v49 =	vmul.f32 v49, v34;
	v41 =	vadd.f32 v51, v41;
	[tilespmem:s20+$0x1220] =	vst v43  }
0x11e: {  	v38 =	vmul.f32 v38, v33;
	v43 =	vld [tilespmem:s20+$0x6E00];
	v48 =	vmul.f32 v48, v34;
	v40 =	vadd.f32 v50, v40;
	[tilespmem:s20+$0x1210] =	vst v42  }
0x11f: {  	v37 =	vmul.f32 v37, v33;
	v42 =	vld [tilespmem:s20+$0x6A70];
	v47 =	vmul.f32 v47, v34;
	v39 =	vadd.f32 v49, v39;
	[tilespmem:s20+$0x1200] =	vst v41  }
0x120: {  	v36 =	vmul.f32 v36, v33;
	v41 =	vld [tilespmem:s20+$0x6A60];
	v46 =	vmul.f32 v46, v34;
	v38 =	vadd.f32 v48, v38;
	[tilespmem:s20+$0xE70] =	vst v40  }
0x121: {  	v35 =	vmul.f32 v35, v33;
	v40 =	vld [tilespmem:s20+$0x6A50];
	v45 =	vmul.f32 v45, v34;
	v37 =	vadd.f32 v47, v37;
	[tilespmem:s20+$0xE60] =	vst v39  }
0x122: {  	v32 =	vmul.f32 v32, v33;
	v39 =	vld [tilespmem:s20+$0x6A40];
	v44 =	vmul.f32 v44, v34;
	v36 =	vadd.f32 v46, v36;
	[tilespmem:s20+$0xE50] =	vst v38  }
0x123: {  	v31 =	vmul.f32 v31, v33;
	v38 =	vld [tilespmem:s20+$0x6A30];
	v43 =	vmul.f32 v43, v34;
	v35 =	vadd.f32 v45, v35;
	[tilespmem:s20+$0xE40] =	vst v37  }
0x124: {  	v30 =	vmul.f32 v30, v33;
	v37 =	vld [tilespmem:s20+$0x6A20];
	v42 =	vmul.f32 v42, v34;
	v32 =	vadd.f32 v44, v32;
	[tilespmem:s20+$0xE30] =	vst v36  }
0x125: {  	v29 =	vmul.f32 v29, v33;
	v36 =	vld [tilespmem:s20+$0x6A10];
	v41 =	vmul.f32 v41, v34;
	v31 =	vadd.f32 v43, v31;
	[tilespmem:s20+$0xE20] =	vst v35  }
0x126: {  	v28 =	vmul.f32 v28, v33;
	v35 =	vld [tilespmem:s20+$0x6A00];
	v40 =	vmul.f32 v40, v34;
	v30 =	vadd.f32 v42, v30;
	[tilespmem:s20+$0xE10] =	vst v32  }
0x127: {  	v27 =	vmul.f32 v27, v33;
	v32 =	vld [tilespmem:s20+$0x6670];
	v39 =	vmul.f32 v39, v34;
	v29 =	vadd.f32 v41, v29;
	[tilespmem:s20+$0xE00] =	vst v31  }
0x128: {  	v26 =	vmul.f32 v26, v33;
	v31 =	vld [tilespmem:s20+$0x6660];
	v38 =	vmul.f32 v38, v34;
	v28 =	vadd.f32 v40, v28;
	[tilespmem:s20+$0xA70] =	vst v30  }
0x129: {  	v25 =	vmul.f32 v25, v33;
	v30 =	vld [tilespmem:s20+$0x6650];
	v37 =	vmul.f32 v37, v34;
	v27 =	vadd.f32 v39, v27;
	[tilespmem:s20+$0xA60] =	vst v29  }
0x12a: {  	v24 =	vmul.f32 v24, v33;
	v29 =	vld [tilespmem:s20+$0x6640];
	v36 =	vmul.f32 v36, v34;
	v26 =	vadd.f32 v38, v26;
	[tilespmem:s20+$0xA50] =	vst v28  }
0x12b: {  	v23 =	vmul.f32 v23, v33;
	v28 =	vld [tilespmem:s20+$0x6630];
	v35 =	vmul.f32 v35, v34;
	v25 =	vadd.f32 v37, v25;
	[tilespmem:s20+$0xA40] =	vst v27  }
0x12c: {  	v22 =	vmul.f32 v22, v33;
	v27 =	vld [tilespmem:s20+$0x6620];
	v32 =	vmul.f32 v32, v34;
	v24 =	vadd.f32 v36, v24;
	[tilespmem:s20+$0xA30] =	vst v26  }
0x12d: {  	v21 =	vmul.f32 v21, v33;
	v26 =	vld [tilespmem:s20+$0x6610];
	v31 =	vmul.f32 v31, v34;
	v23 =	vadd.f32 v35, v23;
	[tilespmem:s20+$0xA20] =	vst v25  }
0x12e: {  	v20 =	vmul.f32 v20, v33;
	v25 =	vld [tilespmem:s20+$0x6600];
	v30 =	vmul.f32 v30, v34;
	v22 =	vadd.f32 v32, v22;
	[tilespmem:s20+$0xA10] =	vst v24  }
0x12f: {  	v19 =	vmul.f32 v19, v33;
	v24 =	vld [tilespmem:s20+$0x6270];
	v29 =	vmul.f32 v29, v34;
	v21 =	vadd.f32 v31, v21;
	[tilespmem:s20+$0xA00] =	vst v23  }
0x130: {  	v18 =	vmul.f32 v18, v33;
	v23 =	vld [tilespmem:s20+$0x6260];
	v28 =	vmul.f32 v28, v34;
	v20 =	vadd.f32 v30, v20;
	[tilespmem:s20+$0x670] =	vst v22  }
0x131: {  	v17 =	vmul.f32 v17, v33;
	v22 =	vld [tilespmem:s20+$0x6250];
	v27 =	vmul.f32 v27, v34;
	v19 =	vadd.f32 v29, v19;
	[tilespmem:s20+$0x660] =	vst v21  }
0x132: {  	v16 =	vmul.f32 v16, v33;
	v21 =	vmul.f32 v26, v34;
	v18 =	vadd.f32 v28, v18;
	[tilespmem:s20+$0x650] =	vst v20;
	v20 =	vld [tilespmem:s20+$0x7640]  }
0x133: {  	v15 =	vmul.f32 v15, v33;
	v25 =	vmul.f32 v25, v34;
	v17 =	vadd.f32 v27, v17;
	[tilespmem:s20+$0x640] =	vst v19;
	v19 =	vld [tilespmem:s20+$0x7650]  }
0x134: {  	v14 =	vmul.f32 v14, v33;
	v24 =	vmul.f32 v24, v34;
	v16 =	vadd.f32 v21, v16;
	[tilespmem:s20+$0x630] =	vst v18;
	v18 =	vld [tilespmem:s20+$0x7660]  }
0x135: {  	v13 =	vmul.f32 v13, v33;
	v21 =	vmul.f32 v23, v34;
	v15 =	vadd.f32 v25, v15;
	[tilespmem:s20+$0x620] =	vst v17;
	v17 =	vld [tilespmem:s20+$0x7670]  }
0x136: {  	v12 =	vmul.f32 v12, v33;
	v22 =	vmul.f32 v22, v34;
	v14 =	vadd.f32 v24, v14;
	[tilespmem:s20+$0x610] =	vst v16;
	v16 =	vld [tilespmem:s20+$0x1640]  }
0x137: {  	v10 =	vmul.f32 v10, v33;
	v11 =	vmul.f32 v11, v34;
	v13 =	vadd.f32 v21, v13;
	[tilespmem:s20+$0x600] =	vst v15;
	v15 =	vld [tilespmem:s20+$0x1650]  }
0x138: {  	v8 =	vmul.f32 v8, v33;
	v9 =	vmul.f32 v9, v34;
	v12 =	vadd.f32 v22, v12;
	[tilespmem:s20+$0x270] =	vst v14;
	v14 =	vld [tilespmem:s20+$0x1660]  }
0x139: {  	v6 =	vmul.f32 v6, v33;
	v7 =	vmul.f32 v7, v34;
	v10 =	vadd.f32 v11, v10;
	[tilespmem:s20+$0x260] =	vst v13;
	v11 =	vld [tilespmem:s20+$0x1670]  }
0x13a: {  	s25 =	sshrl.u32 s24, $0x3;
	v4 =	vmul.f32 v4, v33;
	v5 =	vmul.f32 v5, v34;
	v8 =	vadd.f32 v9, v8;
	v13 =	vld [tilespmem:s20+$0x200];
	[tilespmem:s20+$0x250] =	vst v12  }
0x13b: {  	s22 =	sadd.s32 $0x80, s22;
	s25 =	smul.u32 $0x1800, s25;
	v6 =	vadd.f32 v7, v6;
	v9 =	vmul.f32 v20, v34;
	[tilespmem:s20+$0x240] =	vst v10;
	v7 =	vmul.f32 v16, v33  }
0x13c: {  	s26 =	sand.u32 $0x380, s22;
	v4 =	vadd.f32 v5, v4;
	[tilespmem:s20+$0x230] =	vst v8;
	v5 =	vmul.f32 v15, v33;
	v8 =	vmul.f32 v19, v34  }
0x13d: {  	s25 =	sor.u32 s26, s25;
	[tilespmem:s20+$0x220] =	vst v6;
	v6 =	vadd.f32 v9, v7;
	v7 =	vmul.f32 v14, v33;
	v9 =	vmul.f32 v18, v34  }
0x13e: {  	v12 =	vmul.f32 v17, v34;
	v10 =	vld [tilespmem:s25+$0x6200];
	[tilespmem:s20+$0x210] =	vst v4;
	v8 =	vadd.f32 v8, v5;
	v11 =	vmul.f32 v11, v33  }
0x13f: {  	v3 =	vmul.f32 v3, v34;
	v4 =	vld [tilespmem:s25+$0x210];
	v13 =	vmul.f32 v13, v33;
	[tilespmem:s20+$0x1640] =	vst v6;
	v7 =	vadd.f32 v9, v7  }
0x140: {  	v5 =	vld [tilespmem:s25+$0x6210];
	[tilespmem:s20+$0x1650] =	vst v8;
	v8 =	vadd.f32 v12, v11  }
0x141: {  	v6 =	vld [tilespmem:s25+$0x220];
	v9 =	vadd.f32 v3, v13;
	[tilespmem:s20+$0x1660] =	vst v7  }
0x142: {  	v7 =	vld [tilespmem:s25+$0x6220];
	[tilespmem:s20+$0x1670] =	vst v8  }
0x143: {  	v8 =	vld [tilespmem:s25+$0x230];
	[tilespmem:s20+$0x200] =	vst v9;
	v3 =	vmov v10;
	s20 =	smov.u32 s25  }
0x144: {  	v9 =	vld [tilespmem:s20+$0x6230]  }
0x145: {  	v10 =	vld [tilespmem:s20+$0x240]  }
0x146: {  	v11 =	vld [tilespmem:s20+$0x6240]  }
0x147: {  	v12 =	vld [tilespmem:s20+$0x250]  }
0x148: {  	v13 =	vld [tilespmem:s20+$0x260]  }
0x149: {  	v14 =	vld [tilespmem:s20+$0x270]  }
0x14a: {  	v15 =	vld [tilespmem:s20+$0x600]  }
0x14b: {  	v16 =	vld [tilespmem:s20+$0x610]  }
0x14c: {  	v17 =	vld [tilespmem:s20+$0x620]  }
0x14d: {  	v18 =	vld [tilespmem:s20+$0x630]  }
0x14e: {  	v19 =	vld [tilespmem:s20+$0x640]  }
0x14f: {  	v20 =	vld [tilespmem:s20+$0x650]  }
0x150: {  	v21 =	vld [tilespmem:s20+$0x660]  }
0x151: {  	v22 =	vld [tilespmem:s20+$0x670]  }
0x152: {  	v23 =	vld [tilespmem:s20+$0xA00]  }
0x153: {  	v24 =	vld [tilespmem:s20+$0xA10]  }
0x154: {  	v25 =	vld [tilespmem:s20+$0xA20]  }
0x155: {  	v26 =	vld [tilespmem:s20+$0xA30]  }
0x156: {  	v27 =	vld [tilespmem:s20+$0xA40]  }
0x157: {  	v28 =	vld [tilespmem:s20+$0xA50]  }
0x158: {  	v29 =	vld [tilespmem:s20+$0xA60]  }
0x159: {  	v30 =	vld [tilespmem:s20+$0xA70]  }
0x15a: {  	v31 =	vld [tilespmem:s20+$0xE00]  }
0x15b: {  	v32 =	vld [tilespmem:s20+$0xE10]  }
0x15c: {  	v35 =	vld [tilespmem:s20+$0xE20]  }
0x15d: {  	v36 =	vld [tilespmem:s20+$0xE30]  }
0x15e: {  	v37 =	vld [tilespmem:s20+$0xE40]  }
0x15f: {  	v38 =	vld [tilespmem:s20+$0xE50]  }
0x160: {  	v39 =	vld [tilespmem:s20+$0xE60]  }
0x161: {  	v40 =	vld [tilespmem:s20+$0xE70]  }
0x162: {  	v41 =	vld [tilespmem:s20+$0x1200]  }
0x163: {  	v42 =	vld [tilespmem:s20+$0x1210]  }
0x164: {  	v43 =	vld [tilespmem:s20+$0x1220]  }
0x165: {  	v44 =	vld [tilespmem:s20+$0x1230]  }
0x166: {  	v45 =	vld [tilespmem:s20+$0x1240]  }
0x167: {  	v46 =	vld [tilespmem:s20+$0x1250]  }
.Ltmp0:
0x168: {  	v47 =	vld [tilespmem:s20+$0x1260];
	(pc) =	sbr.rel @p1 .LBB2_3-.Ltmp0, $4  }
0x169: {  	v48 =	vld [tilespmem:s20+$0x1270]  }
0x16a: {  	v49 =	vld [tilespmem:s20+$0x1600]  }
0x16b: {  	v50 =	vld [tilespmem:s20+$0x1610]  }
0x16c: {  	s24 =	sadd.s32 $0x1, s24;
	s23 =	sadd.s32 $0x1, s23;
	v51 =	vld [tilespmem:s20+$0x7620]  }
0x16d: {  	v33 =	vld.msk [tilespmem:s23+$0x0], $0x1  }
0x16e: {  	s21 =	sadd.s32 $0x1, s21;
	v53 =	vld [tilespmem:s20+$0x1630]  }
0x16f: {  	v34 =	vld.msk [tilespmem:s21+$0x0], $0x1  }
0x170: {  	v54 =	vld [tilespmem:s20+$0x1620]  }
0x171: {  	v52 =	vld [tilespmem:s20+$0x7630];
	_ =	sdelay $0x1  }
0x172: {  	v55 =	vld [tilespmem:s20+$0x7610];
	v33 =	vbroadcast v33, $0x0  }
0x173: {  	v56 =	vld [tilespmem:s20+$0x7600];
	v34 =	vbroadcast v34, $0x0  }
0x174: {  	v57 =	vld [tilespmem:s20+$0x7270];
	v53 =	vmul.f32 v53, v33;
	v54 =	vmul.f32 v54, v33  }
0x175: {  	v58 =	vld [tilespmem:s20+$0x7260];
	v50 =	vmul.f32 v50, v33;
	v52 =	vmul.f32 v52, v34  }
0x176: {  	v59 =	vld [tilespmem:s20+$0x7250];
	v49 =	vmul.f32 v49, v33;
	v51 =	vmul.f32 v51, v34  }
0x177: {  	v60 =	vld [tilespmem:s20+$0x7240];
	v48 =	vmul.f32 v48, v33;
	v62 =	vmul.f32 v55, v34;
	v52 =	vadd.f32 v52, v53  }
0x178: {  	v61 =	vld [tilespmem:s20+$0x7220];
	v47 =	vmul.f32 v47, v33;
	v63 =	vmul.f32 v56, v34;
	v51 =	vadd.f32 v51, v54  }
0x179: {  	v10 =	vmul.f32 v10, v33;
	v57 =	vmul.f32 v57, v34;
	v55 =	vld [tilespmem:s20+$0x6650];
	v50 =	vadd.f32 v62, v50;
	[tilespmem:s20+$0x1630] =	vst v52  }
0x17a: {  	v8 =	vmul.f32 v8, v33;
	v58 =	vmul.f32 v58, v34;
	v56 =	vld [tilespmem:s20+$0x6640];
	v49 =	vadd.f32 v63, v49;
	[tilespmem:s20+$0x1620] =	vst v51  }
0x17b: {  	v6 =	vmul.f32 v6, v33;
	v11 =	vmul.f32 v11, v34;
	v53 =	vld [tilespmem:s20+$0x7230];
	v48 =	vadd.f32 v57, v48;
	[tilespmem:s20+$0x1610] =	vst v50  }
0x17c: {  	v4 =	vmul.f32 v4, v33;
	v9 =	vmul.f32 v9, v34;
	v47 =	vadd.f32 v58, v47;
	v58 =	vld [tilespmem:s20+$0x6E20];
	[tilespmem:s20+$0x1600] =	vst v49  }
0x17d: {  	v7 =	vmul.f32 v7, v34;
	v62 =	vmul.f32 v59, v34;
	v59 =	vld [tilespmem:s20+$0x6E10];
	v10 =	vadd.f32 v11, v10;
	[tilespmem:s20+$0x1270] =	vst v48  }
0x17e: {  	v5 =	vmul.f32 v5, v34;
	v63 =	vmul.f32 v60, v34;
	v60 =	vld [tilespmem:s20+$0x6E00];
	v8 =	vadd.f32 v9, v8;
	[tilespmem:s20+$0x1260] =	vst v47  }
0x17f: {  	v45 =	vmul.f32 v45, v33;
	v57 =	vmul.f32 v61, v34;
	v61 =	vld [tilespmem:s20+$0x6A70];
	v6 =	vadd.f32 v7, v6;
	[tilespmem:s20+$0x240] =	vst v10  }
0x180: {  	v46 =	vmul.f32 v46, v33;
	v43 =	vmul.f32 v43, v33;
	v4 =	vadd.f32 v5, v4;
	v52 =	vld [tilespmem:s20+$0x7210];
	[tilespmem:s20+$0x230] =	vst v8  }
0x181: {  	v44 =	vmul.f32 v44, v33;
	v42 =	vmul.f32 v42, v33;
	v51 =	vld [tilespmem:s20+$0x7200];
	v45 =	vadd.f32 v63, v45;
	[tilespmem:s20+$0x220] =	vst v6  }
0x182: {  	v41 =	vmul.f32 v41, v33;
	v50 =	vld [tilespmem:s20+$0x6E70];
	v43 =	vadd.f32 v57, v43;
	[tilespmem:s20+$0x210] =	vst v4;
	v53 =	vmul.f32 v53, v34  }
0x183: {  	v35 =	vmul.f32 v35, v33;
	v49 =	vld [tilespmem:s20+$0x6E60];
	v46 =	vadd.f32 v62, v46;
	[tilespmem:s20+$0x1240] =	vst v45;
	v45 =	vmul.f32 v58, v34  }
0x184: {  	v31 =	vmul.f32 v31, v33;
	v48 =	vld [tilespmem:s20+$0x6E50];
	[tilespmem:s20+$0x1220] =	vst v43;
	v43 =	vmul.f32 v60, v34;
	v44 =	vadd.f32 v53, v44  }
0x185: {  	v40 =	vmul.f32 v40, v33;
	v47 =	vld [tilespmem:s20+$0x6E40];
	[tilespmem:s20+$0x1250] =	vst v46;
	v52 =	vmul.f32 v52, v34;
	v35 =	vadd.f32 v45, v35  }
0x186: {  	v39 =	vmul.f32 v39, v33;
	v46 =	vld [tilespmem:s20+$0x6E30];
	v51 =	vmul.f32 v51, v34;
	v31 =	vadd.f32 v43, v31;
	[tilespmem:s20+$0x1230] =	vst v44  }
0x187: {  	v38 =	vmul.f32 v38, v33;
	v54 =	vld [tilespmem:s20+$0x6660];
	v50 =	vmul.f32 v50, v34;
	v42 =	vadd.f32 v52, v42;
	[tilespmem:s20+$0xE20] =	vst v35  }
0x188: {  	v37 =	vmul.f32 v37, v33;
	v62 =	vld [tilespmem:s20+$0x6A60];
	v49 =	vmul.f32 v49, v34;
	v41 =	vadd.f32 v51, v41;
	[tilespmem:s20+$0xE00] =	vst v31  }
0x189: {  	v36 =	vmul.f32 v36, v33;
	v63 =	vld [tilespmem:s20+$0x6A50];
	v48 =	vmul.f32 v48, v34;
	v40 =	vadd.f32 v50, v40;
	[tilespmem:s20+$0x1210] =	vst v42  }
0x18a: {  	v32 =	vmul.f32 v32, v33;
	v57 =	vld [tilespmem:s20+$0x6630];
	v47 =	vmul.f32 v47, v34;
	v39 =	vadd.f32 v49, v39;
	[tilespmem:s20+$0x1200] =	vst v41  }
0x18b: {  	v30 =	vmul.f32 v30, v33;
	v58 =	vld [tilespmem:s20+$0x6620];
	v38 =	vadd.f32 v48, v38;
	v46 =	vmul.f32 v46, v34;
	[tilespmem:s20+$0xE70] =	vst v40  }
0x18c: {  	v29 =	vmul.f32 v29, v33;
	v60 =	vld [tilespmem:s20+$0x6600];
	v37 =	vadd.f32 v47, v37;
	v44 =	vmul.f32 v59, v34;
	[tilespmem:s20+$0xE60] =	vst v39  }
0x18d: {  	v21 =	vmul.f32 v21, v33;
	v53 =	vld [tilespmem:s20+$0x6670];
	v31 =	vmul.f32 v54, v34;
	[tilespmem:s20+$0xE50] =	vst v38;
	v36 =	vadd.f32 v46, v36  }
0x18e: {  	v28 =	vmul.f32 v28, v33;
	v43 =	vld [tilespmem:s20+$0x7670];
	[tilespmem:s20+$0xE40] =	vst v37;
	v32 =	vadd.f32 v44, v32;
	v42 =	vmul.f32 v61, v34  }
0x18f: {  	v27 =	vmul.f32 v27, v33;
	v48 =	vld [tilespmem:s20+$0x6A40];
	v41 =	vmul.f32 v62, v34;
	v21 =	vadd.f32 v31, v21;
	[tilespmem:s20+$0xE30] =	vst v36  }
0x190: {  	v26 =	vmul.f32 v26, v33;
	v49 =	vld [tilespmem:s20+$0x6A30];
	v40 =	vmul.f32 v63, v34;
	[tilespmem:s20+$0xE10] =	vst v32;
	v30 =	vadd.f32 v42, v30  }
0x191: {  	v20 =	vmul.f32 v20, v33;
	v50 =	vld [tilespmem:s20+$0x6A20];
	v62 =	vmul.f32 v55, v34;
	v29 =	vadd.f32 v41, v29;
	[tilespmem:s20+$0x660] =	vst v21  }
0x192: {  	v19 =	vmul.f32 v19, v33;
	v51 =	vld [tilespmem:s20+$0x6A10];
	v31 =	vmul.f32 v56, v34;
	v28 =	vadd.f32 v40, v28;
	[tilespmem:s20+$0xA70] =	vst v30  }
0x193: {  	v22 =	vmul.f32 v22, v33;
	v52 =	vld [tilespmem:s20+$0x6A00];
	v32 =	vmul.f32 v53, v34;
	v20 =	vadd.f32 v62, v20;
	[tilespmem:s20+$0xA60] =	vst v29  }
0x194: {  	v15 =	vmul.f32 v15, v33;
	v45 =	vld [tilespmem:s20+$0x1640];
	v19 =	vadd.f32 v31, v19;
	v40 =	vmul.f32 v60, v34;
	[tilespmem:s20+$0xA50] =	vst v28  }
0x195: {  	v25 =	vmul.f32 v25, v33;
	v59 =	vld [tilespmem:s20+$0x6610];
	v39 =	vmul.f32 v48, v34;
	v22 =	vadd.f32 v32, v22;
	[tilespmem:s20+$0x650] =	vst v20  }
0x196: {  	v24 =	vmul.f32 v24, v33;
	v61 =	vld [tilespmem:s20+$0x6270];
	v38 =	vmul.f32 v49, v34;
	[tilespmem:s20+$0x640] =	vst v19;
	v15 =	vadd.f32 v40, v15  }
0x197: {  	v23 =	vmul.f32 v23, v33;
	v63 =	vld [tilespmem:s20+$0x6260];
	v37 =	vmul.f32 v50, v34;
	v27 =	vadd.f32 v39, v27;
	[tilespmem:s20+$0x670] =	vst v22  }
0x198: {  	v46 =	vld [tilespmem:s20+$0x1650];
	v36 =	vmul.f32 v51, v34;
	v35 =	vmul.f32 v52, v34;
	v26 =	vadd.f32 v38, v26;
	[tilespmem:s20+$0x600] =	vst v15  }
0x199: {  	v18 =	vmul.f32 v18, v33;
	v41 =	vld [tilespmem:s20+$0x7660];
	v25 =	vadd.f32 v37, v25;
	[tilespmem:s20+$0xA40] =	vst v27  }
0x19a: {  	v48 =	vld [tilespmem:s20+$0x1660];
	v24 =	vadd.f32 v36, v24;
	v23 =	vadd.f32 v35, v23;
	v35 =	vmul.f32 v57, v34;
	[tilespmem:s20+$0xA30] =	vst v26  }
0x19b: {  	v17 =	vmul.f32 v17, v33;
	v49 =	vld [tilespmem:s20+$0x1670];
	v37 =	vmul.f32 v58, v34;
	[tilespmem:s20+$0xA20] =	vst v25  }
0x19c: {  	v16 =	vmul.f32 v16, v33;
	v50 =	vld [tilespmem:s20+$0x200];
	v39 =	vmul.f32 v59, v34;
	[tilespmem:s20+$0xA10] =	vst v24;
	v18 =	vadd.f32 v35, v18  }
0x19d: {  	v14 =	vmul.f32 v14, v33;
	v32 =	vld [tilespmem:s20+$0x6250];
	v42 =	vmul.f32 v61, v34;
	[tilespmem:s20+$0xA00] =	vst v23;
	v17 =	vadd.f32 v37, v17  }
0x19e: {  	v13 =	vmul.f32 v13, v33;
	v36 =	vld [tilespmem:s20+$0x7640];
	v44 =	vmul.f32 v63, v34;
	v16 =	vadd.f32 v39, v16;
	[tilespmem:s20+$0x630] =	vst v18  }
0x19f: {  	v38 =	vld [tilespmem:s20+$0x7650];
	v14 =	vadd.f32 v42, v14;
	v57 =	vmul.f32 v41, v34;
	v56 =	vmul.f32 v48, v33;
	[tilespmem:s20+$0x620] =	vst v17  }
0x1a0: {  	v60 =	vmul.f32 v43, v34;
	v13 =	vadd.f32 v44, v13;
	v59 =	vmul.f32 v49, v33;
	[tilespmem:s20+$0x610] =	vst v16  }
0x1a1: {  	v3 =	vmul.f32 v3, v34;
	v61 =	vmul.f32 v50, v33;
	[tilespmem:s20+$0x270] =	vst v14;
	v62 =	vadd.f32 v57, v56  }
0x1a2: {  	v12 =	vmul.f32 v12, v33;
	v47 =	vmul.f32 v32, v34;
	[tilespmem:s20+$0x260] =	vst v13;
	v63 =	vadd.f32 v60, v59  }
0x1a3: {  	v51 =	vmul.f32 v45, v33;
	v52 =	vmul.f32 v36, v34;
	v3 =	vadd.f32 v3, v61;
	[tilespmem:s20+$0x1660] =	vst v62  }
0x1a4: {  	s19 =	sor.u32 s4, s19;
	v53 =	vmul.f32 v46, v33;
	v54 =	vmul.f32 v38, v34;
	v12 =	vadd.f32 v47, v12;
	[tilespmem:s20+$0x1670] =	vst v63  }
0x1a5: {  	s19 =	sshrl.u32 s19, $0x3;
	v55 =	vadd.f32 v52, v51;
	[tilespmem:s20+$0x200] =	vst v3  }
0x1a6: {  	s19 =	smul.u32 $0x300, s19;
	v58 =	vadd.f32 v54, v53;
	[tilespmem:s20+$0x250] =	vst v12  }
0x1a7: {  	s26 =	rddreg [dreg:$0x1];
	[tilespmem:s20+$0x1640] =	vst v55  }
.Ltmp1:
0x1a8: {  	s19 =	sadd.s32 s26, s19;
	[tilespmem:s20+$0x1650] =	vst v58;
	(pc) =	sbr.rel @p0 .LBB2_2-.Ltmp1, $4  }
0x1a9: {  	[hbm4b:s19+s3] =	stream.linear.scatter [tilespmem:s17], [sflag:$0x3], $0x6000, $0x38;
	[tilespmem:$0xC200] =	vst v63  }
0x1aa: {  	_ =	swait.ge [sflag:s13], $0x6000  }
0x1ab: {  	[sflag:s13] =	ssyncset.done $0x0  }
0x1ac: {  	p1 =	por $0x0, $0x0;
	s19 =	simm.s32 $0x20;
	[sflag:s13] =	ssyncadd.s32 $0xFFFFA000  }
0x1ad: {  	s20 =	rddreg [dreg:$0x8]  }
0x1ae: {  	s19 =	rddreg [dreg:$0x7];
	s20 =	sadd.s32 $0x1, s20  }
0x1af: {  	p0 =	sne.s32 s20, s19  }
.Ltmp2:
0x1b0: {  	_ = 	snop;
	(pc) =	sbr.rel @p0 .LBB2_1-.Ltmp2, $1  }
0x1b1: {  	_ =	sdelay $0x3  }
0x1b2: {  	_ =	sfence.sel $0x180000  }
0x1b3: {  	[bflag:$0x0] =	sbarrier.arrive $0xFFFF  }
0x1b4: {  	_ =	strace $0x9000004A  }
0x1b5: {  	s0 =	stileid.u32;
	[bflag:$0x2] =	sbarrier.arrive $0xFFFF  }
0x1b6: {  	p0 =	sne.s32 s0, $0x0;
	s0 =	rddreg [dreg:$0x2]  }
0x1b7: {  	s0 =	sadd.s32 @!p0 $0x100000, s0  }
0x1b8: {  	[sflag:s0] =	ssyncadd.tile.s32 @!p0 $0x1;
	_ =	shalt  }
.Lfunc_end2:
_tile_overlayer_lowered:
.L_overlay_start_2:
0x1b9: {  	(tag) =	ssettag $0x2  }
0x1ba: {  	s0 =	rddreg [dreg:$0x0];
	s2 =	stileid.u32  }
0x1bb: {  	s1 =	rddreg [dreg:$0x1];
	p0 =	sne.s32 s2, $0x0  }
0x1bc: {  	s3 =	rddreg [dreg:$0x2];
	[bflag:$0x3] =	sbarrier.arrive $0xFFFF;
	s2 =	simm.s32 @!p0 $0x1C03  }
0x1bd: {  	[timem:s3], [sflag:s2] =	dma.local @!p0 [hbm:s0], s1  }
0x1be: {  	s0 =	simm.s32 @!p0 $0x3  }
0x1bf: {  	_ =	swait.ge @!p0 [sflag:s0], s1  }
0x1c0: {  	s1 =	ssub.s32 @!p0 $0x0, s1;
	[sflag:s0] =	ssyncset.done @!p0 $0x0  }
0x1c1: {  	[sflag:s0] =	ssyncadd.s32 @!p0 s1  }
0x1c2: {  	[bflag:$0x3] =	sbarrier.arrive $0xFFFF  }
0x1c3: {  	_ =	shalt  }

</sc_bundles>
